<compile_context>
chip_gen: v7x
topology: tpu7x:2x2x1
jax: 0.10.2.dev20260603
libtpu: 0.0.44.dev20260713+nightly
codegen_flags: <defaults>
</compile_context>

<pallas_src>
import functools

import jax
import jax.numpy as jnp
from jax import lax
from jax.experimental import pallas as pl
from jax.experimental.pallas import tpu as pltpu
from jax.experimental.pallas import tpu_sc as plsc

LANES = 16
NC = 2
NS = 16
NW = NC * NS


@functools.lru_cache(maxsize=None)
def _build(n, v_rows, d):
    pad = v_rows - 1
    start = v_rows
    per_w = n // NW
    c_rows = 1280
    KSTR = 4
    n_chunks = per_w // c_rows
    assert n_chunks % 2 == 0 and per_w % c_rows == 0
    mesh = plsc.VectorSubcoreMesh(core_axis_name="c", subcore_axis_name="s")

    @functools.partial(
        pl.kernel,
        mesh=mesh,
        out_type=jax.ShapeDtypeStruct((n, d), jnp.float32),
        compiler_params=pltpu.CompilerParams(use_tc_tiling_on_sc=False),
        scratch_types=[
            pltpu.VMEM((2, c_rows), jnp.int32),
            pltpu.VMEM((2, c_rows), jnp.int32),
            pltpu.VMEM((2, c_rows, d), jnp.float32),
            pltpu.VMEM((2, d), jnp.float32),
            pltpu.SemaphoreType.DMA,
            pltpu.SemaphoreType.DMA,
            pltpu.SemaphoreType.DMA,
            pltpu.SemaphoreType.DMA,
        ],
    )
    def body(idx_hbm, table_hbm, beg_hbm, out_hbm, idx_raw, idx_safe, rows,
             beg_v, gsem0, gsem1, wsem0, wsem1):
        gsem = (gsem0, gsem1)
        wsem = (wsem0, wsem1)
        wid = lax.axis_index("s") * NC + lax.axis_index("c")
        base = wid * per_w
        pltpu.sync_copy(beg_hbm, beg_v)

        def prep(gl, b):
            gc = jnp.minimum(gl, n_chunks - 1)
            off = base + gc * c_rows
            pltpu.sync_copy(idx_hbm.at[pl.ds(off, c_rows)], idx_raw.at[b])

            def remap(i, macc):
                v = idx_raw[b, pl.ds(i * LANES, LANES)]
                safe = jnp.minimum(v, pad)
                idx_safe[b, pl.ds(i * LANES, LANES)] = safe
                pltpu.async_copy(table_hbm.at[safe],
                                 rows.at[b, pl.ds(i * LANES, LANES)],
                                 gsem[b])
                return jnp.maximum(macc, v)

            macc = lax.fori_loop(0, c_rows // LANES, remap,
                                 jnp.zeros((LANES,), jnp.int32))
            mxs = macc[0]
            for k in range(1, LANES):
                mxs = jnp.maximum(mxs, macc[k])
            return mxs

        def fixup(b, mxs):
            @pl.when(mxs >= start)
            def _fix():
                b0 = [beg_v[0, pl.ds(k * LANES, LANES)]
                      for k in range(d // LANES)]
                b1 = [beg_v[1, pl.ds(k * LANES, LANES)]
                      for k in range(d // LANES)]

                def fv(j, c2):
                    vraw = idx_raw[b, pl.ds(j * LANES, LANES)]
                    for lane in range(LANES):
                        sv = vraw[lane]
                        r = j * LANES + lane

                        @pl.when(sv == start)
                        def _s(r=r):
                            for k in range(d // LANES):
                                rows[b, r, pl.ds(k * LANES, LANES)] = b0[k]

                        @pl.when(sv == start + 1)
                        def _e(r=r):
                            for k in range(d // LANES):
                                rows[b, r, pl.ds(k * LANES, LANES)] = b1[k]
                    return c2

                lax.fori_loop(0, c_rows // LANES, fv, 0)

        mx0 = prep(0, 0)

        @pl.loop(0, n_chunks, step=2, init_carry=mx0)
        def _pipe(g, mx_cur):
            for b in range(2):
                gl = g + b
                nb = 1 - b

                @pl.when(gl > 0)
                def _drain(gl=gl, nb=nb):
                    off_prev = base + (gl - 1) * c_rows
                    pltpu.make_async_copy(
                        rows.at[nb], out_hbm.at[pl.ds(off_prev, c_rows)],
                        wsem[nb]).wait()

                mx_next = prep(gl + 1, nb)
                pltpu.make_async_copy(table_hbm.at[pl.ds(0, c_rows)],
                                      rows.at[b], gsem[b]).wait()
                fixup(b, mx_cur)
                off = base + gl * c_rows
                pltpu.async_copy(rows.at[b],
                                 out_hbm.at[pl.ds(off, c_rows)], wsem[b])
                mx_cur = mx_next
            return mx_cur

        pltpu.make_async_copy(table_hbm.at[pl.ds(0, c_rows)],
                              rows.at[0], gsem[0]).wait()
        off_last = base + (n_chunks - 1) * c_rows
        pltpu.make_async_copy(rows.at[1],
                              out_hbm.at[pl.ds(off_last, c_rows)],
                              wsem[1]).wait()

    return body


def kernel(idxes, table, beg_end):
    b, h = idxes.shape
    v_rows, d = table.shape
    n = b * h
    flat = idxes.reshape(n)
    out = _build(n, v_rows, d)(flat, table, beg_end)
    return out.reshape(b, h, d)

# --- scband reference (transcript-rebuilt; emitter-appended) ---
"""Pipeline reference for scband-glove-limited-embedding-16389595201579 (READ-ONLY COPY).

The authoritative reference and input builder live on the scoring server;
editing this copy changes nothing except your own understanding.
"""

import jax, jax.numpy as jnp
import numpy as np

TOTAL = 1000000
NUM_EMB = TOTAL - 2          # nn.Embedding(total_embeddings - 2, dim)
PAD = NUM_EMB - 1            # padding_idx=-1 resolves to num_embeddings-1
START = NUM_EMB              # start_idx = embeddings.weight.shape[0]
END = NUM_EMB + 1            # end_idx = start_idx + 1
DIM = 32
BATCH = 4096
HIST = 200


def setup_inputs(seed: int = 0) -> dict:
    key = jax.random.key(seed)
    k1, k2, k3 = jax.random.split(key, 3)
    idxes = jax.random.randint(k1, (BATCH, HIST), 0, TOTAL, dtype=jnp.int32)
    table = jax.random.normal(k2, (NUM_EMB, DIM), dtype=jnp.float32)
    # nn.Embedding zeroes the padding row at init
    table = table.at[PAD].set(0.0)
    beg_end = jax.random.normal(k3, (2, DIM), dtype=jnp.float32)
    return {"idxes": idxes, "table": table, "beg_end": beg_end}


def reference(idxes, table, beg_end):
    start_mask = idxes == START
    end_mask = idxes == END
    # idxes[start|end] = padding_idx
    safe_idx = jnp.where(start_mask | end_mask, PAD, idxes)
    emb = jnp.take(table, safe_idx, axis=0)
    # overwrite start/end positions with learned beg/end embeddings
    emb = jnp.where(start_mask[..., None], beg_end[0], emb)
    emb = jnp.where(end_mask[..., None], beg_end[1], emb)
    return emb

if __name__ == "__main__":
    import jax
    _d = setup_inputs()
    print(jax.jit(kernel)(*tuple(_d.values())))

</pallas_src>

<mosaic_0001>
#map = affine_map<(d0, d1) -> (0)>
#map1 = affine_map<(d0, d1) -> (0, 0)>
module attributes {stable_mosaic.version = 14 : i64} {
  func.func @body(%arg0: i32, %arg1: i32, %arg2: memref<819200xi32, #tpu.memory_space<hbm>>, %arg3: memref<999998x32xf32, #tpu.memory_space<hbm>>, %arg4: memref<2x32xf32, #tpu.memory_space<hbm>>, %arg5: memref<819200x32xf32, #tpu.memory_space<hbm>>, %arg6: memref<2x1280xi32, #tpu.memory_space<vmem>>, %arg7: memref<2x1280xi32, #tpu.memory_space<vmem>>, %arg8: memref<2x1280x32xf32, #tpu.memory_space<vmem>>, %arg9: memref<2x32xf32, #tpu.memory_space<vmem>>, %arg10: memref<!tpu.dma_semaphore, #tpu.memory_space<semaphore_mem>>, %arg11: memref<!tpu.dma_semaphore, #tpu.memory_space<semaphore_mem>>, %arg12: memref<!tpu.dma_semaphore, #tpu.memory_space<semaphore_mem>>, %arg13: memref<!tpu.dma_semaphore, #tpu.memory_space<semaphore_mem>>) attributes {dimension_semantics = [#tpu.dimension_semantics<core_parallel>, #tpu.dimension_semantics<subcore_parallel>], iteration_bounds = array<i64: 2, 16>, scalar_prefetch = 0 : i64, scratch_operands = 8 : i64, tpu.core_type = #tpu.core_type<sc_vector_subcore>, window_params = [{transform_indices = #map}, {transform_indices = #map1}, {transform_indices = #map1}, {transform_indices = #map1}]} {
    %mul3A = arith.constant 2 : i32
    %mul3A_0 = arith.muli %arg1, %mul3A : i32
    %add3A = arith.addi %mul3A_0, %arg0 : i32
    %mul3A_1 = arith.constant 25600 : i32
    %mul3A_2 = arith.muli %add3A, %mul3A_1 : i32
    "tpu.region"() ({
      %run_scoped3A_93 = tpu.sem_alloc : memref<!tpu.dma_semaphore, #tpu.memory_space<semaphore_mem>>
      tpu.enqueue_dma source(%arg4 : memref<2x32xf32, #tpu.memory_space<hbm>>) target(%arg9 : memref<2x32xf32, #tpu.memory_space<vmem>>) target_semaphore(%run_scoped3A_93 : memref<!tpu.dma_semaphore, #tpu.memory_space<semaphore_mem>>)
      tpu.wait_dma2 semaphore(%run_scoped3A_93 : memref<!tpu.dma_semaphore, #tpu.memory_space<semaphore_mem>>) src(%arg4 : memref<2x32xf32, #tpu.memory_space<hbm>>) dst(%arg9 : memref<2x32xf32, #tpu.memory_space<vmem>>)
      tpu.yield
    }) : () -> ()
    %min3A = arith.constant 0 : i32
    %min3A_3 = arith.constant 19 : i32
    %min3A_4 = arith.minsi %min3A, %min3A_3 : i32
    %mul3A_5 = arith.constant 1280 : i32
    %mul3A_6 = arith.muli %min3A_4, %mul3A_5 : i32
    %add3A_7 = arith.addi %mul3A_2, %mul3A_6 : i32
    %run_scoped3A = arith.constant 0 : i32
    "tpu.region"() ({
      %run_scoped3A_93 = tpu.sem_alloc : memref<!tpu.dma_semaphore, #tpu.memory_space<semaphore_mem>>
      %dma_start3A = arith.constant 0 : i32
      %dma_start3A_94 = tpu.memref_slice %arg6[%run_scoped3A, %dma_start3A] : memref<2x1280xi32, #tpu.memory_space<vmem>> -> memref<1x1280xi32, #tpu.memory_space<vmem>>
      %dma_start3A_95 = tpu.memref_squeeze %dma_start3A_94 : memref<1x1280xi32, #tpu.memory_space<vmem>> -> memref<1280xi32, #tpu.memory_space<vmem>>
      %dma_start3A_96 = tpu.memref_slice %arg2[%add3A_7] : memref<819200xi32, #tpu.memory_space<hbm>> -> memref<1280xi32, #tpu.memory_space<hbm>>
      %dma_start3A_97 = arith.constant 0 : i32
      %dma_start3A_98 = tpu.memref_slice %arg6[%run_scoped3A, %dma_start3A_97] : memref<2x1280xi32, #tpu.memory_space<vmem>> -> memref<1x1280xi32, #tpu.memory_space<vmem>>
      %dma_start3A_99 = tpu.memref_squeeze %dma_start3A_98 : memref<1x1280xi32, #tpu.memory_space<vmem>> -> memref<1280xi32, #tpu.memory_space<vmem>>
      %dma_start3A_100 = tpu.memref_slice %arg2[%add3A_7] : memref<819200xi32, #tpu.memory_space<hbm>> -> memref<1280xi32, #tpu.memory_space<hbm>>
      tpu.enqueue_dma source(%dma_start3A_100 : memref<1280xi32, #tpu.memory_space<hbm>>) target(%dma_start3A_99 : memref<1280xi32, #tpu.memory_space<vmem>>) target_semaphore(%run_scoped3A_93 : memref<!tpu.dma_semaphore, #tpu.memory_space<semaphore_mem>>)
      %dma_wait3A_101 = arith.constant 0 : i32
      %dma_wait3A_102 = tpu.memref_slice %arg6[%run_scoped3A, %dma_wait3A_101] : memref<2x1280xi32, #tpu.memory_space<vmem>> -> memref<1x1280xi32, #tpu.memory_space<vmem>>
      %dma_wait3A_103 = tpu.memref_squeeze %dma_wait3A_102 : memref<1x1280xi32, #tpu.memory_space<vmem>> -> memref<1280xi32, #tpu.memory_space<vmem>>
      %dma_wait3A_104 = tpu.memref_slice %arg2[%add3A_7] : memref<819200xi32, #tpu.memory_space<hbm>> -> memref<1280xi32, #tpu.memory_space<hbm>>
      %dma_wait3A_105 = arith.constant 0 : i32
      %dma_wait3A_106 = tpu.memref_slice %arg6[%run_scoped3A, %dma_wait3A_105] : memref<2x1280xi32, #tpu.memory_space<vmem>> -> memref<1x1280xi32, #tpu.memory_space<vmem>>
      %dma_wait3A_107 = tpu.memref_squeeze %dma_wait3A_106 : memref<1x1280xi32, #tpu.memory_space<vmem>> -> memref<1280xi32, #tpu.memory_space<vmem>>
      %dma_wait3A_108 = tpu.memref_slice %arg2[%add3A_7] : memref<819200xi32, #tpu.memory_space<hbm>> -> memref<1280xi32, #tpu.memory_space<hbm>>
      tpu.wait_dma2 semaphore(%run_scoped3A_93 : memref<!tpu.dma_semaphore, #tpu.memory_space<semaphore_mem>>) src(%dma_wait3A_108 : memref<1280xi32, #tpu.memory_space<hbm>>) dst(%dma_wait3A_107 : memref<1280xi32, #tpu.memory_space<vmem>>)
      tpu.yield
    }) : () -> ()
    %broadcast_in_dim3A = arith.constant 0 : i32
    %broadcast_in_dim3A_8 = vector.broadcast %broadcast_in_dim3A : i32 to vector<16xi32>
    %scan3A = arith.constant 0 : i32
    %scan3A_9 = arith.constant 80 : i32
    %scan3A_10 = arith.addi %scan3A, %scan3A_9 : i32
    %scan3A_11 = arith.constant 1 : i32
    %scan3A_12 = scf.for %scan3A_93 = %scan3A to %scan3A_10 step %scan3A_11 iter_args(%scan3A_94 = %broadcast_in_dim3A_8) -> (vector<16xi32>)  : i32 {
      %mul3A_95 = arith.constant 16 : i32
      %mul3A_96 = arith.muli %scan3A_93, %mul3A_95 : i32
      %get3A = arith.constant 0 : i32
      %get3A_97 = arith.index_cast %get3A : i32 to index
      %get3A_98 = arith.index_cast %mul3A_96 : i32 to index
      %get3A_99 = tpu.vector_load %arg6[%get3A_97, %get3A_98] {strides = array<i32>} : memref<2x1280xi32, #tpu.memory_space<vmem>>, vector<1x16xi32>,
      %get3A_100 = vector.shape_cast %get3A_99 : vector<1x16xi32> to vector<16xi32>
      %min3A_101 = arith.constant 999997 : i32
      %min3A_102 = vector.broadcast %min3A_101 : i32 to vector<16xi32>
      %min3A_103 = arith.minsi %get3A_100, %min3A_102 : vector<16xi32>
      %mul3A_104 = arith.constant 16 : i32
      %mul3A_105 = arith.muli %scan3A_93, %mul3A_104 : i32
      %swap3A = arith.constant 0 : i32
      %swap3A_106 = arith.index_cast %swap3A : i32 to index
      %swap3A_107 = arith.index_cast %mul3A_105 : i32 to index
      %swap3A_108 = tpu.vector_load %arg7[%swap3A_106, %swap3A_107] {strides = array<i32>} : memref<2x1280xi32, #tpu.memory_space<vmem>>, vector<1x16xi32>,
      %swap3A_109 = vector.shape_cast %swap3A_108 : vector<1x16xi32> to vector<16xi32>
      %swap3A_110 = vector.shape_cast %min3A_103 : vector<16xi32> to vector<1x16xi32>
      tpu.vector_store %arg7[%swap3A_106, %swap3A_107], %swap3A_110 {strides = array<i32>} : memref<2x1280xi32, #tpu.memory_space<vmem>>, vector<1x16xi32>,
      %mul3A_111 = arith.constant 16 : i32
      %mul3A_112 = arith.muli %scan3A_93, %mul3A_111 : i32
      %dma_start3A = arith.constant 0 : i32
      %dma_start3A_113 = arith.constant 0 : i32
      %dma_start3A_114 = tpu.memref_slice %arg8[%dma_start3A, %mul3A_112, %dma_start3A_113] : memref<2x1280x32xf32, #tpu.memory_space<vmem>> -> memref<1x16x32xf32, #tpu.memory_space<vmem>>
      %dma_start3A_115 = tpu.memref_squeeze %dma_start3A_114 : memref<1x16x32xf32, #tpu.memory_space<vmem>> -> memref<16x32xf32, #tpu.memory_space<vmem>>
      %dma_start3A_116 = arith.constant 0 : i32
      %dma_start3A_117 = arith.constant 0 : i32
      %dma_start3A_118 = tpu.memref_slice %arg3[%dma_start3A_116, %dma_start3A_117] : memref<999998x32xf32, #tpu.memory_space<hbm>> -> memref<999998x32xf32, #tpu.memory_space<hbm>>
      tpu.enqueue_indirect_dma source(%dma_start3A_118 : memref<999998x32xf32, #tpu.memory_space<hbm>>) target(%dma_start3A_115 : memref<16x32xf32, #tpu.memory_space<vmem>>) offsets(%min3A_103 : vector<16xi32>) semaphore(%arg10 : memref<!tpu.dma_semaphore, #tpu.memory_space<semaphore_mem>>)
      %max3A_119 = arith.maxsi %scan3A_94, %get3A_100 : vector<16xi32>
      scf.yield %max3A_119 : vector<16xi32>
    }
    %scan3A_13 = arith.constant 80 : i32
    %slice3A = vector.extract_strided_slice %scan3A_12 {offsets = [0], sizes = [1], strides = [1]} : vector<16xi32> to vector<1xi32>
    %squeeze3A = vector.extract %slice3A[0] : i32 from vector<1xi32>
    %slice3A_14 = vector.extract_strided_slice %scan3A_12 {offsets = [1], sizes = [1], strides = [1]} : vector<16xi32> to vector<1xi32>
    %squeeze3A_15 = vector.extract %slice3A_14[0] : i32 from vector<1xi32>
    %max3A = arith.maxsi %squeeze3A, %squeeze3A_15 : i32
    %slice3A_16 = vector.extract_strided_slice %scan3A_12 {offsets = [2], sizes = [1], strides = [1]} : vector<16xi32> to vector<1xi32>
    %squeeze3A_17 = vector.extract %slice3A_16[0] : i32 from vector<1xi32>
    %max3A_18 = arith.maxsi %max3A, %squeeze3A_17 : i32
    %slice3A_19 = vector.extract_strided_slice %scan3A_12 {offsets = [3], sizes = [1], strides = [1]} : vector<16xi32> to vector<1xi32>
    %squeeze3A_20 = vector.extract %slice3A_19[0] : i32 from vector<1xi32>
    %max3A_21 = arith.maxsi %max3A_18, %squeeze3A_20 : i32
    %slice3A_22 = vector.extract_strided_slice %scan3A_12 {offsets = [4], sizes = [1], strides = [1]} : vector<16xi32> to vector<1xi32>
    %squeeze3A_23 = vector.extract %slice3A_22[0] : i32 from vector<1xi32>
    %max3A_24 = arith.maxsi %max3A_21, %squeeze3A_23 : i32
    %slice3A_25 = vector.extract_strided_slice %scan3A_12 {offsets = [5], sizes = [1], strides = [1]} : vector<16xi32> to vector<1xi32>
    %squeeze3A_26 = vector.extract %slice3A_25[0] : i32 from vector<1xi32>
    %max3A_27 = arith.maxsi %max3A_24, %squeeze3A_26 : i32
    %slice3A_28 = vector.extract_strided_slice %scan3A_12 {offsets = [6], sizes = [1], strides = [1]} : vector<16xi32> to vector<1xi32>
    %squeeze3A_29 = vector.extract %slice3A_28[0] : i32 from vector<1xi32>
    %max3A_30 = arith.maxsi %max3A_27, %squeeze3A_29 : i32
    %slice3A_31 = vector.extract_strided_slice %scan3A_12 {offsets = [7], sizes = [1], strides = [1]} : vector<16xi32> to vector<1xi32>
    %squeeze3A_32 = vector.extract %slice3A_31[0] : i32 from vector<1xi32>
    %max3A_33 = arith.maxsi %max3A_30, %squeeze3A_32 : i32
    %slice3A_34 = vector.extract_strided_slice %scan3A_12 {offsets = [8], sizes = [1], strides = [1]} : vector<16xi32> to vector<1xi32>
    %squeeze3A_35 = vector.extract %slice3A_34[0] : i32 from vector<1xi32>
    %max3A_36 = arith.maxsi %max3A_33, %squeeze3A_35 : i32
    %slice3A_37 = vector.extract_strided_slice %scan3A_12 {offsets = [9], sizes = [1], strides = [1]} : vector<16xi32> to vector<1xi32>
    %squeeze3A_38 = vector.extract %slice3A_37[0] : i32 from vector<1xi32>
    %max3A_39 = arith.maxsi %max3A_36, %squeeze3A_38 : i32
    %slice3A_40 = vector.extract_strided_slice %scan3A_12 {offsets = [10], sizes = [1], strides = [1]} : vector<16xi32> to vector<1xi32>
    %squeeze3A_41 = vector.extract %slice3A_40[0] : i32 from vector<1xi32>
    %max3A_42 = arith.maxsi %max3A_39, %squeeze3A_41 : i32
    %slice3A_43 = vector.extract_strided_slice %scan3A_12 {offsets = [11], sizes = [1], strides = [1]} : vector<16xi32> to vector<1xi32>
    %squeeze3A_44 = vector.extract %slice3A_43[0] : i32 from vector<1xi32>
    %max3A_45 = arith.maxsi %max3A_42, %squeeze3A_44 : i32
    %slice3A_46 = vector.extract_strided_slice %scan3A_12 {offsets = [12], sizes = [1], strides = [1]} : vector<16xi32> to vector<1xi32>
    %squeeze3A_47 = vector.extract %slice3A_46[0] : i32 from vector<1xi32>
    %max3A_48 = arith.maxsi %max3A_45, %squeeze3A_47 : i32
    %slice3A_49 = vector.extract_strided_slice %scan3A_12 {offsets = [13], sizes = [1], strides = [1]} : vector<16xi32> to vector<1xi32>
    %squeeze3A_50 = vector.extract %slice3A_49[0] : i32 from vector<1xi32>
    %max3A_51 = arith.maxsi %max3A_48, %squeeze3A_50 : i32
    %slice3A_52 = vector.extract_strided_slice %scan3A_12 {offsets = [14], sizes = [1], strides = [1]} : vector<16xi32> to vector<1xi32>
    %squeeze3A_53 = vector.extract %slice3A_52[0] : i32 from vector<1xi32>
    %max3A_54 = arith.maxsi %max3A_51, %squeeze3A_53 : i32
    %slice3A_55 = vector.extract_strided_slice %scan3A_12 {offsets = [15], sizes = [1], strides = [1]} : vector<16xi32> to vector<1xi32>
    %squeeze3A_56 = vector.extract %slice3A_55[0] : i32 from vector<1xi32>
    %max3A_57 = arith.maxsi %max3A_54, %squeeze3A_56 : i32
    %scan3A_58 = arith.constant 0 : i32
    %scan3A_59 = arith.constant 10 : i32
    %scan3A_60 = arith.addi %scan3A_58, %scan3A_59 : i32
    %scan3A_61 = arith.constant 1 : i32
    %scan3A_62 = scf.for %scan3A_93 = %scan3A_58 to %scan3A_60 step %scan3A_61 iter_args(%scan3A_94 = %max3A_57) -> (i32)  : i32 {
      %mul3A_95 = arith.constant 2 : i32
      %mul3A_96 = arith.muli %scan3A_93, %mul3A_95 : i32
      %add3A_97 = arith.constant 0 : i32
      %add3A_98 = arith.addi %add3A_97, %mul3A_96 : i32
      %add3A_99 = arith.constant 0 : i32
      %add3A_100 = arith.addi %add3A_98, %add3A_99 : i32
      %gt3A = arith.constant 0 : i32
      %gt3A_101 = arith.cmpi sgt, %add3A_100, %gt3A : i32
      %convert_element_type3A = arith.extui %gt3A_101 : i1 to i32
      %cond3A = arith.constant 0 : i32
      %cond3A_102 = arith.cmpi ne, %convert_element_type3A, %cond3A : i32
      scf.if %cond3A_102 {
        %sub3A = arith.constant 1 : i32
        %sub3A_306 = arith.subi %add3A_100, %sub3A : i32
        %mul3A_307 = arith.constant 1280 : i32
        %mul3A_308 = arith.muli %sub3A_306, %mul3A_307 : i32
        %add3A_309 = arith.addi %mul3A_2, %mul3A_308 : i32
        %dma_wait3A_310 = arith.constant 1 : i32
        %dma_wait3A_311 = arith.constant 0 : i32
        %dma_wait3A_312 = arith.constant 0 : i32
        %dma_wait3A_313 = tpu.memref_slice %arg8[%dma_wait3A_310, %dma_wait3A_311, %dma_wait3A_312] : memref<2x1280x32xf32, #tpu.memory_space<vmem>> -> memref<1x1280x32xf32, #tpu.memory_space<vmem>>
        %dma_wait3A_314 = tpu.memref_squeeze %dma_wait3A_313 : memref<1x1280x32xf32, #tpu.memory_space<vmem>> -> memref<1280x32xf32, #tpu.memory_space<vmem>>
        %dma_wait3A_315 = arith.constant 0 : i32
        %dma_wait3A_316 = tpu.memref_slice %arg5[%add3A_309, %dma_wait3A_315] : memref<819200x32xf32, #tpu.memory_space<hbm>> -> memref<1280x32xf32, #tpu.memory_space<hbm>>
        %dma_wait3A_317 = arith.constant 0 : i32
        %dma_wait3A_318 = tpu.memref_slice %arg5[%add3A_309, %dma_wait3A_317] : memref<819200x32xf32, #tpu.memory_space<hbm>> -> memref<1280x32xf32, #tpu.memory_space<hbm>>
        %dma_wait3A_319 = arith.constant 0 : i32
        %dma_wait3A_320 = arith.constant 0 : i32
        %dma_wait3A_321 = tpu.memref_slice %arg8[%dma_wait3A_310, %dma_wait3A_319, %dma_wait3A_320] : memref<2x1280x32xf32, #tpu.memory_space<vmem>> -> memref<1x1280x32xf32, #tpu.memory_space<vmem>>
        %dma_wait3A_322 = tpu.memref_squeeze %dma_wait3A_321 : memref<1x1280x32xf32, #tpu.memory_space<vmem>> -> memref<1280x32xf32, #tpu.memory_space<vmem>>
        tpu.wait_dma2 semaphore(%arg13 : memref<!tpu.dma_semaphore, #tpu.memory_space<semaphore_mem>>) src(%dma_wait3A_322 : memref<1280x32xf32, #tpu.memory_space<vmem>>) dst(%dma_wait3A_318 : memref<1280x32xf32, #tpu.memory_space<hbm>>)
      } else {
      }
      %add3A_103 = arith.constant 1 : i32
      %add3A_104 = arith.addi %add3A_100, %add3A_103 : i32
      %min3A_105 = arith.constant 19 : i32
      %min3A_106 = arith.minsi %add3A_104, %min3A_105 : i32
      %mul3A_107 = arith.constant 1280 : i32
      %mul3A_108 = arith.muli %min3A_106, %mul3A_107 : i32
      %add3A_109 = arith.addi %mul3A_2, %mul3A_108 : i32
      %run_scoped3A_110 = arith.constant 1 : i32
      "tpu.region"() ({
        %run_scoped3A_306 = tpu.sem_alloc : memref<!tpu.dma_semaphore, #tpu.memory_space<semaphore_mem>>
        %dma_start3A_307 = arith.constant 0 : i32
        %dma_start3A_308 = tpu.memref_slice %arg6[%run_scoped3A_110, %dma_start3A_307] : memref<2x1280xi32, #tpu.memory_space<vmem>> -> memref<1x1280xi32, #tpu.memory_space<vmem>>
        %dma_start3A_309 = tpu.memref_squeeze %dma_start3A_308 : memref<1x1280xi32, #tpu.memory_space<vmem>> -> memref<1280xi32, #tpu.memory_space<vmem>>
        %dma_start3A_310 = tpu.memref_slice %arg2[%add3A_109] : memref<819200xi32, #tpu.memory_space<hbm>> -> memref<1280xi32, #tpu.memory_space<hbm>>
        %dma_start3A_311 = arith.constant 0 : i32
        %dma_start3A_312 = tpu.memref_slice %arg6[%run_scoped3A_110, %dma_start3A_311] : memref<2x1280xi32, #tpu.memory_space<vmem>> -> memref<1x1280xi32, #tpu.memory_space<vmem>>
        %dma_start3A_313 = tpu.memref_squeeze %dma_start3A_312 : memref<1x1280xi32, #tpu.memory_space<vmem>> -> memref<1280xi32, #tpu.memory_space<vmem>>
        %dma_start3A_314 = tpu.memref_slice %arg2[%add3A_109] : memref<819200xi32, #tpu.memory_space<hbm>> -> memref<1280xi32, #tpu.memory_space<hbm>>
        tpu.enqueue_dma source(%dma_start3A_314 : memref<1280xi32, #tpu.memory_space<hbm>>) target(%dma_start3A_313 : memref<1280xi32, #tpu.memory_space<vmem>>) target_semaphore(%run_scoped3A_306 : memref<!tpu.dma_semaphore, #tpu.memory_space<semaphore_mem>>)
        %dma_wait3A_315 = arith.constant 0 : i32
        %dma_wait3A_316 = tpu.memref_slice %arg6[%run_scoped3A_110, %dma_wait3A_315] : memref<2x1280xi32, #tpu.memory_space<vmem>> -> memref<1x1280xi32, #tpu.memory_space<vmem>>
        %dma_wait3A_317 = tpu.memref_squeeze %dma_wait3A_316 : memref<1x1280xi32, #tpu.memory_space<vmem>> -> memref<1280xi32, #tpu.memory_space<vmem>>
        %dma_wait3A_318 = tpu.memref_slice %arg2[%add3A_109] : memref<819200xi32, #tpu.memory_space<hbm>> -> memref<1280xi32, #tpu.memory_space<hbm>>
        %dma_wait3A_319 = arith.constant 0 : i32
        %dma_wait3A_320 = tpu.memref_slice %arg6[%run_scoped3A_110, %dma_wait3A_319] : memref<2x1280xi32, #tpu.memory_space<vmem>> -> memref<1x1280xi32, #tpu.memory_space<vmem>>
        %dma_wait3A_321 = tpu.memref_squeeze %dma_wait3A_320 : memref<1x1280xi32, #tpu.memory_space<vmem>> -> memref<1280xi32, #tpu.memory_space<vmem>>
        %dma_wait3A_322 = tpu.memref_slice %arg2[%add3A_109] : memref<819200xi32, #tpu.memory_space<hbm>> -> memref<1280xi32, #tpu.memory_space<hbm>>
        tpu.wait_dma2 semaphore(%run_scoped3A_306 : memref<!tpu.dma_semaphore, #tpu.memory_space<semaphore_mem>>) src(%dma_wait3A_322 : memref<1280xi32, #tpu.memory_space<hbm>>) dst(%dma_wait3A_321 : memref<1280xi32, #tpu.memory_space<vmem>>)
        tpu.yield
      }) : () -> ()
      %broadcast_in_dim3A_111 = arith.constant 0 : i32
      %broadcast_in_dim3A_112 = vector.broadcast %broadcast_in_dim3A_111 : i32 to vector<16xi32>
      %scan3A_113 = arith.constant 0 : i32
      %scan3A_114 = arith.constant 80 : i32
      %scan3A_115 = arith.addi %scan3A_113, %scan3A_114 : i32
      %scan3A_116 = arith.constant 1 : i32
      %scan3A_117 = scf.for %scan3A_306 = %scan3A_113 to %scan3A_115 step %scan3A_116 iter_args(%scan3A_307 = %broadcast_in_dim3A_112) -> (vector<16xi32>)  : i32 {
        %mul3A_308 = arith.constant 16 : i32
        %mul3A_309 = arith.muli %scan3A_306, %mul3A_308 : i32
        %get3A = arith.constant 1 : i32
        %get3A_310 = arith.index_cast %get3A : i32 to index
        %get3A_311 = arith.index_cast %mul3A_309 : i32 to index
        %get3A_312 = tpu.vector_load %arg6[%get3A_310, %get3A_311] {strides = array<i32>} : memref<2x1280xi32, #tpu.memory_space<vmem>>, vector<1x16xi32>,
        %get3A_313 = vector.shape_cast %get3A_312 : vector<1x16xi32> to vector<16xi32>
        %min3A_314 = arith.constant 999997 : i32
        %min3A_315 = vector.broadcast %min3A_314 : i32 to vector<16xi32>
        %min3A_316 = arith.minsi %get3A_313, %min3A_315 : vector<16xi32>
        %mul3A_317 = arith.constant 16 : i32
        %mul3A_318 = arith.muli %scan3A_306, %mul3A_317 : i32
        %swap3A = arith.constant 1 : i32
        %swap3A_319 = arith.index_cast %swap3A : i32 to index
        %swap3A_320 = arith.index_cast %mul3A_318 : i32 to index
        %swap3A_321 = tpu.vector_load %arg7[%swap3A_319, %swap3A_320] {strides = array<i32>} : memref<2x1280xi32, #tpu.memory_space<vmem>>, vector<1x16xi32>,
        %swap3A_322 = vector.shape_cast %swap3A_321 : vector<1x16xi32> to vector<16xi32>
        %swap3A_323 = vector.shape_cast %min3A_316 : vector<16xi32> to vector<1x16xi32>
        tpu.vector_store %arg7[%swap3A_319, %swap3A_320], %swap3A_323 {strides = array<i32>} : memref<2x1280xi32, #tpu.memory_space<vmem>>, vector<1x16xi32>,
        %mul3A_324 = arith.constant 16 : i32
        %mul3A_325 = arith.muli %scan3A_306, %mul3A_324 : i32
        %dma_start3A_326 = arith.constant 1 : i32
        %dma_start3A_327 = arith.constant 0 : i32
        %dma_start3A_328 = tpu.memref_slice %arg8[%dma_start3A_326, %mul3A_325, %dma_start3A_327] : memref<2x1280x32xf32, #tpu.memory_space<vmem>> -> memref<1x16x32xf32, #tpu.memory_space<vmem>>
        %dma_start3A_329 = tpu.memref_squeeze %dma_start3A_328 : memref<1x16x32xf32, #tpu.memory_space<vmem>> -> memref<16x32xf32, #tpu.memory_space<vmem>>
        %dma_start3A_330 = arith.constant 0 : i32
        %dma_start3A_331 = arith.constant 0 : i32
        %dma_start3A_332 = tpu.memref_slice %arg3[%dma_start3A_330, %dma_start3A_331] : memref<999998x32xf32, #tpu.memory_space<hbm>> -> memref<999998x32xf32, #tpu.memory_space<hbm>>
        tpu.enqueue_indirect_dma source(%dma_start3A_332 : memref<999998x32xf32, #tpu.memory_space<hbm>>) target(%dma_start3A_329 : memref<16x32xf32, #tpu.memory_space<vmem>>) offsets(%min3A_316 : vector<16xi32>) semaphore(%arg11 : memref<!tpu.dma_semaphore, #tpu.memory_space<semaphore_mem>>)
        %max3A_333 = arith.maxsi %scan3A_307, %get3A_313 : vector<16xi32>
        scf.yield %max3A_333 : vector<16xi32>
      }
      %scan3A_118 = arith.constant 80 : i32
      %slice3A_119 = vector.extract_strided_slice %scan3A_117 {offsets = [0], sizes = [1], strides = [1]} : vector<16xi32> to vector<1xi32>
      %squeeze3A_120 = vector.extract %slice3A_119[0] : i32 from vector<1xi32>
      %slice3A_121 = vector.extract_strided_slice %scan3A_117 {offsets = [1], sizes = [1], strides = [1]} : vector<16xi32> to vector<1xi32>
      %squeeze3A_122 = vector.extract %slice3A_121[0] : i32 from vector<1xi32>
      %max3A_123 = arith.maxsi %squeeze3A_120, %squeeze3A_122 : i32
      %slice3A_124 = vector.extract_strided_slice %scan3A_117 {offsets = [2], sizes = [1], strides = [1]} : vector<16xi32> to vector<1xi32>
      %squeeze3A_125 = vector.extract %slice3A_124[0] : i32 from vector<1xi32>
      %max3A_126 = arith.maxsi %max3A_123, %squeeze3A_125 : i32
      %slice3A_127 = vector.extract_strided_slice %scan3A_117 {offsets = [3], sizes = [1], strides = [1]} : vector<16xi32> to vector<1xi32>
      %squeeze3A_128 = vector.extract %slice3A_127[0] : i32 from vector<1xi32>
      %max3A_129 = arith.maxsi %max3A_126, %squeeze3A_128 : i32
      %slice3A_130 = vector.extract_strided_slice %scan3A_117 {offsets = [4], sizes = [1], strides = [1]} : vector<16xi32> to vector<1xi32>
      %squeeze3A_131 = vector.extract %slice3A_130[0] : i32 from vector<1xi32>
      %max3A_132 = arith.maxsi %max3A_129, %squeeze3A_131 : i32
      %slice3A_133 = vector.extract_strided_slice %scan3A_117 {offsets = [5], sizes = [1], strides = [1]} : vector<16xi32> to vector<1xi32>
      %squeeze3A_134 = vector.extract %slice3A_133[0] : i32 from vector<1xi32>
      %max3A_135 = arith.maxsi %max3A_132, %squeeze3A_134 : i32
      %slice3A_136 = vector.extract_strided_slice %scan3A_117 {offsets = [6], sizes = [1], strides = [1]} : vector<16xi32> to vector<1xi32>
      %squeeze3A_137 = vector.extract %slice3A_136[0] : i32 from vector<1xi32>
      %max3A_138 = arith.maxsi %max3A_135, %squeeze3A_137 : i32
      %slice3A_139 = vector.extract_strided_slice %scan3A_117 {offsets = [7], sizes = [1], strides = [1]} : vector<16xi32> to vector<1xi32>
      %squeeze3A_140 = vector.extract %slice3A_139[0] : i32 from vector<1xi32>
      %max3A_141 = arith.maxsi %max3A_138, %squeeze3A_140 : i32
      %slice3A_142 = vector.extract_strided_slice %scan3A_117 {offsets = [8], sizes = [1], strides = [1]} : vector<16xi32> to vector<1xi32>
      %squeeze3A_143 = vector.extract %slice3A_142[0] : i32 from vector<1xi32>
      %max3A_144 = arith.maxsi %max3A_141, %squeeze3A_143 : i32
      %slice3A_145 = vector.extract_strided_slice %scan3A_117 {offsets = [9], sizes = [1], strides = [1]} : vector<16xi32> to vector<1xi32>
      %squeeze3A_146 = vector.extract %slice3A_145[0] : i32 from vector<1xi32>
      %max3A_147 = arith.maxsi %max3A_144, %squeeze3A_146 : i32
      %slice3A_148 = vector.extract_strided_slice %scan3A_117 {offsets = [10], sizes = [1], strides = [1]} : vector<16xi32> to vector<1xi32>
      %squeeze3A_149 = vector.extract %slice3A_148[0] : i32 from vector<1xi32>
      %max3A_150 = arith.maxsi %max3A_147, %squeeze3A_149 : i32
      %slice3A_151 = vector.extract_strided_slice %scan3A_117 {offsets = [11], sizes = [1], strides = [1]} : vector<16xi32> to vector<1xi32>
      %squeeze3A_152 = vector.extract %slice3A_151[0] : i32 from vector<1xi32>
      %max3A_153 = arith.maxsi %max3A_150, %squeeze3A_152 : i32
      %slice3A_154 = vector.extract_strided_slice %scan3A_117 {offsets = [12], sizes = [1], strides = [1]} : vector<16xi32> to vector<1xi32>
      %squeeze3A_155 = vector.extract %slice3A_154[0] : i32 from vector<1xi32>
      %max3A_156 = arith.maxsi %max3A_153, %squeeze3A_155 : i32
      %slice3A_157 = vector.extract_strided_slice %scan3A_117 {offsets = [13], sizes = [1], strides = [1]} : vector<16xi32> to vector<1xi32>
      %squeeze3A_158 = vector.extract %slice3A_157[0] : i32 from vector<1xi32>
      %max3A_159 = arith.maxsi %max3A_156, %squeeze3A_158 : i32
      %slice3A_160 = vector.extract_strided_slice %scan3A_117 {offsets = [14], sizes = [1], strides = [1]} : vector<16xi32> to vector<1xi32>
      %squeeze3A_161 = vector.extract %slice3A_160[0] : i32 from vector<1xi32>
      %max3A_162 = arith.maxsi %max3A_159, %squeeze3A_161 : i32
      %slice3A_163 = vector.extract_strided_slice %scan3A_117 {offsets = [15], sizes = [1], strides = [1]} : vector<16xi32> to vector<1xi32>
      %squeeze3A_164 = vector.extract %slice3A_163[0] : i32 from vector<1xi32>
      %max3A_165 = arith.maxsi %max3A_162, %squeeze3A_164 : i32
      %dma_wait3A_166 = arith.constant 0 : i32
      %dma_wait3A_167 = arith.constant 0 : i32
      %dma_wait3A_168 = arith.constant 0 : i32
      %dma_wait3A_169 = tpu.memref_slice %arg8[%dma_wait3A_166, %dma_wait3A_167, %dma_wait3A_168] : memref<2x1280x32xf32, #tpu.memory_space<vmem>> -> memref<1x1280x32xf32, #tpu.memory_space<vmem>>
      %dma_wait3A_170 = tpu.memref_squeeze %dma_wait3A_169 : memref<1x1280x32xf32, #tpu.memory_space<vmem>> -> memref<1280x32xf32, #tpu.memory_space<vmem>>
      %dma_wait3A_171 = arith.constant 0 : i32
      %dma_wait3A_172 = arith.constant 0 : i32
      %dma_wait3A_173 = tpu.memref_slice %arg3[%dma_wait3A_171, %dma_wait3A_172] : memref<999998x32xf32, #tpu.memory_space<hbm>> -> memref<1280x32xf32, #tpu.memory_space<hbm>>
      %dma_wait3A_174 = arith.constant 0 : i32
      %dma_wait3A_175 = arith.constant 0 : i32
      %dma_wait3A_176 = tpu.memref_slice %arg8[%dma_wait3A_166, %dma_wait3A_174, %dma_wait3A_175] : memref<2x1280x32xf32, #tpu.memory_space<vmem>> -> memref<1x1280x32xf32, #tpu.memory_space<vmem>>
      %dma_wait3A_177 = tpu.memref_squeeze %dma_wait3A_176 : memref<1x1280x32xf32, #tpu.memory_space<vmem>> -> memref<1280x32xf32, #tpu.memory_space<vmem>>
      %dma_wait3A_178 = arith.constant 0 : i32
      %dma_wait3A_179 = arith.constant 0 : i32
      %dma_wait3A_180 = tpu.memref_slice %arg3[%dma_wait3A_178, %dma_wait3A_179] : memref<999998x32xf32, #tpu.memory_space<hbm>> -> memref<1280x32xf32, #tpu.memory_space<hbm>>
      tpu.wait_dma2 semaphore(%arg10 : memref<!tpu.dma_semaphore, #tpu.memory_space<semaphore_mem>>) src(%dma_wait3A_180 : memref<1280x32xf32, #tpu.memory_space<hbm>>) dst(%dma_wait3A_177 : memref<1280x32xf32, #tpu.memory_space<vmem>>)
      %ge3A = arith.constant 999998 : i32
      %ge3A_181 = arith.cmpi sge, %scan3A_94, %ge3A : i32
      %convert_element_type3A_182 = arith.extui %ge3A_181 : i1 to i32
      %cond3A_183 = arith.constant 0 : i32
      %cond3A_184 = arith.cmpi ne, %convert_element_type3A_182, %cond3A_183 : i32
      scf.if %cond3A_184 {
        %get3A = arith.constant 0 : i32
        %get3A_306 = arith.index_cast %get3A : i32 to index
        %get3A_307 = arith.constant 0 : index
        %get3A_308 = tpu.vector_load %arg9[%get3A_306, %get3A_307] {strides = array<i32>} : memref<2x32xf32, #tpu.memory_space<vmem>>, vector<1x16xf32>,
        %get3A_309 = vector.shape_cast %get3A_308 : vector<1x16xf32> to vector<16xf32>
        %get3A_310 = arith.constant 0 : i32
        %get3A_311 = arith.index_cast %get3A_310 : i32 to index
        %get3A_312 = arith.constant 16 : index
        %get3A_313 = tpu.vector_load %arg9[%get3A_311, %get3A_312] {strides = array<i32>} : memref<2x32xf32, #tpu.memory_space<vmem>>, vector<1x16xf32>,
        %get3A_314 = vector.shape_cast %get3A_313 : vector<1x16xf32> to vector<16xf32>
        %get3A_315 = arith.constant 1 : i32
        %get3A_316 = arith.index_cast %get3A_315 : i32 to index
        %get3A_317 = arith.constant 0 : index
        %get3A_318 = tpu.vector_load %arg9[%get3A_316, %get3A_317] {strides = array<i32>} : memref<2x32xf32, #tpu.memory_space<vmem>>, vector<1x16xf32>,
        %get3A_319 = vector.shape_cast %get3A_318 : vector<1x16xf32> to vector<16xf32>
        %get3A_320 = arith.constant 1 : i32
        %get3A_321 = arith.index_cast %get3A_320 : i32 to index
        %get3A_322 = arith.constant 16 : index
        %get3A_323 = tpu.vector_load %arg9[%get3A_321, %get3A_322] {strides = array<i32>} : memref<2x32xf32, #tpu.memory_space<vmem>>, vector<1x16xf32>,
        %get3A_324 = vector.shape_cast %get3A_323 : vector<1x16xf32> to vector<16xf32>
        %scan3A_325 = arith.constant 0 : i32
        %scan3A_326 = arith.constant 0 : i32
        %scan3A_327 = arith.constant 80 : i32
        %scan3A_328 = arith.addi %scan3A_326, %scan3A_327 : i32
        %scan3A_329 = arith.constant 1 : i32
        scf.for %scan3A_331 = %scan3A_326 to %scan3A_328 step %scan3A_329  : i32 {
          %mul3A_332 = arith.constant 16 : i32
          %mul3A_333 = arith.muli %scan3A_331, %mul3A_332 : i32
          %get3A_334 = arith.constant 0 : i32
          %get3A_335 = arith.index_cast %get3A_334 : i32 to index
          %get3A_336 = arith.index_cast %mul3A_333 : i32 to index
          %get3A_337 = tpu.vector_load %arg6[%get3A_335, %get3A_336] {strides = array<i32>} : memref<2x1280xi32, #tpu.memory_space<vmem>>, vector<1x16xi32>,
          %get3A_338 = vector.shape_cast %get3A_337 : vector<1x16xi32> to vector<16xi32>
          %slice3A_339 = vector.extract_strided_slice %get3A_338 {offsets = [0], sizes = [1], strides = [1]} : vector<16xi32> to vector<1xi32>
          %squeeze3A_340 = vector.extract %slice3A_339[0] : i32 from vector<1xi32>
          %mul3A_341 = arith.constant 16 : i32
          %mul3A_342 = arith.muli %scan3A_331, %mul3A_341 : i32
          %add3A_343 = arith.constant 0 : i32
          %add3A_344 = arith.addi %mul3A_342, %add3A_343 : i32
          %eq3A = arith.constant 999998 : i32
          %eq3A_345 = arith.cmpi eq, %squeeze3A_340, %eq3A : i32
          %convert_element_type3A_346 = arith.extui %eq3A_345 : i1 to i32
          %cond3A_347 = arith.constant 0 : i32
          %cond3A_348 = arith.cmpi ne, %convert_element_type3A_346, %cond3A_347 : i32
          scf.if %cond3A_348 {
            %swap3A = arith.constant 0 : i32
            %swap3A_594 = arith.index_cast %swap3A : i32 to index
            %swap3A_595 = arith.index_cast %add3A_344 : i32 to index
            %swap3A_596 = arith.constant 0 : index
            %swap3A_597 = tpu.vector_load %arg8[%swap3A_594, %swap3A_595, %swap3A_596] {strides = array<i32>} : memref<2x1280x32xf32, #tpu.memory_space<vmem>>, vector<1x1x16xf32>,
            %swap3A_598 = vector.shape_cast %swap3A_597 : vector<1x1x16xf32> to vector<16xf32>
            %swap3A_599 = vector.shape_cast %get3A_309 : vector<16xf32> to vector<1x1x16xf32>
            tpu.vector_store %arg8[%swap3A_594, %swap3A_595, %swap3A_596], %swap3A_599 {strides = array<i32>} : memref<2x1280x32xf32, #tpu.memory_space<vmem>>, vector<1x1x16xf32>,
            %swap3A_600 = arith.constant 0 : i32
            %swap3A_601 = arith.index_cast %swap3A_600 : i32 to index
            %swap3A_602 = arith.index_cast %add3A_344 : i32 to index
            %swap3A_603 = arith.constant 16 : index
            %swap3A_604 = tpu.vector_load %arg8[%swap3A_601, %swap3A_602, %swap3A_603] {strides = array<i32>} : memref<2x1280x32xf32, #tpu.memory_space<vmem>>, vector<1x1x16xf32>,
            %swap3A_605 = vector.shape_cast %swap3A_604 : vector<1x1x16xf32> to vector<16xf32>
            %swap3A_606 = vector.shape_cast %get3A_314 : vector<16xf32> to vector<1x1x16xf32>
            tpu.vector_store %arg8[%swap3A_601, %swap3A_602, %swap3A_603], %swap3A_606 {strides = array<i32>} : memref<2x1280x32xf32, #tpu.memory_space<vmem>>, vector<1x1x16xf32>,
          } else {
          }
          %eq3A_349 = arith.constant 999999 : i32
          %eq3A_350 = arith.cmpi eq, %squeeze3A_340, %eq3A_349 : i32
          %convert_element_type3A_351 = arith.extui %eq3A_350 : i1 to i32
          %cond3A_352 = arith.constant 0 : i32
          %cond3A_353 = arith.cmpi ne, %convert_element_type3A_351, %cond3A_352 : i32
          scf.if %cond3A_353 {
            %swap3A = arith.constant 0 : i32
            %swap3A_594 = arith.index_cast %swap3A : i32 to index
            %swap3A_595 = arith.index_cast %add3A_344 : i32 to index
            %swap3A_596 = arith.constant 0 : index
            %swap3A_597 = tpu.vector_load %arg8[%swap3A_594, %swap3A_595, %swap3A_596] {strides = array<i32>} : memref<2x1280x32xf32, #tpu.memory_space<vmem>>, vector<1x1x16xf32>,
            %swap3A_598 = vector.shape_cast %swap3A_597 : vector<1x1x16xf32> to vector<16xf32>
            %swap3A_599 = vector.shape_cast %get3A_319 : vector<16xf32> to vector<1x1x16xf32>
            tpu.vector_store %arg8[%swap3A_594, %swap3A_595, %swap3A_596], %swap3A_599 {strides = array<i32>} : memref<2x1280x32xf32, #tpu.memory_space<vmem>>, vector<1x1x16xf32>,
            %swap3A_600 = arith.constant 0 : i32
            %swap3A_601 = arith.index_cast %swap3A_600 : i32 to index
            %swap3A_602 = arith.index_cast %add3A_344 : i32 to index
            %swap3A_603 = arith.constant 16 : index
            %swap3A_604 = tpu.vector_load %arg8[%swap3A_601, %swap3A_602, %swap3A_603] {strides = array<i32>} : memref<2x1280x32xf32, #tpu.memory_space<vmem>>, vector<1x1x16xf32>,
            %swap3A_605 = vector.shape_cast %swap3A_604 : vector<1x1x16xf32> to vector<16xf32>
            %swap3A_606 = vector.shape_cast %get3A_324 : vector<16xf32> to vector<1x1x16xf32>
            tpu.vector_store %arg8[%swap3A_601, %swap3A_602, %swap3A_603], %swap3A_606 {strides = array<i32>} : memref<2x1280x32xf32, #tpu.memory_space<vmem>>, vector<1x1x16xf32>,
          } else {
          }
          %slice3A_354 = vector.extract_strided_slice %get3A_338 {offsets = [1], sizes = [1], strides = [1]} : vector<16xi32> to vector<1xi32>
          %squeeze3A_355 = vector.extract %slice3A_354[0] : i32 from vector<1xi32>
          %mul3A_356 = arith.constant 16 : i32
          %mul3A_357 = arith.muli %scan3A_331, %mul3A_356 : i32
          %add3A_358 = arith.constant 1 : i32
          %add3A_359 = arith.addi %mul3A_357, %add3A_358 : i32
          %eq3A_360 = arith.constant 999998 : i32
          %eq3A_361 = arith.cmpi eq, %squeeze3A_355, %eq3A_360 : i32
          %convert_element_type3A_362 = arith.extui %eq3A_361 : i1 to i32
          %cond3A_363 = arith.constant 0 : i32
          %cond3A_364 = arith.cmpi ne, %convert_element_type3A_362, %cond3A_363 : i32
          scf.if %cond3A_364 {
            %swap3A = arith.constant 0 : i32
            %swap3A_594 = arith.index_cast %swap3A : i32 to index
            %swap3A_595 = arith.index_cast %add3A_359 : i32 to index
            %swap3A_596 = arith.constant 0 : index
            %swap3A_597 = tpu.vector_load %arg8[%swap3A_594, %swap3A_595, %swap3A_596] {strides = array<i32>} : memref<2x1280x32xf32, #tpu.memory_space<vmem>>, vector<1x1x16xf32>,
            %swap3A_598 = vector.shape_cast %swap3A_597 : vector<1x1x16xf32> to vector<16xf32>
            %swap3A_599 = vector.shape_cast %get3A_309 : vector<16xf32> to vector<1x1x16xf32>
            tpu.vector_store %arg8[%swap3A_594, %swap3A_595, %swap3A_596], %swap3A_599 {strides = array<i32>} : memref<2x1280x32xf32, #tpu.memory_space<vmem>>, vector<1x1x16xf32>,
            %swap3A_600 = arith.constant 0 : i32
            %swap3A_601 = arith.index_cast %swap3A_600 : i32 to index
            %swap3A_602 = arith.index_cast %add3A_359 : i32 to index
            %swap3A_603 = arith.constant 16 : index
            %swap3A_604 = tpu.vector_load %arg8[%swap3A_601, %swap3A_602, %swap3A_603] {strides = array<i32>} : memref<2x1280x32xf32, #tpu.memory_space<vmem>>, vector<1x1x16xf32>,
            %swap3A_605 = vector.shape_cast %swap3A_604 : vector<1x1x16xf32> to vector<16xf32>
            %swap3A_606 = vector.shape_cast %get3A_314 : vector<16xf32> to vector<1x1x16xf32>
            tpu.vector_store %arg8[%swap3A_601, %swap3A_602, %swap3A_603], %swap3A_606 {strides = array<i32>} : memref<2x1280x32xf32, #tpu.memory_space<vmem>>, vector<1x1x16xf32>,
          } else {
          }
          %eq3A_365 = arith.constant 999999 : i32
          %eq3A_366 = arith.cmpi eq, %squeeze3A_355, %eq3A_365 : i32
          %convert_element_type3A_367 = arith.extui %eq3A_366 : i1 to i32
          %cond3A_368 = arith.constant 0 : i32
          %cond3A_369 = arith.cmpi ne, %convert_element_type3A_367, %cond3A_368 : i32
          scf.if %cond3A_369 {
            %swap3A = arith.constant 0 : i32
            %swap3A_594 = arith.index_cast %swap3A : i32 to index
            %swap3A_595 = arith.index_cast %add3A_359 : i32 to index
            %swap3A_596 = arith.constant 0 : index
            %swap3A_597 = tpu.vector_load %arg8[%swap3A_594, %swap3A_595, %swap3A_596] {strides = array<i32>} : memref<2x1280x32xf32, #tpu.memory_space<vmem>>, vector<1x1x16xf32>,
            %swap3A_598 = vector.shape_cast %swap3A_597 : vector<1x1x16xf32> to vector<16xf32>
            %swap3A_599 = vector.shape_cast %get3A_319 : vector<16xf32> to vector<1x1x16xf32>
            tpu.vector_store %arg8[%swap3A_594, %swap3A_595, %swap3A_596], %swap3A_599 {strides = array<i32>} : memref<2x1280x32xf32, #tpu.memory_space<vmem>>, vector<1x1x16xf32>,
            %swap3A_600 = arith.constant 0 : i32
            %swap3A_601 = arith.index_cast %swap3A_600 : i32 to index
            %swap3A_602 = arith.index_cast %add3A_359 : i32 to index
            %swap3A_603 = arith.constant 16 : index
            %swap3A_604 = tpu.vector_load %arg8[%swap3A_601, %swap3A_602, %swap3A_603] {strides = array<i32>} : memref<2x1280x32xf32, #tpu.memory_space<vmem>>, vector<1x1x16xf32>,
            %swap3A_605 = vector.shape_cast %swap3A_604 : vector<1x1x16xf32> to vector<16xf32>
            %swap3A_606 = vector.shape_cast %get3A_324 : vector<16xf32> to vector<1x1x16xf32>
            tpu.vector_store %arg8[%swap3A_601, %swap3A_602, %swap3A_603], %swap3A_606 {strides = array<i32>} : memref<2x1280x32xf32, #tpu.memory_space<vmem>>, vector<1x1x16xf32>,
          } else {
          }
          %slice3A_370 = vector.extract_strided_slice %get3A_338 {offsets = [2], sizes = [1], strides = [1]} : vector<16xi32> to vector<1xi32>
          %squeeze3A_371 = vector.extract %slice3A_370[0] : i32 from vector<1xi32>
          %mul3A_372 = arith.constant 16 : i32
          %mul3A_373 = arith.muli %scan3A_331, %mul3A_372 : i32
          %add3A_374 = arith.constant 2 : i32
          %add3A_375 = arith.addi %mul3A_373, %add3A_374 : i32
          %eq3A_376 = arith.constant 999998 : i32
          %eq3A_377 = arith.cmpi eq, %squeeze3A_371, %eq3A_376 : i32
          %convert_element_type3A_378 = arith.extui %eq3A_377 : i1 to i32
          %cond3A_379 = arith.constant 0 : i32
          %cond3A_380 = arith.cmpi ne, %convert_element_type3A_378, %cond3A_379 : i32
          scf.if %cond3A_380 {
            %swap3A = arith.constant 0 : i32
            %swap3A_594 = arith.index_cast %swap3A : i32 to index
            %swap3A_595 = arith.index_cast %add3A_375 : i32 to index
            %swap3A_596 = arith.constant 0 : index
            %swap3A_597 = tpu.vector_load %arg8[%swap3A_594, %swap3A_595, %swap3A_596] {strides = array<i32>} : memref<2x1280x32xf32, #tpu.memory_space<vmem>>, vector<1x1x16xf32>,
            %swap3A_598 = vector.shape_cast %swap3A_597 : vector<1x1x16xf32> to vector<16xf32>
            %swap3A_599 = vector.shape_cast %get3A_309 : vector<16xf32> to vector<1x1x16xf32>
            tpu.vector_store %arg8[%swap3A_594, %swap3A_595, %swap3A_596], %swap3A_599 {strides = array<i32>} : memref<2x1280x32xf32, #tpu.memory_space<vmem>>, vector<1x1x16xf32>,
            %swap3A_600 = arith.constant 0 : i32
            %swap3A_601 = arith.index_cast %swap3A_600 : i32 to index
            %swap3A_602 = arith.index_cast %add3A_375 : i32 to index
            %swap3A_603 = arith.constant 16 : index
            %swap3A_604 = tpu.vector_load %arg8[%swap3A_601, %swap3A_602, %swap3A_603] {strides = array<i32>} : memref<2x1280x32xf32, #tpu.memory_space<vmem>>, vector<1x1x16xf32>,
            %swap3A_605 = vector.shape_cast %swap3A_604 : vector<1x1x16xf32> to vector<16xf32>
            %swap3A_606 = vector.shape_cast %get3A_314 : vector<16xf32> to vector<1x1x16xf32>
            tpu.vector_store %arg8[%swap3A_601, %swap3A_602, %swap3A_603], %swap3A_606 {strides = array<i32>} : memref<2x1280x32xf32, #tpu.memory_space<vmem>>, vector<1x1x16xf32>,
          } else {
          }
          %eq3A_381 = arith.constant 999999 : i32
          %eq3A_382 = arith.cmpi eq, %squeeze3A_371, %eq3A_381 : i32
          %convert_element_type3A_383 = arith.extui %eq3A_382 : i1 to i32
          %cond3A_384 = arith.constant 0 : i32
          %cond3A_385 = arith.cmpi ne, %convert_element_type3A_383, %cond3A_384 : i32
          scf.if %cond3A_385 {
            %swap3A = arith.constant 0 : i32
            %swap3A_594 = arith.index_cast %swap3A : i32 to index
            %swap3A_595 = arith.index_cast %add3A_375 : i32 to index
            %swap3A_596 = arith.constant 0 : index
            %swap3A_597 = tpu.vector_load %arg8[%swap3A_594, %swap3A_595, %swap3A_596] {strides = array<i32>} : memref<2x1280x32xf32, #tpu.memory_space<vmem>>, vector<1x1x16xf32>,
            %swap3A_598 = vector.shape_cast %swap3A_597 : vector<1x1x16xf32> to vector<16xf32>
            %swap3A_599 = vector.shape_cast %get3A_319 : vector<16xf32> to vector<1x1x16xf32>
            tpu.vector_store %arg8[%swap3A_594, %swap3A_595, %swap3A_596], %swap3A_599 {strides = array<i32>} : memref<2x1280x32xf32, #tpu.memory_space<vmem>>, vector<1x1x16xf32>,
            %swap3A_600 = arith.constant 0 : i32
            %swap3A_601 = arith.index_cast %swap3A_600 : i32 to index
            %swap3A_602 = arith.index_cast %add3A_375 : i32 to index
            %swap3A_603 = arith.constant 16 : index
            %swap3A_604 = tpu.vector_load %arg8[%swap3A_601, %swap3A_602, %swap3A_603] {strides = array<i32>} : memref<2x1280x32xf32, #tpu.memory_space<vmem>>, vector<1x1x16xf32>,
            %swap3A_605 = vector.shape_cast %swap3A_604 : vector<1x1x16xf32> to vector<16xf32>
            %swap3A_606 = vector.shape_cast %get3A_324 : vector<16xf32> to vector<1x1x16xf32>
            tpu.vector_store %arg8[%swap3A_601, %swap3A_602, %swap3A_603], %swap3A_606 {strides = array<i32>} : memref<2x1280x32xf32, #tpu.memory_space<vmem>>, vector<1x1x16xf32>,
          } else {
          }
          %slice3A_386 = vector.extract_strided_slice %get3A_338 {offsets = [3], sizes = [1], strides = [1]} : vector<16xi32> to vector<1xi32>
          %squeeze3A_387 = vector.extract %slice3A_386[0] : i32 from vector<1xi32>
          %mul3A_388 = arith.constant 16 : i32
          %mul3A_389 = arith.muli %scan3A_331, %mul3A_388 : i32
          %add3A_390 = arith.constant 3 : i32
          %add3A_391 = arith.addi %mul3A_389, %add3A_390 : i32
          %eq3A_392 = arith.constant 999998 : i32
          %eq3A_393 = arith.cmpi eq, %squeeze3A_387, %eq3A_392 : i32
          %convert_element_type3A_394 = arith.extui %eq3A_393 : i1 to i32
          %cond3A_395 = arith.constant 0 : i32
          %cond3A_396 = arith.cmpi ne, %convert_element_type3A_394, %cond3A_395 : i32
          scf.if %cond3A_396 {
            %swap3A = arith.constant 0 : i32
            %swap3A_594 = arith.index_cast %swap3A : i32 to index
            %swap3A_595 = arith.index_cast %add3A_391 : i32 to index
            %swap3A_596 = arith.constant 0 : index
            %swap3A_597 = tpu.vector_load %arg8[%swap3A_594, %swap3A_595, %swap3A_596] {strides = array<i32>} : memref<2x1280x32xf32, #tpu.memory_space<vmem>>, vector<1x1x16xf32>,
            %swap3A_598 = vector.shape_cast %swap3A_597 : vector<1x1x16xf32> to vector<16xf32>
            %swap3A_599 = vector.shape_cast %get3A_309 : vector<16xf32> to vector<1x1x16xf32>
            tpu.vector_store %arg8[%swap3A_594, %swap3A_595, %swap3A_596], %swap3A_599 {strides = array<i32>} : memref<2x1280x32xf32, #tpu.memory_space<vmem>>, vector<1x1x16xf32>,
            %swap3A_600 = arith.constant 0 : i32
            %swap3A_601 = arith.index_cast %swap3A_600 : i32 to index
            %swap3A_602 = arith.index_cast %add3A_391 : i32 to index
            %swap3A_603 = arith.constant 16 : index
            %swap3A_604 = tpu.vector_load %arg8[%swap3A_601, %swap3A_602, %swap3A_603] {strides = array<i32>} : memref<2x1280x32xf32, #tpu.memory_space<vmem>>, vector<1x1x16xf32>,
            %swap3A_605 = vector.shape_cast %swap3A_604 : vector<1x1x16xf32> to vector<16xf32>
            %swap3A_606 = vector.shape_cast %get3A_314 : vector<16xf32> to vector<1x1x16xf32>
            tpu.vector_store %arg8[%swap3A_601, %swap3A_602, %swap3A_603], %swap3A_606 {strides = array<i32>} : memref<2x1280x32xf32, #tpu.memory_space<vmem>>, vector<1x1x16xf32>,
          } else {
          }
          %eq3A_397 = arith.constant 999999 : i32
          %eq3A_398 = arith.cmpi eq, %squeeze3A_387, %eq3A_397 : i32
          %convert_element_type3A_399 = arith.extui %eq3A_398 : i1 to i32
          %cond3A_400 = arith.constant 0 : i32
          %cond3A_401 = arith.cmpi ne, %convert_element_type3A_399, %cond3A_400 : i32
          scf.if %cond3A_401 {
            %swap3A = arith.constant 0 : i32
            %swap3A_594 = arith.index_cast %swap3A : i32 to index
            %swap3A_595 = arith.index_cast %add3A_391 : i32 to index
            %swap3A_596 = arith.constant 0 : index
            %swap3A_597 = tpu.vector_load %arg8[%swap3A_594, %swap3A_595, %swap3A_596] {strides = array<i32>} : memref<2x1280x32xf32, #tpu.memory_space<vmem>>, vector<1x1x16xf32>,
            %swap3A_598 = vector.shape_cast %swap3A_597 : vector<1x1x16xf32> to vector<16xf32>
            %swap3A_599 = vector.shape_cast %get3A_319 : vector<16xf32> to vector<1x1x16xf32>
            tpu.vector_store %arg8[%swap3A_594, %swap3A_595, %swap3A_596], %swap3A_599 {strides = array<i32>} : memref<2x1280x32xf32, #tpu.memory_space<vmem>>, vector<1x1x16xf32>,
            %swap3A_600 = arith.constant 0 : i32
            %swap3A_601 = arith.index_cast %swap3A_600 : i32 to index
            %swap3A_602 = arith.index_cast %add3A_391 : i32 to index
            %swap3A_603 = arith.constant 16 : index
            %swap3A_604 = tpu.vector_load %arg8[%swap3A_601, %swap3A_602, %swap3A_603] {strides = array<i32>} : memref<2x1280x32xf32, #tpu.memory_space<vmem>>, vector<1x1x16xf32>,
            %swap3A_605 = vector.shape_cast %swap3A_604 : vector<1x1x16xf32> to vector<16xf32>
            %swap3A_606 = vector.shape_cast %get3A_324 : vector<16xf32> to vector<1x1x16xf32>
            tpu.vector_store %arg8[%swap3A_601, %swap3A_602, %swap3A_603], %swap3A_606 {strides = array<i32>} : memref<2x1280x32xf32, #tpu.memory_space<vmem>>, vector<1x1x16xf32>,
          } else {
          }
          %slice3A_402 = vector.extract_strided_slice %get3A_338 {offsets = [4], sizes = [1], strides = [1]} : vector<16xi32> to vector<1xi32>
          %squeeze3A_403 = vector.extract %slice3A_402[0] : i32 from vector<1xi32>
          %mul3A_404 = arith.constant 16 : i32
          %mul3A_405 = arith.muli %scan3A_331, %mul3A_404 : i32
          %add3A_406 = arith.constant 4 : i32
          %add3A_407 = arith.addi %mul3A_405, %add3A_406 : i32
          %eq3A_408 = arith.constant 999998 : i32
          %eq3A_409 = arith.cmpi eq, %squeeze3A_403, %eq3A_408 : i32
          %convert_element_type3A_410 = arith.extui %eq3A_409 : i1 to i32
          %cond3A_411 = arith.constant 0 : i32
          %cond3A_412 = arith.cmpi ne, %convert_element_type3A_410, %cond3A_411 : i32
          scf.if %cond3A_412 {
            %swap3A = arith.constant 0 : i32
            %swap3A_594 = arith.index_cast %swap3A : i32 to index
            %swap3A_595 = arith.index_cast %add3A_407 : i32 to index
            %swap3A_596 = arith.constant 0 : index
            %swap3A_597 = tpu.vector_load %arg8[%swap3A_594, %swap3A_595, %swap3A_596] {strides = array<i32>} : memref<2x1280x32xf32, #tpu.memory_space<vmem>>, vector<1x1x16xf32>,
            %swap3A_598 = vector.shape_cast %swap3A_597 : vector<1x1x16xf32> to vector<16xf32>
            %swap3A_599 = vector.shape_cast %get3A_309 : vector<16xf32> to vector<1x1x16xf32>
            tpu.vector_store %arg8[%swap3A_594, %swap3A_595, %swap3A_596], %swap3A_599 {strides = array<i32>} : memref<2x1280x32xf32, #tpu.memory_space<vmem>>, vector<1x1x16xf32>,
            %swap3A_600 = arith.constant 0 : i32
            %swap3A_601 = arith.index_cast %swap3A_600 : i32 to index
            %swap3A_602 = arith.index_cast %add3A_407 : i32 to index
            %swap3A_603 = arith.constant 16 : index
            %swap3A_604 = tpu.vector_load %arg8[%swap3A_601, %swap3A_602, %swap3A_603] {strides = array<i32>} : memref<2x1280x32xf32, #tpu.memory_space<vmem>>, vector<1x1x16xf32>,
            %swap3A_605 = vector.shape_cast %swap3A_604 : vector<1x1x16xf32> to vector<16xf32>
            %swap3A_606 = vector.shape_cast %get3A_314 : vector<16xf32> to vector<1x1x16xf32>
            tpu.vector_store %arg8[%swap3A_601, %swap3A_602, %swap3A_603], %swap3A_606 {strides = array<i32>} : memref<2x1280x32xf32, #tpu.memory_space<vmem>>, vector<1x1x16xf32>,
          } else {
          }
          %eq3A_413 = arith.constant 999999 : i32
          %eq3A_414 = arith.cmpi eq, %squeeze3A_403, %eq3A_413 : i32
          %convert_element_type3A_415 = arith.extui %eq3A_414 : i1 to i32
          %cond3A_416 = arith.constant 0 : i32
          %cond3A_417 = arith.cmpi ne, %convert_element_type3A_415, %cond3A_416 : i32
          scf.if %cond3A_417 {
            %swap3A = arith.constant 0 : i32
            %swap3A_594 = arith.index_cast %swap3A : i32 to index
            %swap3A_595 = arith.index_cast %add3A_407 : i32 to index
            %swap3A_596 = arith.constant 0 : index
            %swap3A_597 = tpu.vector_load %arg8[%swap3A_594, %swap3A_595, %swap3A_596] {strides = array<i32>} : memref<2x1280x32xf32, #tpu.memory_space<vmem>>, vector<1x1x16xf32>,
            %swap3A_598 = vector.shape_cast %swap3A_597 : vector<1x1x16xf32> to vector<16xf32>
            %swap3A_599 = vector.shape_cast %get3A_319 : vector<16xf32> to vector<1x1x16xf32>
            tpu.vector_store %arg8[%swap3A_594, %swap3A_595, %swap3A_596], %swap3A_599 {strides = array<i32>} : memref<2x1280x32xf32, #tpu.memory_space<vmem>>, vector<1x1x16xf32>,
            %swap3A_600 = arith.constant 0 : i32
            %swap3A_601 = arith.index_cast %swap3A_600 : i32 to index
            %swap3A_602 = arith.index_cast %add3A_407 : i32 to index
            %swap3A_603 = arith.constant 16 : index
            %swap3A_604 = tpu.vector_load %arg8[%swap3A_601, %swap3A_602, %swap3A_603] {strides = array<i32>} : memref<2x1280x32xf32, #tpu.memory_space<vmem>>, vector<1x1x16xf32>,
            %swap3A_605 = vector.shape_cast %swap3A_604 : vector<1x1x16xf32> to vector<16xf32>
            %swap3A_606 = vector.shape_cast %get3A_324 : vector<16xf32> to vector<1x1x16xf32>
            tpu.vector_store %arg8[%swap3A_601, %swap3A_602, %swap3A_603], %swap3A_606 {strides = array<i32>} : memref<2x1280x32xf32, #tpu.memory_space<vmem>>, vector<1x1x16xf32>,
          } else {
          }
          %slice3A_418 = vector.extract_strided_slice %get3A_338 {offsets = [5], sizes = [1], strides = [1]} : vector<16xi32> to vector<1xi32>
          %squeeze3A_419 = vector.extract %slice3A_418[0] : i32 from vector<1xi32>
          %mul3A_420 = arith.constant 16 : i32
          %mul3A_421 = arith.muli %scan3A_331, %mul3A_420 : i32
          %add3A_422 = arith.constant 5 : i32
          %add3A_423 = arith.addi %mul3A_421, %add3A_422 : i32
          %eq3A_424 = arith.constant 999998 : i32
          %eq3A_425 = arith.cmpi eq, %squeeze3A_419, %eq3A_424 : i32
          %convert_element_type3A_426 = arith.extui %eq3A_425 : i1 to i32
          %cond3A_427 = arith.constant 0 : i32
          %cond3A_428 = arith.cmpi ne, %convert_element_type3A_426, %cond3A_427 : i32
          scf.if %cond3A_428 {
            %swap3A = arith.constant 0 : i32
            %swap3A_594 = arith.index_cast %swap3A : i32 to index
            %swap3A_595 = arith.index_cast %add3A_423 : i32 to index
            %swap3A_596 = arith.constant 0 : index
            %swap3A_597 = tpu.vector_load %arg8[%swap3A_594, %swap3A_595, %swap3A_596] {strides = array<i32>} : memref<2x1280x32xf32, #tpu.memory_space<vmem>>, vector<1x1x16xf32>,
            %swap3A_598 = vector.shape_cast %swap3A_597 : vector<1x1x16xf32> to vector<16xf32>
            %swap3A_599 = vector.shape_cast %get3A_309 : vector<16xf32> to vector<1x1x16xf32>
            tpu.vector_store %arg8[%swap3A_594, %swap3A_595, %swap3A_596], %swap3A_599 {strides = array<i32>} : memref<2x1280x32xf32, #tpu.memory_space<vmem>>, vector<1x1x16xf32>,
            %swap3A_600 = arith.constant 0 : i32
            %swap3A_601 = arith.index_cast %swap3A_600 : i32 to index
            %swap3A_602 = arith.index_cast %add3A_423 : i32 to index
            %swap3A_603 = arith.constant 16 : index
            %swap3A_604 = tpu.vector_load %arg8[%swap3A_601, %swap3A_602, %swap3A_603] {strides = array<i32>} : memref<2x1280x32xf32, #tpu.memory_space<vmem>>, vector<1x1x16xf32>,
            %swap3A_605 = vector.shape_cast %swap3A_604 : vector<1x1x16xf32> to vector<16xf32>
            %swap3A_606 = vector.shape_cast %get3A_314 : vector<16xf32> to vector<1x1x16xf32>
            tpu.vector_store %arg8[%swap3A_601, %swap3A_602, %swap3A_603], %swap3A_606 {strides = array<i32>} : memref<2x1280x32xf32, #tpu.memory_space<vmem>>, vector<1x1x16xf32>,
          } else {
          }
          %eq3A_429 = arith.constant 999999 : i32
          %eq3A_430 = arith.cmpi eq, %squeeze3A_419, %eq3A_429 : i32
          %convert_element_type3A_431 = arith.extui %eq3A_430 : i1 to i32
          %cond3A_432 = arith.constant 0 : i32
          %cond3A_433 = arith.cmpi ne, %convert_element_type3A_431, %cond3A_432 : i32
          scf.if %cond3A_433 {
            %swap3A = arith.constant 0 : i32
            %swap3A_594 = arith.index_cast %swap3A : i32 to index
            %swap3A_595 = arith.index_cast %add3A_423 : i32 to index
            %swap3A_596 = arith.constant 0 : index
            %swap3A_597 = tpu.vector_load %arg8[%swap3A_594, %swap3A_595, %swap3A_596] {strides = array<i32>} : memref<2x1280x32xf32, #tpu.memory_space<vmem>>, vector<1x1x16xf32>,
            %swap3A_598 = vector.shape_cast %swap3A_597 : vector<1x1x16xf32> to vector<16xf32>
            %swap3A_599 = vector.shape_cast %get3A_319 : vector<16xf32> to vector<1x1x16xf32>
            tpu.vector_store %arg8[%swap3A_594, %swap3A_595, %swap3A_596], %swap3A_599 {strides = array<i32>} : memref<2x1280x32xf32, #tpu.memory_space<vmem>>, vector<1x1x16xf32>,
            %swap3A_600 = arith.constant 0 : i32
            %swap3A_601 = arith.index_cast %swap3A_600 : i32 to index
            %swap3A_602 = arith.index_cast %add3A_423 : i32 to index
            %swap3A_603 = arith.constant 16 : index
            %swap3A_604 = tpu.vector_load %arg8[%swap3A_601, %swap3A_602, %swap3A_603] {strides = array<i32>} : memref<2x1280x32xf32, #tpu.memory_space<vmem>>, vector<1x1x16xf32>,
            %swap3A_605 = vector.shape_cast %swap3A_604 : vector<1x1x16xf32> to vector<16xf32>
            %swap3A_606 = vector.shape_cast %get3A_324 : vector<16xf32> to vector<1x1x16xf32>
            tpu.vector_store %arg8[%swap3A_601, %swap3A_602, %swap3A_603], %swap3A_606 {strides = array<i32>} : memref<2x1280x32xf32, #tpu.memory_space<vmem>>, vector<1x1x16xf32>,
          } else {
          }
          %slice3A_434 = vector.extract_strided_slice %get3A_338 {offsets = [6], sizes = [1], strides = [1]} : vector<16xi32> to vector<1xi32>
          %squeeze3A_435 = vector.extract %slice3A_434[0] : i32 from vector<1xi32>
          %mul3A_436 = arith.constant 16 : i32
          %mul3A_437 = arith.muli %scan3A_331, %mul3A_436 : i32
          %add3A_438 = arith.constant 6 : i32
          %add3A_439 = arith.addi %mul3A_437, %add3A_438 : i32
          %eq3A_440 = arith.constant 999998 : i32
          %eq3A_441 = arith.cmpi eq, %squeeze3A_435, %eq3A_440 : i32
          %convert_element_type3A_442 = arith.extui %eq3A_441 : i1 to i32
          %cond3A_443 = arith.constant 0 : i32
          %cond3A_444 = arith.cmpi ne, %convert_element_type3A_442, %cond3A_443 : i32
          scf.if %cond3A_444 {
            %swap3A = arith.constant 0 : i32
            %swap3A_594 = arith.index_cast %swap3A : i32 to index
            %swap3A_595 = arith.index_cast %add3A_439 : i32 to index
            %swap3A_596 = arith.constant 0 : index
            %swap3A_597 = tpu.vector_load %arg8[%swap3A_594, %swap3A_595, %swap3A_596] {strides = array<i32>} : memref<2x1280x32xf32, #tpu.memory_space<vmem>>, vector<1x1x16xf32>,
            %swap3A_598 = vector.shape_cast %swap3A_597 : vector<1x1x16xf32> to vector<16xf32>
            %swap3A_599 = vector.shape_cast %get3A_309 : vector<16xf32> to vector<1x1x16xf32>
            tpu.vector_store %arg8[%swap3A_594, %swap3A_595, %swap3A_596], %swap3A_599 {strides = array<i32>} : memref<2x1280x32xf32, #tpu.memory_space<vmem>>, vector<1x1x16xf32>,
            %swap3A_600 = arith.constant 0 : i32
            %swap3A_601 = arith.index_cast %swap3A_600 : i32 to index
            %swap3A_602 = arith.index_cast %add3A_439 : i32 to index
            %swap3A_603 = arith.constant 16 : index
            %swap3A_604 = tpu.vector_load %arg8[%swap3A_601, %swap3A_602, %swap3A_603] {strides = array<i32>} : memref<2x1280x32xf32, #tpu.memory_space<vmem>>, vector<1x1x16xf32>,
            %swap3A_605 = vector.shape_cast %swap3A_604 : vector<1x1x16xf32> to vector<16xf32>
            %swap3A_606 = vector.shape_cast %get3A_314 : vector<16xf32> to vector<1x1x16xf32>
            tpu.vector_store %arg8[%swap3A_601, %swap3A_602, %swap3A_603], %swap3A_606 {strides = array<i32>} : memref<2x1280x32xf32, #tpu.memory_space<vmem>>, vector<1x1x16xf32>,
          } else {
          }
          %eq3A_445 = arith.constant 999999 : i32
          %eq3A_446 = arith.cmpi eq, %squeeze3A_435, %eq3A_445 : i32
          %convert_element_type3A_447 = arith.extui %eq3A_446 : i1 to i32
          %cond3A_448 = arith.constant 0 : i32
          %cond3A_449 = arith.cmpi ne, %convert_element_type3A_447, %cond3A_448 : i32
          scf.if %cond3A_449 {
            %swap3A = arith.constant 0 : i32
            %swap3A_594 = arith.index_cast %swap3A : i32 to index
            %swap3A_595 = arith.index_cast %add3A_439 : i32 to index
            %swap3A_596 = arith.constant 0 : index
            %swap3A_597 = tpu.vector_load %arg8[%swap3A_594, %swap3A_595, %swap3A_596] {strides = array<i32>} : memref<2x1280x32xf32, #tpu.memory_space<vmem>>, vector<1x1x16xf32>,
            %swap3A_598 = vector.shape_cast %swap3A_597 : vector<1x1x16xf32> to vector<16xf32>
            %swap3A_599 = vector.shape_cast %get3A_319 : vector<16xf32> to vector<1x1x16xf32>
            tpu.vector_store %arg8[%swap3A_594, %swap3A_595, %swap3A_596], %swap3A_599 {strides = array<i32>} : memref<2x1280x32xf32, #tpu.memory_space<vmem>>, vector<1x1x16xf32>,
            %swap3A_600 = arith.constant 0 : i32
            %swap3A_601 = arith.index_cast %swap3A_600 : i32 to index
            %swap3A_602 = arith.index_cast %add3A_439 : i32 to index
            %swap3A_603 = arith.constant 16 : index
            %swap3A_604 = tpu.vector_load %arg8[%swap3A_601, %swap3A_602, %swap3A_603] {strides = array<i32>} : memref<2x1280x32xf32, #tpu.memory_space<vmem>>, vector<1x1x16xf32>,
            %swap3A_605 = vector.shape_cast %swap3A_604 : vector<1x1x16xf32> to vector<16xf32>
            %swap3A_606 = vector.shape_cast %get3A_324 : vector<16xf32> to vector<1x1x16xf32>
            tpu.vector_store %arg8[%swap3A_601, %swap3A_602, %swap3A_603], %swap3A_606 {strides = array<i32>} : memref<2x1280x32xf32, #tpu.memory_space<vmem>>, vector<1x1x16xf32>,
          } else {
          }
          %slice3A_450 = vector.extract_strided_slice %get3A_338 {offsets = [7], sizes = [1], strides = [1]} : vector<16xi32> to vector<1xi32>
          %squeeze3A_451 = vector.extract %slice3A_450[0] : i32 from vector<1xi32>
          %mul3A_452 = arith.constant 16 : i32
          %mul3A_453 = arith.muli %scan3A_331, %mul3A_452 : i32
          %add3A_454 = arith.constant 7 : i32
          %add3A_455 = arith.addi %mul3A_453, %add3A_454 : i32
          %eq3A_456 = arith.constant 999998 : i32
          %eq3A_457 = arith.cmpi eq, %squeeze3A_451, %eq3A_456 : i32
          %convert_element_type3A_458 = arith.extui %eq3A_457 : i1 to i32
          %cond3A_459 = arith.constant 0 : i32
          %cond3A_460 = arith.cmpi ne, %convert_element_type3A_458, %cond3A_459 : i32
          scf.if %cond3A_460 {
            %swap3A = arith.constant 0 : i32
            %swap3A_594 = arith.index_cast %swap3A : i32 to index
            %swap3A_595 = arith.index_cast %add3A_455 : i32 to index
            %swap3A_596 = arith.constant 0 : index
            %swap3A_597 = tpu.vector_load %arg8[%swap3A_594, %swap3A_595, %swap3A_596] {strides = array<i32>} : memref<2x1280x32xf32, #tpu.memory_space<vmem>>, vector<1x1x16xf32>,
            %swap3A_598 = vector.shape_cast %swap3A_597 : vector<1x1x16xf32> to vector<16xf32>
            %swap3A_599 = vector.shape_cast %get3A_309 : vector<16xf32> to vector<1x1x16xf32>
            tpu.vector_store %arg8[%swap3A_594, %swap3A_595, %swap3A_596], %swap3A_599 {strides = array<i32>} : memref<2x1280x32xf32, #tpu.memory_space<vmem>>, vector<1x1x16xf32>,
            %swap3A_600 = arith.constant 0 : i32
            %swap3A_601 = arith.index_cast %swap3A_600 : i32 to index
            %swap3A_602 = arith.index_cast %add3A_455 : i32 to index
            %swap3A_603 = arith.constant 16 : index
            %swap3A_604 = tpu.vector_load %arg8[%swap3A_601, %swap3A_602, %swap3A_603] {strides = array<i32>} : memref<2x1280x32xf32, #tpu.memory_space<vmem>>, vector<1x1x16xf32>,
            %swap3A_605 = vector.shape_cast %swap3A_604 : vector<1x1x16xf32> to vector<16xf32>
            %swap3A_606 = vector.shape_cast %get3A_314 : vector<16xf32> to vector<1x1x16xf32>
            tpu.vector_store %arg8[%swap3A_601, %swap3A_602, %swap3A_603], %swap3A_606 {strides = array<i32>} : memref<2x1280x32xf32, #tpu.memory_space<vmem>>, vector<1x1x16xf32>,
          } else {
          }
          %eq3A_461 = arith.constant 999999 : i32
          %eq3A_462 = arith.cmpi eq, %squeeze3A_451, %eq3A_461 : i32
          %convert_element_type3A_463 = arith.extui %eq3A_462 : i1 to i32
          %cond3A_464 = arith.constant 0 : i32
          %cond3A_465 = arith.cmpi ne, %convert_element_type3A_463, %cond3A_464 : i32
          scf.if %cond3A_465 {
            %swap3A = arith.constant 0 : i32
            %swap3A_594 = arith.index_cast %swap3A : i32 to index
            %swap3A_595 = arith.index_cast %add3A_455 : i32 to index
            %swap3A_596 = arith.constant 0 : index
            %swap3A_597 = tpu.vector_load %arg8[%swap3A_594, %swap3A_595, %swap3A_596] {strides = array<i32>} : memref<2x1280x32xf32, #tpu.memory_space<vmem>>, vector<1x1x16xf32>,
            %swap3A_598 = vector.shape_cast %swap3A_597 : vector<1x1x16xf32> to vector<16xf32>
            %swap3A_599 = vector.shape_cast %get3A_319 : vector<16xf32> to vector<1x1x16xf32>
            tpu.vector_store %arg8[%swap3A_594, %swap3A_595, %swap3A_596], %swap3A_599 {strides = array<i32>} : memref<2x1280x32xf32, #tpu.memory_space<vmem>>, vector<1x1x16xf32>,
            %swap3A_600 = arith.constant 0 : i32
            %swap3A_601 = arith.index_cast %swap3A_600 : i32 to index
            %swap3A_602 = arith.index_cast %add3A_455 : i32 to index
            %swap3A_603 = arith.constant 16 : index
            %swap3A_604 = tpu.vector_load %arg8[%swap3A_601, %swap3A_602, %swap3A_603] {strides = array<i32>} : memref<2x1280x32xf32, #tpu.memory_space<vmem>>, vector<1x1x16xf32>,
            %swap3A_605 = vector.shape_cast %swap3A_604 : vector<1x1x16xf32> to vector<16xf32>
            %swap3A_606 = vector.shape_cast %get3A_324 : vector<16xf32> to vector<1x1x16xf32>
            tpu.vector_store %arg8[%swap3A_601, %swap3A_602, %swap3A_603], %swap3A_606 {strides = array<i32>} : memref<2x1280x32xf32, #tpu.memory_space<vmem>>, vector<1x1x16xf32>,
          } else {
          }
          %slice3A_466 = vector.extract_strided_slice %get3A_338 {offsets = [8], sizes = [1], strides = [1]} : vector<16xi32> to vector<1xi32>
          %squeeze3A_467 = vector.extract %slice3A_466[0] : i32 from vector<1xi32>
          %mul3A_468 = arith.constant 16 : i32
          %mul3A_469 = arith.muli %scan3A_331, %mul3A_468 : i32
          %add3A_470 = arith.constant 8 : i32
          %add3A_471 = arith.addi %mul3A_469, %add3A_470 : i32
          %eq3A_472 = arith.constant 999998 : i32
          %eq3A_473 = arith.cmpi eq, %squeeze3A_467, %eq3A_472 : i32
          %convert_element_type3A_474 = arith.extui %eq3A_473 : i1 to i32
          %cond3A_475 = arith.constant 0 : i32
          %cond3A_476 = arith.cmpi ne, %convert_element_type3A_474, %cond3A_475 : i32
          scf.if %cond3A_476 {
            %swap3A = arith.constant 0 : i32
            %swap3A_594 = arith.index_cast %swap3A : i32 to index
            %swap3A_595 = arith.index_cast %add3A_471 : i32 to index
            %swap3A_596 = arith.constant 0 : index
            %swap3A_597 = tpu.vector_load %arg8[%swap3A_594, %swap3A_595, %swap3A_596] {strides = array<i32>} : memref<2x1280x32xf32, #tpu.memory_space<vmem>>, vector<1x1x16xf32>,
            %swap3A_598 = vector.shape_cast %swap3A_597 : vector<1x1x16xf32> to vector<16xf32>
            %swap3A_599 = vector.shape_cast %get3A_309 : vector<16xf32> to vector<1x1x16xf32>
            tpu.vector_store %arg8[%swap3A_594, %swap3A_595, %swap3A_596], %swap3A_599 {strides = array<i32>} : memref<2x1280x32xf32, #tpu.memory_space<vmem>>, vector<1x1x16xf32>,
            %swap3A_600 = arith.constant 0 : i32
            %swap3A_601 = arith.index_cast %swap3A_600 : i32 to index
            %swap3A_602 = arith.index_cast %add3A_471 : i32 to index
            %swap3A_603 = arith.constant 16 : index
            %swap3A_604 = tpu.vector_load %arg8[%swap3A_601, %swap3A_602, %swap3A_603] {strides = array<i32>} : memref<2x1280x32xf32, #tpu.memory_space<vmem>>, vector<1x1x16xf32>,
            %swap3A_605 = vector.shape_cast %swap3A_604 : vector<1x1x16xf32> to vector<16xf32>
            %swap3A_606 = vector.shape_cast %get3A_314 : vector<16xf32> to vector<1x1x16xf32>
            tpu.vector_store %arg8[%swap3A_601, %swap3A_602, %swap3A_603], %swap3A_606 {strides = array<i32>} : memref<2x1280x32xf32, #tpu.memory_space<vmem>>, vector<1x1x16xf32>,
          } else {
          }
          %eq3A_477 = arith.constant 999999 : i32
          %eq3A_478 = arith.cmpi eq, %squeeze3A_467, %eq3A_477 : i32
          %convert_element_type3A_479 = arith.extui %eq3A_478 : i1 to i32
          %cond3A_480 = arith.constant 0 : i32
          %cond3A_481 = arith.cmpi ne, %convert_element_type3A_479, %cond3A_480 : i32
          scf.if %cond3A_481 {
            %swap3A = arith.constant 0 : i32
            %swap3A_594 = arith.index_cast %swap3A : i32 to index
            %swap3A_595 = arith.index_cast %add3A_471 : i32 to index
            %swap3A_596 = arith.constant 0 : index
            %swap3A_597 = tpu.vector_load %arg8[%swap3A_594, %swap3A_595, %swap3A_596] {strides = array<i32>} : memref<2x1280x32xf32, #tpu.memory_space<vmem>>, vector<1x1x16xf32>,
            %swap3A_598 = vector.shape_cast %swap3A_597 : vector<1x1x16xf32> to vector<16xf32>
            %swap3A_599 = vector.shape_cast %get3A_319 : vector<16xf32> to vector<1x1x16xf32>
            tpu.vector_store %arg8[%swap3A_594, %swap3A_595, %swap3A_596], %swap3A_599 {strides = array<i32>} : memref<2x1280x32xf32, #tpu.memory_space<vmem>>, vector<1x1x16xf32>,
            %swap3A_600 = arith.constant 0 : i32
            %swap3A_601 = arith.index_cast %swap3A_600 : i32 to index
            %swap3A_602 = arith.index_cast %add3A_471 : i32 to index
            %swap3A_603 = arith.constant 16 : index
            %swap3A_604 = tpu.vector_load %arg8[%swap3A_601, %swap3A_602, %swap3A_603] {strides = array<i32>} : memref<2x1280x32xf32, #tpu.memory_space<vmem>>, vector<1x1x16xf32>,
            %swap3A_605 = vector.shape_cast %swap3A_604 : vector<1x1x16xf32> to vector<16xf32>
            %swap3A_606 = vector.shape_cast %get3A_324 : vector<16xf32> to vector<1x1x16xf32>
            tpu.vector_store %arg8[%swap3A_601, %swap3A_602, %swap3A_603], %swap3A_606 {strides = array<i32>} : memref<2x1280x32xf32, #tpu.memory_space<vmem>>, vector<1x1x16xf32>,
          } else {
          }
          %slice3A_482 = vector.extract_strided_slice %get3A_338 {offsets = [9], sizes = [1], strides = [1]} : vector<16xi32> to vector<1xi32>
          %squeeze3A_483 = vector.extract %slice3A_482[0] : i32 from vector<1xi32>
          %mul3A_484 = arith.constant 16 : i32
          %mul3A_485 = arith.muli %scan3A_331, %mul3A_484 : i32
          %add3A_486 = arith.constant 9 : i32
          %add3A_487 = arith.addi %mul3A_485, %add3A_486 : i32
          %eq3A_488 = arith.constant 999998 : i32
          %eq3A_489 = arith.cmpi eq, %squeeze3A_483, %eq3A_488 : i32
          %convert_element_type3A_490 = arith.extui %eq3A_489 : i1 to i32
          %cond3A_491 = arith.constant 0 : i32
          %cond3A_492 = arith.cmpi ne, %convert_element_type3A_490, %cond3A_491 : i32
          scf.if %cond3A_492 {
            %swap3A = arith.constant 0 : i32
            %swap3A_594 = arith.index_cast %swap3A : i32 to index
            %swap3A_595 = arith.index_cast %add3A_487 : i32 to index
            %swap3A_596 = arith.constant 0 : index
            %swap3A_597 = tpu.vector_load %arg8[%swap3A_594, %swap3A_595, %swap3A_596] {strides = array<i32>} : memref<2x1280x32xf32, #tpu.memory_space<vmem>>, vector<1x1x16xf32>,
            %swap3A_598 = vector.shape_cast %swap3A_597 : vector<1x1x16xf32> to vector<16xf32>
            %swap3A_599 = vector.shape_cast %get3A_309 : vector<16xf32> to vector<1x1x16xf32>
            tpu.vector_store %arg8[%swap3A_594, %swap3A_595, %swap3A_596], %swap3A_599 {strides = array<i32>} : memref<2x1280x32xf32, #tpu.memory_space<vmem>>, vector<1x1x16xf32>,
            %swap3A_600 = arith.constant 0 : i32
            %swap3A_601 = arith.index_cast %swap3A_600 : i32 to index
            %swap3A_602 = arith.index_cast %add3A_487 : i32 to index
            %swap3A_603 = arith.constant 16 : index
            %swap3A_604 = tpu.vector_load %arg8[%swap3A_601, %swap3A_602, %swap3A_603] {strides = array<i32>} : memref<2x1280x32xf32, #tpu.memory_space<vmem>>, vector<1x1x16xf32>,
            %swap3A_605 = vector.shape_cast %swap3A_604 : vector<1x1x16xf32> to vector<16xf32>
            %swap3A_606 = vector.shape_cast %get3A_314 : vector<16xf32> to vector<1x1x16xf32>
            tpu.vector_store %arg8[%swap3A_601, %swap3A_602, %swap3A_603], %swap3A_606 {strides = array<i32>} : memref<2x1280x32xf32, #tpu.memory_space<vmem>>, vector<1x1x16xf32>,
          } else {
          }
          %eq3A_493 = arith.constant 999999 : i32
          %eq3A_494 = arith.cmpi eq, %squeeze3A_483, %eq3A_493 : i32
          %convert_element_type3A_495 = arith.extui %eq3A_494 : i1 to i32
          %cond3A_496 = arith.constant 0 : i32
          %cond3A_497 = arith.cmpi ne, %convert_element_type3A_495, %cond3A_496 : i32
          scf.if %cond3A_497 {
            %swap3A = arith.constant 0 : i32
            %swap3A_594 = arith.index_cast %swap3A : i32 to index
            %swap3A_595 = arith.index_cast %add3A_487 : i32 to index
            %swap3A_596 = arith.constant 0 : index
            %swap3A_597 = tpu.vector_load %arg8[%swap3A_594, %swap3A_595, %swap3A_596] {strides = array<i32>} : memref<2x1280x32xf32, #tpu.memory_space<vmem>>, vector<1x1x16xf32>,
            %swap3A_598 = vector.shape_cast %swap3A_597 : vector<1x1x16xf32> to vector<16xf32>
            %swap3A_599 = vector.shape_cast %get3A_319 : vector<16xf32> to vector<1x1x16xf32>
            tpu.vector_store %arg8[%swap3A_594, %swap3A_595, %swap3A_596], %swap3A_599 {strides = array<i32>} : memref<2x1280x32xf32, #tpu.memory_space<vmem>>, vector<1x1x16xf32>,
            %swap3A_600 = arith.constant 0 : i32
            %swap3A_601 = arith.index_cast %swap3A_600 : i32 to index
            %swap3A_602 = arith.index_cast %add3A_487 : i32 to index
            %swap3A_603 = arith.constant 16 : index
            %swap3A_604 = tpu.vector_load %arg8[%swap3A_601, %swap3A_602, %swap3A_603] {strides = array<i32>} : memref<2x1280x32xf32, #tpu.memory_space<vmem>>, vector<1x1x16xf32>,
            %swap3A_605 = vector.shape_cast %swap3A_604 : vector<1x1x16xf32> to vector<16xf32>
            %swap3A_606 = vector.shape_cast %get3A_324 : vector<16xf32> to vector<1x1x16xf32>
            tpu.vector_store %arg8[%swap3A_601, %swap3A_602, %swap3A_603], %swap3A_606 {strides = array<i32>} : memref<2x1280x32xf32, #tpu.memory_space<vmem>>, vector<1x1x16xf32>,
          } else {
          }
          %slice3A_498 = vector.extract_strided_slice %get3A_338 {offsets = [10], sizes = [1], strides = [1]} : vector<16xi32> to vector<1xi32>
          %squeeze3A_499 = vector.extract %slice3A_498[0] : i32 from vector<1xi32>
          %mul3A_500 = arith.constant 16 : i32
          %mul3A_501 = arith.muli %scan3A_331, %mul3A_500 : i32
          %add3A_502 = arith.constant 10 : i32
          %add3A_503 = arith.addi %mul3A_501, %add3A_502 : i32
          %eq3A_504 = arith.constant 999998 : i32
          %eq3A_505 = arith.cmpi eq, %squeeze3A_499, %eq3A_504 : i32
          %convert_element_type3A_506 = arith.extui %eq3A_505 : i1 to i32
          %cond3A_507 = arith.constant 0 : i32
          %cond3A_508 = arith.cmpi ne, %convert_element_type3A_506, %cond3A_507 : i32
          scf.if %cond3A_508 {
            %swap3A = arith.constant 0 : i32
            %swap3A_594 = arith.index_cast %swap3A : i32 to index
            %swap3A_595 = arith.index_cast %add3A_503 : i32 to index
            %swap3A_596 = arith.constant 0 : index
            %swap3A_597 = tpu.vector_load %arg8[%swap3A_594, %swap3A_595, %swap3A_596] {strides = array<i32>} : memref<2x1280x32xf32, #tpu.memory_space<vmem>>, vector<1x1x16xf32>,
            %swap3A_598 = vector.shape_cast %swap3A_597 : vector<1x1x16xf32> to vector<16xf32>
            %swap3A_599 = vector.shape_cast %get3A_309 : vector<16xf32> to vector<1x1x16xf32>
            tpu.vector_store %arg8[%swap3A_594, %swap3A_595, %swap3A_596], %swap3A_599 {strides = array<i32>} : memref<2x1280x32xf32, #tpu.memory_space<vmem>>, vector<1x1x16xf32>,
            %swap3A_600 = arith.constant 0 : i32
            %swap3A_601 = arith.index_cast %swap3A_600 : i32 to index
            %swap3A_602 = arith.index_cast %add3A_503 : i32 to index
            %swap3A_603 = arith.constant 16 : index
            %swap3A_604 = tpu.vector_load %arg8[%swap3A_601, %swap3A_602, %swap3A_603] {strides = array<i32>} : memref<2x1280x32xf32, #tpu.memory_space<vmem>>, vector<1x1x16xf32>,
            %swap3A_605 = vector.shape_cast %swap3A_604 : vector<1x1x16xf32> to vector<16xf32>
            %swap3A_606 = vector.shape_cast %get3A_314 : vector<16xf32> to vector<1x1x16xf32>
            tpu.vector_store %arg8[%swap3A_601, %swap3A_602, %swap3A_603], %swap3A_606 {strides = array<i32>} : memref<2x1280x32xf32, #tpu.memory_space<vmem>>, vector<1x1x16xf32>,
          } else {
          }
          %eq3A_509 = arith.constant 999999 : i32
          %eq3A_510 = arith.cmpi eq, %squeeze3A_499, %eq3A_509 : i32
          %convert_element_type3A_511 = arith.extui %eq3A_510 : i1 to i32
          %cond3A_512 = arith.constant 0 : i32
          %cond3A_513 = arith.cmpi ne, %convert_element_type3A_511, %cond3A_512 : i32
          scf.if %cond3A_513 {
            %swap3A = arith.constant 0 : i32
            %swap3A_594 = arith.index_cast %swap3A : i32 to index
            %swap3A_595 = arith.index_cast %add3A_503 : i32 to index
            %swap3A_596 = arith.constant 0 : index
            %swap3A_597 = tpu.vector_load %arg8[%swap3A_594, %swap3A_595, %swap3A_596] {strides = array<i32>} : memref<2x1280x32xf32, #tpu.memory_space<vmem>>, vector<1x1x16xf32>,
            %swap3A_598 = vector.shape_cast %swap3A_597 : vector<1x1x16xf32> to vector<16xf32>
            %swap3A_599 = vector.shape_cast %get3A_319 : vector<16xf32> to vector<1x1x16xf32>
            tpu.vector_store %arg8[%swap3A_594, %swap3A_595, %swap3A_596], %swap3A_599 {strides = array<i32>} : memref<2x1280x32xf32, #tpu.memory_space<vmem>>, vector<1x1x16xf32>,
            %swap3A_600 = arith.constant 0 : i32
            %swap3A_601 = arith.index_cast %swap3A_600 : i32 to index
            %swap3A_602 = arith.index_cast %add3A_503 : i32 to index
            %swap3A_603 = arith.constant 16 : index
            %swap3A_604 = tpu.vector_load %arg8[%swap3A_601, %swap3A_602, %swap3A_603] {strides = array<i32>} : memref<2x1280x32xf32, #tpu.memory_space<vmem>>, vector<1x1x16xf32>,
            %swap3A_605 = vector.shape_cast %swap3A_604 : vector<1x1x16xf32> to vector<16xf32>
            %swap3A_606 = vector.shape_cast %get3A_324 : vector<16xf32> to vector<1x1x16xf32>
            tpu.vector_store %arg8[%swap3A_601, %swap3A_602, %swap3A_603], %swap3A_606 {strides = array<i32>} : memref<2x1280x32xf32, #tpu.memory_space<vmem>>, vector<1x1x16xf32>,
          } else {
          }
          %slice3A_514 = vector.extract_strided_slice %get3A_338 {offsets = [11], sizes = [1], strides = [1]} : vector<16xi32> to vector<1xi32>
          %squeeze3A_515 = vector.extract %slice3A_514[0] : i32 from vector<1xi32>
          %mul3A_516 = arith.constant 16 : i32
          %mul3A_517 = arith.muli %scan3A_331, %mul3A_516 : i32
          %add3A_518 = arith.constant 11 : i32
          %add3A_519 = arith.addi %mul3A_517, %add3A_518 : i32
          %eq3A_520 = arith.constant 999998 : i32
          %eq3A_521 = arith.cmpi eq, %squeeze3A_515, %eq3A_520 : i32
          %convert_element_type3A_522 = arith.extui %eq3A_521 : i1 to i32
          %cond3A_523 = arith.constant 0 : i32
          %cond3A_524 = arith.cmpi ne, %convert_element_type3A_522, %cond3A_523 : i32
          scf.if %cond3A_524 {
            %swap3A = arith.constant 0 : i32
            %swap3A_594 = arith.index_cast %swap3A : i32 to index
            %swap3A_595 = arith.index_cast %add3A_519 : i32 to index
            %swap3A_596 = arith.constant 0 : index
            %swap3A_597 = tpu.vector_load %arg8[%swap3A_594, %swap3A_595, %swap3A_596] {strides = array<i32>} : memref<2x1280x32xf32, #tpu.memory_space<vmem>>, vector<1x1x16xf32>,
            %swap3A_598 = vector.shape_cast %swap3A_597 : vector<1x1x16xf32> to vector<16xf32>
            %swap3A_599 = vector.shape_cast %get3A_309 : vector<16xf32> to vector<1x1x16xf32>
            tpu.vector_store %arg8[%swap3A_594, %swap3A_595, %swap3A_596], %swap3A_599 {strides = array<i32>} : memref<2x1280x32xf32, #tpu.memory_space<vmem>>, vector<1x1x16xf32>,
            %swap3A_600 = arith.constant 0 : i32
            %swap3A_601 = arith.index_cast %swap3A_600 : i32 to index
            %swap3A_602 = arith.index_cast %add3A_519 : i32 to index
            %swap3A_603 = arith.constant 16 : index
            %swap3A_604 = tpu.vector_load %arg8[%swap3A_601, %swap3A_602, %swap3A_603] {strides = array<i32>} : memref<2x1280x32xf32, #tpu.memory_space<vmem>>, vector<1x1x16xf32>,
            %swap3A_605 = vector.shape_cast %swap3A_604 : vector<1x1x16xf32> to vector<16xf32>
            %swap3A_606 = vector.shape_cast %get3A_314 : vector<16xf32> to vector<1x1x16xf32>
            tpu.vector_store %arg8[%swap3A_601, %swap3A_602, %swap3A_603], %swap3A_606 {strides = array<i32>} : memref<2x1280x32xf32, #tpu.memory_space<vmem>>, vector<1x1x16xf32>,
          } else {
          }
          %eq3A_525 = arith.constant 999999 : i32
          %eq3A_526 = arith.cmpi eq, %squeeze3A_515, %eq3A_525 : i32
          %convert_element_type3A_527 = arith.extui %eq3A_526 : i1 to i32
          %cond3A_528 = arith.constant 0 : i32
          %cond3A_529 = arith.cmpi ne, %convert_element_type3A_527, %cond3A_528 : i32
          scf.if %cond3A_529 {
            %swap3A = arith.constant 0 : i32
            %swap3A_594 = arith.index_cast %swap3A : i32 to index
            %swap3A_595 = arith.index_cast %add3A_519 : i32 to index
            %swap3A_596 = arith.constant 0 : index
            %swap3A_597 = tpu.vector_load %arg8[%swap3A_594, %swap3A_595, %swap3A_596] {strides = array<i32>} : memref<2x1280x32xf32, #tpu.memory_space<vmem>>, vector<1x1x16xf32>,
            %swap3A_598 = vector.shape_cast %swap3A_597 : vector<1x1x16xf32> to vector<16xf32>
            %swap3A_599 = vector.shape_cast %get3A_319 : vector<16xf32> to vector<1x1x16xf32>
            tpu.vector_store %arg8[%swap3A_594, %swap3A_595, %swap3A_596], %swap3A_599 {strides = array<i32>} : memref<2x1280x32xf32, #tpu.memory_space<vmem>>, vector<1x1x16xf32>,
            %swap3A_600 = arith.constant 0 : i32
            %swap3A_601 = arith.index_cast %swap3A_600 : i32 to index
            %swap3A_602 = arith.index_cast %add3A_519 : i32 to index
            %swap3A_603 = arith.constant 16 : index
            %swap3A_604 = tpu.vector_load %arg8[%swap3A_601, %swap3A_602, %swap3A_603] {strides = array<i32>} : memref<2x1280x32xf32, #tpu.memory_space<vmem>>, vector<1x1x16xf32>,
            %swap3A_605 = vector.shape_cast %swap3A_604 : vector<1x1x16xf32> to vector<16xf32>
            %swap3A_606 = vector.shape_cast %get3A_324 : vector<16xf32> to vector<1x1x16xf32>
            tpu.vector_store %arg8[%swap3A_601, %swap3A_602, %swap3A_603], %swap3A_606 {strides = array<i32>} : memref<2x1280x32xf32, #tpu.memory_space<vmem>>, vector<1x1x16xf32>,
          } else {
          }
          %slice3A_530 = vector.extract_strided_slice %get3A_338 {offsets = [12], sizes = [1], strides = [1]} : vector<16xi32> to vector<1xi32>
          %squeeze3A_531 = vector.extract %slice3A_530[0] : i32 from vector<1xi32>
          %mul3A_532 = arith.constant 16 : i32
          %mul3A_533 = arith.muli %scan3A_331, %mul3A_532 : i32
          %add3A_534 = arith.constant 12 : i32
          %add3A_535 = arith.addi %mul3A_533, %add3A_534 : i32
          %eq3A_536 = arith.constant 999998 : i32
          %eq3A_537 = arith.cmpi eq, %squeeze3A_531, %eq3A_536 : i32
          %convert_element_type3A_538 = arith.extui %eq3A_537 : i1 to i32
          %cond3A_539 = arith.constant 0 : i32
          %cond3A_540 = arith.cmpi ne, %convert_element_type3A_538, %cond3A_539 : i32
          scf.if %cond3A_540 {
            %swap3A = arith.constant 0 : i32
            %swap3A_594 = arith.index_cast %swap3A : i32 to index
            %swap3A_595 = arith.index_cast %add3A_535 : i32 to index
            %swap3A_596 = arith.constant 0 : index
            %swap3A_597 = tpu.vector_load %arg8[%swap3A_594, %swap3A_595, %swap3A_596] {strides = array<i32>} : memref<2x1280x32xf32, #tpu.memory_space<vmem>>, vector<1x1x16xf32>,
            %swap3A_598 = vector.shape_cast %swap3A_597 : vector<1x1x16xf32> to vector<16xf32>
            %swap3A_599 = vector.shape_cast %get3A_309 : vector<16xf32> to vector<1x1x16xf32>
            tpu.vector_store %arg8[%swap3A_594, %swap3A_595, %swap3A_596], %swap3A_599 {strides = array<i32>} : memref<2x1280x32xf32, #tpu.memory_space<vmem>>, vector<1x1x16xf32>,
            %swap3A_600 = arith.constant 0 : i32
            %swap3A_601 = arith.index_cast %swap3A_600 : i32 to index
            %swap3A_602 = arith.index_cast %add3A_535 : i32 to index
            %swap3A_603 = arith.constant 16 : index
            %swap3A_604 = tpu.vector_load %arg8[%swap3A_601, %swap3A_602, %swap3A_603] {strides = array<i32>} : memref<2x1280x32xf32, #tpu.memory_space<vmem>>, vector<1x1x16xf32>,
            %swap3A_605 = vector.shape_cast %swap3A_604 : vector<1x1x16xf32> to vector<16xf32>
            %swap3A_606 = vector.shape_cast %get3A_314 : vector<16xf32> to vector<1x1x16xf32>
            tpu.vector_store %arg8[%swap3A_601, %swap3A_602, %swap3A_603], %swap3A_606 {strides = array<i32>} : memref<2x1280x32xf32, #tpu.memory_space<vmem>>, vector<1x1x16xf32>,
          } else {
          }
          %eq3A_541 = arith.constant 999999 : i32
          %eq3A_542 = arith.cmpi eq, %squeeze3A_531, %eq3A_541 : i32
          %convert_element_type3A_543 = arith.extui %eq3A_542 : i1 to i32
          %cond3A_544 = arith.constant 0 : i32
          %cond3A_545 = arith.cmpi ne, %convert_element_type3A_543, %cond3A_544 : i32
          scf.if %cond3A_545 {
            %swap3A = arith.constant 0 : i32
            %swap3A_594 = arith.index_cast %swap3A : i32 to index
            %swap3A_595 = arith.index_cast %add3A_535 : i32 to index
            %swap3A_596 = arith.constant 0 : index
            %swap3A_597 = tpu.vector_load %arg8[%swap3A_594, %swap3A_595, %swap3A_596] {strides = array<i32>} : memref<2x1280x32xf32, #tpu.memory_space<vmem>>, vector<1x1x16xf32>,
            %swap3A_598 = vector.shape_cast %swap3A_597 : vector<1x1x16xf32> to vector<16xf32>
            %swap3A_599 = vector.shape_cast %get3A_319 : vector<16xf32> to vector<1x1x16xf32>
            tpu.vector_store %arg8[%swap3A_594, %swap3A_595, %swap3A_596], %swap3A_599 {strides = array<i32>} : memref<2x1280x32xf32, #tpu.memory_space<vmem>>, vector<1x1x16xf32>,
            %swap3A_600 = arith.constant 0 : i32
            %swap3A_601 = arith.index_cast %swap3A_600 : i32 to index
            %swap3A_602 = arith.index_cast %add3A_535 : i32 to index
            %swap3A_603 = arith.constant 16 : index
            %swap3A_604 = tpu.vector_load %arg8[%swap3A_601, %swap3A_602, %swap3A_603] {strides = array<i32>} : memref<2x1280x32xf32, #tpu.memory_space<vmem>>, vector<1x1x16xf32>,
            %swap3A_605 = vector.shape_cast %swap3A_604 : vector<1x1x16xf32> to vector<16xf32>
            %swap3A_606 = vector.shape_cast %get3A_324 : vector<16xf32> to vector<1x1x16xf32>
            tpu.vector_store %arg8[%swap3A_601, %swap3A_602, %swap3A_603], %swap3A_606 {strides = array<i32>} : memref<2x1280x32xf32, #tpu.memory_space<vmem>>, vector<1x1x16xf32>,
          } else {
          }
          %slice3A_546 = vector.extract_strided_slice %get3A_338 {offsets = [13], sizes = [1], strides = [1]} : vector<16xi32> to vector<1xi32>
          %squeeze3A_547 = vector.extract %slice3A_546[0] : i32 from vector<1xi32>
          %mul3A_548 = arith.constant 16 : i32
          %mul3A_549 = arith.muli %scan3A_331, %mul3A_548 : i32
          %add3A_550 = arith.constant 13 : i32
          %add3A_551 = arith.addi %mul3A_549, %add3A_550 : i32
          %eq3A_552 = arith.constant 999998 : i32
          %eq3A_553 = arith.cmpi eq, %squeeze3A_547, %eq3A_552 : i32
          %convert_element_type3A_554 = arith.extui %eq3A_553 : i1 to i32
          %cond3A_555 = arith.constant 0 : i32
          %cond3A_556 = arith.cmpi ne, %convert_element_type3A_554, %cond3A_555 : i32
          scf.if %cond3A_556 {
            %swap3A = arith.constant 0 : i32
            %swap3A_594 = arith.index_cast %swap3A : i32 to index
            %swap3A_595 = arith.index_cast %add3A_551 : i32 to index
            %swap3A_596 = arith.constant 0 : index
            %swap3A_597 = tpu.vector_load %arg8[%swap3A_594, %swap3A_595, %swap3A_596] {strides = array<i32>} : memref<2x1280x32xf32, #tpu.memory_space<vmem>>, vector<1x1x16xf32>,
            %swap3A_598 = vector.shape_cast %swap3A_597 : vector<1x1x16xf32> to vector<16xf32>
            %swap3A_599 = vector.shape_cast %get3A_309 : vector<16xf32> to vector<1x1x16xf32>
            tpu.vector_store %arg8[%swap3A_594, %swap3A_595, %swap3A_596], %swap3A_599 {strides = array<i32>} : memref<2x1280x32xf32, #tpu.memory_space<vmem>>, vector<1x1x16xf32>,
            %swap3A_600 = arith.constant 0 : i32
            %swap3A_601 = arith.index_cast %swap3A_600 : i32 to index
            %swap3A_602 = arith.index_cast %add3A_551 : i32 to index
            %swap3A_603 = arith.constant 16 : index
            %swap3A_604 = tpu.vector_load %arg8[%swap3A_601, %swap3A_602, %swap3A_603] {strides = array<i32>} : memref<2x1280x32xf32, #tpu.memory_space<vmem>>, vector<1x1x16xf32>,
            %swap3A_605 = vector.shape_cast %swap3A_604 : vector<1x1x16xf32> to vector<16xf32>
            %swap3A_606 = vector.shape_cast %get3A_314 : vector<16xf32> to vector<1x1x16xf32>
            tpu.vector_store %arg8[%swap3A_601, %swap3A_602, %swap3A_603], %swap3A_606 {strides = array<i32>} : memref<2x1280x32xf32, #tpu.memory_space<vmem>>, vector<1x1x16xf32>,
          } else {
          }
          %eq3A_557 = arith.constant 999999 : i32
          %eq3A_558 = arith.cmpi eq, %squeeze3A_547, %eq3A_557 : i32
          %convert_element_type3A_559 = arith.extui %eq3A_558 : i1 to i32
          %cond3A_560 = arith.constant 0 : i32
          %cond3A_561 = arith.cmpi ne, %convert_element_type3A_559, %cond3A_560 : i32
          scf.if %cond3A_561 {
            %swap3A = arith.constant 0 : i32
            %swap3A_594 = arith.index_cast %swap3A : i32 to index
            %swap3A_595 = arith.index_cast %add3A_551 : i32 to index
            %swap3A_596 = arith.constant 0 : index
            %swap3A_597 = tpu.vector_load %arg8[%swap3A_594, %swap3A_595, %swap3A_596] {strides = array<i32>} : memref<2x1280x32xf32, #tpu.memory_space<vmem>>, vector<1x1x16xf32>,
            %swap3A_598 = vector.shape_cast %swap3A_597 : vector<1x1x16xf32> to vector<16xf32>
            %swap3A_599 = vector.shape_cast %get3A_319 : vector<16xf32> to vector<1x1x16xf32>
            tpu.vector_store %arg8[%swap3A_594, %swap3A_595, %swap3A_596], %swap3A_599 {strides = array<i32>} : memref<2x1280x32xf32, #tpu.memory_space<vmem>>, vector<1x1x16xf32>,
            %swap3A_600 = arith.constant 0 : i32
            %swap3A_601 = arith.index_cast %swap3A_600 : i32 to index
            %swap3A_602 = arith.index_cast %add3A_551 : i32 to index
            %swap3A_603 = arith.constant 16 : index
            %swap3A_604 = tpu.vector_load %arg8[%swap3A_601, %swap3A_602, %swap3A_603] {strides = array<i32>} : memref<2x1280x32xf32, #tpu.memory_space<vmem>>, vector<1x1x16xf32>,
            %swap3A_605 = vector.shape_cast %swap3A_604 : vector<1x1x16xf32> to vector<16xf32>
            %swap3A_606 = vector.shape_cast %get3A_324 : vector<16xf32> to vector<1x1x16xf32>
            tpu.vector_store %arg8[%swap3A_601, %swap3A_602, %swap3A_603], %swap3A_606 {strides = array<i32>} : memref<2x1280x32xf32, #tpu.memory_space<vmem>>, vector<1x1x16xf32>,
          } else {
          }
          %slice3A_562 = vector.extract_strided_slice %get3A_338 {offsets = [14], sizes = [1], strides = [1]} : vector<16xi32> to vector<1xi32>
          %squeeze3A_563 = vector.extract %slice3A_562[0] : i32 from vector<1xi32>
          %mul3A_564 = arith.constant 16 : i32
          %mul3A_565 = arith.muli %scan3A_331, %mul3A_564 : i32
          %add3A_566 = arith.constant 14 : i32
          %add3A_567 = arith.addi %mul3A_565, %add3A_566 : i32
          %eq3A_568 = arith.constant 999998 : i32
          %eq3A_569 = arith.cmpi eq, %squeeze3A_563, %eq3A_568 : i32
          %convert_element_type3A_570 = arith.extui %eq3A_569 : i1 to i32
          %cond3A_571 = arith.constant 0 : i32
          %cond3A_572 = arith.cmpi ne, %convert_element_type3A_570, %cond3A_571 : i32
          scf.if %cond3A_572 {
            %swap3A = arith.constant 0 : i32
            %swap3A_594 = arith.index_cast %swap3A : i32 to index
            %swap3A_595 = arith.index_cast %add3A_567 : i32 to index
            %swap3A_596 = arith.constant 0 : index
            %swap3A_597 = tpu.vector_load %arg8[%swap3A_594, %swap3A_595, %swap3A_596] {strides = array<i32>} : memref<2x1280x32xf32, #tpu.memory_space<vmem>>, vector<1x1x16xf32>,
            %swap3A_598 = vector.shape_cast %swap3A_597 : vector<1x1x16xf32> to vector<16xf32>
            %swap3A_599 = vector.shape_cast %get3A_309 : vector<16xf32> to vector<1x1x16xf32>
            tpu.vector_store %arg8[%swap3A_594, %swap3A_595, %swap3A_596], %swap3A_599 {strides = array<i32>} : memref<2x1280x32xf32, #tpu.memory_space<vmem>>, vector<1x1x16xf32>,
            %swap3A_600 = arith.constant 0 : i32
            %swap3A_601 = arith.index_cast %swap3A_600 : i32 to index
            %swap3A_602 = arith.index_cast %add3A_567 : i32 to index
            %swap3A_603 = arith.constant 16 : index
            %swap3A_604 = tpu.vector_load %arg8[%swap3A_601, %swap3A_602, %swap3A_603] {strides = array<i32>} : memref<2x1280x32xf32, #tpu.memory_space<vmem>>, vector<1x1x16xf32>,
            %swap3A_605 = vector.shape_cast %swap3A_604 : vector<1x1x16xf32> to vector<16xf32>
            %swap3A_606 = vector.shape_cast %get3A_314 : vector<16xf32> to vector<1x1x16xf32>
            tpu.vector_store %arg8[%swap3A_601, %swap3A_602, %swap3A_603], %swap3A_606 {strides = array<i32>} : memref<2x1280x32xf32, #tpu.memory_space<vmem>>, vector<1x1x16xf32>,
          } else {
          }
          %eq3A_573 = arith.constant 999999 : i32
          %eq3A_574 = arith.cmpi eq, %squeeze3A_563, %eq3A_573 : i32
          %convert_element_type3A_575 = arith.extui %eq3A_574 : i1 to i32
          %cond3A_576 = arith.constant 0 : i32
          %cond3A_577 = arith.cmpi ne, %convert_element_type3A_575, %cond3A_576 : i32
          scf.if %cond3A_577 {
            %swap3A = arith.constant 0 : i32
            %swap3A_594 = arith.index_cast %swap3A : i32 to index
            %swap3A_595 = arith.index_cast %add3A_567 : i32 to index
            %swap3A_596 = arith.constant 0 : index
            %swap3A_597 = tpu.vector_load %arg8[%swap3A_594, %swap3A_595, %swap3A_596] {strides = array<i32>} : memref<2x1280x32xf32, #tpu.memory_space<vmem>>, vector<1x1x16xf32>,
            %swap3A_598 = vector.shape_cast %swap3A_597 : vector<1x1x16xf32> to vector<16xf32>
            %swap3A_599 = vector.shape_cast %get3A_319 : vector<16xf32> to vector<1x1x16xf32>
            tpu.vector_store %arg8[%swap3A_594, %swap3A_595, %swap3A_596], %swap3A_599 {strides = array<i32>} : memref<2x1280x32xf32, #tpu.memory_space<vmem>>, vector<1x1x16xf32>,
            %swap3A_600 = arith.constant 0 : i32
            %swap3A_601 = arith.index_cast %swap3A_600 : i32 to index
            %swap3A_602 = arith.index_cast %add3A_567 : i32 to index
            %swap3A_603 = arith.constant 16 : index
            %swap3A_604 = tpu.vector_load %arg8[%swap3A_601, %swap3A_602, %swap3A_603] {strides = array<i32>} : memref<2x1280x32xf32, #tpu.memory_space<vmem>>, vector<1x1x16xf32>,
            %swap3A_605 = vector.shape_cast %swap3A_604 : vector<1x1x16xf32> to vector<16xf32>
            %swap3A_606 = vector.shape_cast %get3A_324 : vector<16xf32> to vector<1x1x16xf32>
            tpu.vector_store %arg8[%swap3A_601, %swap3A_602, %swap3A_603], %swap3A_606 {strides = array<i32>} : memref<2x1280x32xf32, #tpu.memory_space<vmem>>, vector<1x1x16xf32>,
          } else {
          }
          %slice3A_578 = vector.extract_strided_slice %get3A_338 {offsets = [15], sizes = [1], strides = [1]} : vector<16xi32> to vector<1xi32>
          %squeeze3A_579 = vector.extract %slice3A_578[0] : i32 from vector<1xi32>
          %mul3A_580 = arith.constant 16 : i32
          %mul3A_581 = arith.muli %scan3A_331, %mul3A_580 : i32
          %add3A_582 = arith.constant 15 : i32
          %add3A_583 = arith.addi %mul3A_581, %add3A_582 : i32
          %eq3A_584 = arith.constant 999998 : i32
          %eq3A_585 = arith.cmpi eq, %squeeze3A_579, %eq3A_584 : i32
          %convert_element_type3A_586 = arith.extui %eq3A_585 : i1 to i32
          %cond3A_587 = arith.constant 0 : i32
          %cond3A_588 = arith.cmpi ne, %convert_element_type3A_586, %cond3A_587 : i32
          scf.if %cond3A_588 {
            %swap3A = arith.constant 0 : i32
            %swap3A_594 = arith.index_cast %swap3A : i32 to index
            %swap3A_595 = arith.index_cast %add3A_583 : i32 to index
            %swap3A_596 = arith.constant 0 : index
            %swap3A_597 = tpu.vector_load %arg8[%swap3A_594, %swap3A_595, %swap3A_596] {strides = array<i32>} : memref<2x1280x32xf32, #tpu.memory_space<vmem>>, vector<1x1x16xf32>,
            %swap3A_598 = vector.shape_cast %swap3A_597 : vector<1x1x16xf32> to vector<16xf32>
            %swap3A_599 = vector.shape_cast %get3A_309 : vector<16xf32> to vector<1x1x16xf32>
            tpu.vector_store %arg8[%swap3A_594, %swap3A_595, %swap3A_596], %swap3A_599 {strides = array<i32>} : memref<2x1280x32xf32, #tpu.memory_space<vmem>>, vector<1x1x16xf32>,
            %swap3A_600 = arith.constant 0 : i32
            %swap3A_601 = arith.index_cast %swap3A_600 : i32 to index
            %swap3A_602 = arith.index_cast %add3A_583 : i32 to index
            %swap3A_603 = arith.constant 16 : index
            %swap3A_604 = tpu.vector_load %arg8[%swap3A_601, %swap3A_602, %swap3A_603] {strides = array<i32>} : memref<2x1280x32xf32, #tpu.memory_space<vmem>>, vector<1x1x16xf32>,
            %swap3A_605 = vector.shape_cast %swap3A_604 : vector<1x1x16xf32> to vector<16xf32>
            %swap3A_606 = vector.shape_cast %get3A_314 : vector<16xf32> to vector<1x1x16xf32>
            tpu.vector_store %arg8[%swap3A_601, %swap3A_602, %swap3A_603], %swap3A_606 {strides = array<i32>} : memref<2x1280x32xf32, #tpu.memory_space<vmem>>, vector<1x1x16xf32>,
          } else {
          }
          %eq3A_589 = arith.constant 999999 : i32
          %eq3A_590 = arith.cmpi eq, %squeeze3A_579, %eq3A_589 : i32
          %convert_element_type3A_591 = arith.extui %eq3A_590 : i1 to i32
          %cond3A_592 = arith.constant 0 : i32
          %cond3A_593 = arith.cmpi ne, %convert_element_type3A_591, %cond3A_592 : i32
          scf.if %cond3A_593 {
            %swap3A = arith.constant 0 : i32
            %swap3A_594 = arith.index_cast %swap3A : i32 to index
            %swap3A_595 = arith.index_cast %add3A_583 : i32 to index
            %swap3A_596 = arith.constant 0 : index
            %swap3A_597 = tpu.vector_load %arg8[%swap3A_594, %swap3A_595, %swap3A_596] {strides = array<i32>} : memref<2x1280x32xf32, #tpu.memory_space<vmem>>, vector<1x1x16xf32>,
            %swap3A_598 = vector.shape_cast %swap3A_597 : vector<1x1x16xf32> to vector<16xf32>
            %swap3A_599 = vector.shape_cast %get3A_319 : vector<16xf32> to vector<1x1x16xf32>
            tpu.vector_store %arg8[%swap3A_594, %swap3A_595, %swap3A_596], %swap3A_599 {strides = array<i32>} : memref<2x1280x32xf32, #tpu.memory_space<vmem>>, vector<1x1x16xf32>,
            %swap3A_600 = arith.constant 0 : i32
            %swap3A_601 = arith.index_cast %swap3A_600 : i32 to index
            %swap3A_602 = arith.index_cast %add3A_583 : i32 to index
            %swap3A_603 = arith.constant 16 : index
            %swap3A_604 = tpu.vector_load %arg8[%swap3A_601, %swap3A_602, %swap3A_603] {strides = array<i32>} : memref<2x1280x32xf32, #tpu.memory_space<vmem>>, vector<1x1x16xf32>,
            %swap3A_605 = vector.shape_cast %swap3A_604 : vector<1x1x16xf32> to vector<16xf32>
            %swap3A_606 = vector.shape_cast %get3A_324 : vector<16xf32> to vector<1x1x16xf32>
            tpu.vector_store %arg8[%swap3A_601, %swap3A_602, %swap3A_603], %swap3A_606 {strides = array<i32>} : memref<2x1280x32xf32, #tpu.memory_space<vmem>>, vector<1x1x16xf32>,
          } else {
          }
        }
        %scan3A_330 = arith.constant 80 : i32
      } else {
      }
      %mul3A_185 = arith.constant 1280 : i32
      %mul3A_186 = arith.muli %add3A_100, %mul3A_185 : i32
      %add3A_187 = arith.addi %mul3A_2, %mul3A_186 : i32
      %dma_start3A = arith.constant 0 : i32
      %dma_start3A_188 = arith.constant 0 : i32
      %dma_start3A_189 = arith.constant 0 : i32
      %dma_start3A_190 = tpu.memref_slice %arg8[%dma_start3A, %dma_start3A_188, %dma_start3A_189] : memref<2x1280x32xf32, #tpu.memory_space<vmem>> -> memref<1x1280x32xf32, #tpu.memory_space<vmem>>
      %dma_start3A_191 = tpu.memref_squeeze %dma_start3A_190 : memref<1x1280x32xf32, #tpu.memory_space<vmem>> -> memref<1280x32xf32, #tpu.memory_space<vmem>>
      %dma_start3A_192 = arith.constant 0 : i32
      %dma_start3A_193 = tpu.memref_slice %arg5[%add3A_187, %dma_start3A_192] : memref<819200x32xf32, #tpu.memory_space<hbm>> -> memref<1280x32xf32, #tpu.memory_space<hbm>>
      %dma_start3A_194 = arith.constant 0 : i32
      %dma_start3A_195 = tpu.memref_slice %arg5[%add3A_187, %dma_start3A_194] : memref<819200x32xf32, #tpu.memory_space<hbm>> -> memref<1280x32xf32, #tpu.memory_space<hbm>>
      %dma_start3A_196 = arith.constant 0 : i32
      %dma_start3A_197 = arith.constant 0 : i32
      %dma_start3A_198 = tpu.memref_slice %arg8[%dma_start3A, %dma_start3A_196, %dma_start3A_197] : memref<2x1280x32xf32, #tpu.memory_space<vmem>> -> memref<1x1280x32xf32, #tpu.memory_space<vmem>>
      %dma_start3A_199 = tpu.memref_squeeze %dma_start3A_198 : memref<1x1280x32xf32, #tpu.memory_space<vmem>> -> memref<1280x32xf32, #tpu.memory_space<vmem>>
      tpu.enqueue_dma source(%dma_start3A_199 : memref<1280x32xf32, #tpu.memory_space<vmem>>) target(%dma_start3A_195 : memref<1280x32xf32, #tpu.memory_space<hbm>>) target_semaphore(%arg12 : memref<!tpu.dma_semaphore, #tpu.memory_space<semaphore_mem>>)
      %add3A_200 = arith.constant 1 : i32
      %add3A_201 = arith.addi %add3A_98, %add3A_200 : i32
      %gt3A_202 = arith.constant 0 : i32
      %gt3A_203 = arith.cmpi sgt, %add3A_201, %gt3A_202 : i32
      %convert_element_type3A_204 = arith.extui %gt3A_203 : i1 to i32
      %cond3A_205 = arith.constant 0 : i32
      %cond3A_206 = arith.cmpi ne, %convert_element_type3A_204, %cond3A_205 : i32
      scf.if %cond3A_206 {
        %sub3A = arith.constant 1 : i32
        %sub3A_306 = arith.subi %add3A_201, %sub3A : i32
        %mul3A_307 = arith.constant 1280 : i32
        %mul3A_308 = arith.muli %sub3A_306, %mul3A_307 : i32
        %add3A_309 = arith.addi %mul3A_2, %mul3A_308 : i32
        %dma_wait3A_310 = arith.constant 0 : i32
        %dma_wait3A_311 = arith.constant 0 : i32
        %dma_wait3A_312 = arith.constant 0 : i32
        %dma_wait3A_313 = tpu.memref_slice %arg8[%dma_wait3A_310, %dma_wait3A_311, %dma_wait3A_312] : memref<2x1280x32xf32, #tpu.memory_space<vmem>> -> memref<1x1280x32xf32, #tpu.memory_space<vmem>>
        %dma_wait3A_314 = tpu.memref_squeeze %dma_wait3A_313 : memref<1x1280x32xf32, #tpu.memory_space<vmem>> -> memref<1280x32xf32, #tpu.memory_space<vmem>>
        %dma_wait3A_315 = arith.constant 0 : i32
        %dma_wait3A_316 = tpu.memref_slice %arg5[%add3A_309, %dma_wait3A_315] : memref<819200x32xf32, #tpu.memory_space<hbm>> -> memref<1280x32xf32, #tpu.memory_space<hbm>>
        %dma_wait3A_317 = arith.constant 0 : i32
        %dma_wait3A_318 = tpu.memref_slice %arg5[%add3A_309, %dma_wait3A_317] : memref<819200x32xf32, #tpu.memory_space<hbm>> -> memref<1280x32xf32, #tpu.memory_space<hbm>>
        %dma_wait3A_319 = arith.constant 0 : i32
        %dma_wait3A_320 = arith.constant 0 : i32
        %dma_wait3A_321 = tpu.memref_slice %arg8[%dma_wait3A_310, %dma_wait3A_319, %dma_wait3A_320] : memref<2x1280x32xf32, #tpu.memory_space<vmem>> -> memref<1x1280x32xf32, #tpu.memory_space<vmem>>
        %dma_wait3A_322 = tpu.memref_squeeze %dma_wait3A_321 : memref<1x1280x32xf32, #tpu.memory_space<vmem>> -> memref<1280x32xf32, #tpu.memory_space<vmem>>
        tpu.wait_dma2 semaphore(%arg12 : memref<!tpu.dma_semaphore, #tpu.memory_space<semaphore_mem>>) src(%dma_wait3A_322 : memref<1280x32xf32, #tpu.memory_space<vmem>>) dst(%dma_wait3A_318 : memref<1280x32xf32, #tpu.memory_space<hbm>>)
      } else {
      }
      %add3A_207 = arith.constant 1 : i32
      %add3A_208 = arith.addi %add3A_201, %add3A_207 : i32
      %min3A_209 = arith.constant 19 : i32
      %min3A_210 = arith.minsi %add3A_208, %min3A_209 : i32
      %mul3A_211 = arith.constant 1280 : i32
      %mul3A_212 = arith.muli %min3A_210, %mul3A_211 : i32
      %add3A_213 = arith.addi %mul3A_2, %mul3A_212 : i32
      %run_scoped3A_214 = arith.constant 0 : i32
      "tpu.region"() ({
        %run_scoped3A_306 = tpu.sem_alloc : memref<!tpu.dma_semaphore, #tpu.memory_space<semaphore_mem>>
        %dma_start3A_307 = arith.constant 0 : i32
        %dma_start3A_308 = tpu.memref_slice %arg6[%run_scoped3A_214, %dma_start3A_307] : memref<2x1280xi32, #tpu.memory_space<vmem>> -> memref<1x1280xi32, #tpu.memory_space<vmem>>
        %dma_start3A_309 = tpu.memref_squeeze %dma_start3A_308 : memref<1x1280xi32, #tpu.memory_space<vmem>> -> memref<1280xi32, #tpu.memory_space<vmem>>
        %dma_start3A_310 = tpu.memref_slice %arg2[%add3A_213] : memref<819200xi32, #tpu.memory_space<hbm>> -> memref<1280xi32, #tpu.memory_space<hbm>>
        %dma_start3A_311 = arith.constant 0 : i32
        %dma_start3A_312 = tpu.memref_slice %arg6[%run_scoped3A_214, %dma_start3A_311] : memref<2x1280xi32, #tpu.memory_space<vmem>> -> memref<1x1280xi32, #tpu.memory_space<vmem>>
        %dma_start3A_313 = tpu.memref_squeeze %dma_start3A_312 : memref<1x1280xi32, #tpu.memory_space<vmem>> -> memref<1280xi32, #tpu.memory_space<vmem>>
        %dma_start3A_314 = tpu.memref_slice %arg2[%add3A_213] : memref<819200xi32, #tpu.memory_space<hbm>> -> memref<1280xi32, #tpu.memory_space<hbm>>
        tpu.enqueue_dma source(%dma_start3A_314 : memref<1280xi32, #tpu.memory_space<hbm>>) target(%dma_start3A_313 : memref<1280xi32, #tpu.memory_space<vmem>>) target_semaphore(%run_scoped3A_306 : memref<!tpu.dma_semaphore, #tpu.memory_space<semaphore_mem>>)
        %dma_wait3A_315 = arith.constant 0 : i32
        %dma_wait3A_316 = tpu.memref_slice %arg6[%run_scoped3A_214, %dma_wait3A_315] : memref<2x1280xi32, #tpu.memory_space<vmem>> -> memref<1x1280xi32, #tpu.memory_space<vmem>>
        %dma_wait3A_317 = tpu.memref_squeeze %dma_wait3A_316 : memref<1x1280xi32, #tpu.memory_space<vmem>> -> memref<1280xi32, #tpu.memory_space<vmem>>
        %dma_wait3A_318 = tpu.memref_slice %arg2[%add3A_213] : memref<819200xi32, #tpu.memory_space<hbm>> -> memref<1280xi32, #tpu.memory_space<hbm>>
        %dma_wait3A_319 = arith.constant 0 : i32
        %dma_wait3A_320 = tpu.memref_slice %arg6[%run_scoped3A_214, %dma_wait3A_319] : memref<2x1280xi32, #tpu.memory_space<vmem>> -> memref<1x1280xi32, #tpu.memory_space<vmem>>
        %dma_wait3A_321 = tpu.memref_squeeze %dma_wait3A_320 : memref<1x1280xi32, #tpu.memory_space<vmem>> -> memref<1280xi32, #tpu.memory_space<vmem>>
        %dma_wait3A_322 = tpu.memref_slice %arg2[%add3A_213] : memref<819200xi32, #tpu.memory_space<hbm>> -> memref<1280xi32, #tpu.memory_space<hbm>>
        tpu.wait_dma2 semaphore(%run_scoped3A_306 : memref<!tpu.dma_semaphore, #tpu.memory_space<semaphore_mem>>) src(%dma_wait3A_322 : memref<1280xi32, #tpu.memory_space<hbm>>) dst(%dma_wait3A_321 : memref<1280xi32, #tpu.memory_space<vmem>>)
        tpu.yield
      }) : () -> ()
      %broadcast_in_dim3A_215 = arith.constant 0 : i32
      %broadcast_in_dim3A_216 = vector.broadcast %broadcast_in_dim3A_215 : i32 to vector<16xi32>
      %scan3A_217 = arith.constant 0 : i32
      %scan3A_218 = arith.constant 80 : i32
      %scan3A_219 = arith.addi %scan3A_217, %scan3A_218 : i32
      %scan3A_220 = arith.constant 1 : i32
      %scan3A_221 = scf.for %scan3A_306 = %scan3A_217 to %scan3A_219 step %scan3A_220 iter_args(%scan3A_307 = %broadcast_in_dim3A_216) -> (vector<16xi32>)  : i32 {
        %mul3A_308 = arith.constant 16 : i32
        %mul3A_309 = arith.muli %scan3A_306, %mul3A_308 : i32
        %get3A = arith.constant 0 : i32
        %get3A_310 = arith.index_cast %get3A : i32 to index
        %get3A_311 = arith.index_cast %mul3A_309 : i32 to index
        %get3A_312 = tpu.vector_load %arg6[%get3A_310, %get3A_311] {strides = array<i32>} : memref<2x1280xi32, #tpu.memory_space<vmem>>, vector<1x16xi32>,
        %get3A_313 = vector.shape_cast %get3A_312 : vector<1x16xi32> to vector<16xi32>
        %min3A_314 = arith.constant 999997 : i32
        %min3A_315 = vector.broadcast %min3A_314 : i32 to vector<16xi32>
        %min3A_316 = arith.minsi %get3A_313, %min3A_315 : vector<16xi32>
        %mul3A_317 = arith.constant 16 : i32
        %mul3A_318 = arith.muli %scan3A_306, %mul3A_317 : i32
        %swap3A = arith.constant 0 : i32
        %swap3A_319 = arith.index_cast %swap3A : i32 to index
        %swap3A_320 = arith.index_cast %mul3A_318 : i32 to index
        %swap3A_321 = tpu.vector_load %arg7[%swap3A_319, %swap3A_320] {strides = array<i32>} : memref<2x1280xi32, #tpu.memory_space<vmem>>, vector<1x16xi32>,
        %swap3A_322 = vector.shape_cast %swap3A_321 : vector<1x16xi32> to vector<16xi32>
        %swap3A_323 = vector.shape_cast %min3A_316 : vector<16xi32> to vector<1x16xi32>
        tpu.vector_store %arg7[%swap3A_319, %swap3A_320], %swap3A_323 {strides = array<i32>} : memref<2x1280xi32, #tpu.memory_space<vmem>>, vector<1x16xi32>,
        %mul3A_324 = arith.constant 16 : i32
        %mul3A_325 = arith.muli %scan3A_306, %mul3A_324 : i32
        %dma_start3A_326 = arith.constant 0 : i32
        %dma_start3A_327 = arith.constant 0 : i32
        %dma_start3A_328 = tpu.memref_slice %arg8[%dma_start3A_326, %mul3A_325, %dma_start3A_327] : memref<2x1280x32xf32, #tpu.memory_space<vmem>> -> memref<1x16x32xf32, #tpu.memory_space<vmem>>
        %dma_start3A_329 = tpu.memref_squeeze %dma_start3A_328 : memref<1x16x32xf32, #tpu.memory_space<vmem>> -> memref<16x32xf32, #tpu.memory_space<vmem>>
        %dma_start3A_330 = arith.constant 0 : i32
        %dma_start3A_331 = arith.constant 0 : i32
        %dma_start3A_332 = tpu.memref_slice %arg3[%dma_start3A_330, %dma_start3A_331] : memref<999998x32xf32, #tpu.memory_space<hbm>> -> memref<999998x32xf32, #tpu.memory_space<hbm>>
        tpu.enqueue_indirect_dma source(%dma_start3A_332 : memref<999998x32xf32, #tpu.memory_space<hbm>>) target(%dma_start3A_329 : memref<16x32xf32, #tpu.memory_space<vmem>>) offsets(%min3A_316 : vector<16xi32>) semaphore(%arg10 : memref<!tpu.dma_semaphore, #tpu.memory_space<semaphore_mem>>)
        %max3A_333 = arith.maxsi %scan3A_307, %get3A_313 : vector<16xi32>
        scf.yield %max3A_333 : vector<16xi32>
      }
      %scan3A_222 = arith.constant 80 : i32
      %slice3A_223 = vector.extract_strided_slice %scan3A_221 {offsets = [0], sizes = [1], strides = [1]} : vector<16xi32> to vector<1xi32>
      %squeeze3A_224 = vector.extract %slice3A_223[0] : i32 from vector<1xi32>
      %slice3A_225 = vector.extract_strided_slice %scan3A_221 {offsets = [1], sizes = [1], strides = [1]} : vector<16xi32> to vector<1xi32>
      %squeeze3A_226 = vector.extract %slice3A_225[0] : i32 from vector<1xi32>
      %max3A_227 = arith.maxsi %squeeze3A_224, %squeeze3A_226 : i32
      %slice3A_228 = vector.extract_strided_slice %scan3A_221 {offsets = [2], sizes = [1], strides = [1]} : vector<16xi32> to vector<1xi32>
      %squeeze3A_229 = vector.extract %slice3A_228[0] : i32 from vector<1xi32>
      %max3A_230 = arith.maxsi %max3A_227, %squeeze3A_229 : i32
      %slice3A_231 = vector.extract_strided_slice %scan3A_221 {offsets = [3], sizes = [1], strides = [1]} : vector<16xi32> to vector<1xi32>
      %squeeze3A_232 = vector.extract %slice3A_231[0] : i32 from vector<1xi32>
      %max3A_233 = arith.maxsi %max3A_230, %squeeze3A_232 : i32
      %slice3A_234 = vector.extract_strided_slice %scan3A_221 {offsets = [4], sizes = [1], strides = [1]} : vector<16xi32> to vector<1xi32>
      %squeeze3A_235 = vector.extract %slice3A_234[0] : i32 from vector<1xi32>
      %max3A_236 = arith.maxsi %max3A_233, %squeeze3A_235 : i32
      %slice3A_237 = vector.extract_strided_slice %scan3A_221 {offsets = [5], sizes = [1], strides = [1]} : vector<16xi32> to vector<1xi32>
      %squeeze3A_238 = vector.extract %slice3A_237[0] : i32 from vector<1xi32>
      %max3A_239 = arith.maxsi %max3A_236, %squeeze3A_238 : i32
      %slice3A_240 = vector.extract_strided_slice %scan3A_221 {offsets = [6], sizes = [1], strides = [1]} : vector<16xi32> to vector<1xi32>
      %squeeze3A_241 = vector.extract %slice3A_240[0] : i32 from vector<1xi32>
      %max3A_242 = arith.maxsi %max3A_239, %squeeze3A_241 : i32
      %slice3A_243 = vector.extract_strided_slice %scan3A_221 {offsets = [7], sizes = [1], strides = [1]} : vector<16xi32> to vector<1xi32>
      %squeeze3A_244 = vector.extract %slice3A_243[0] : i32 from vector<1xi32>
      %max3A_245 = arith.maxsi %max3A_242, %squeeze3A_244 : i32
      %slice3A_246 = vector.extract_strided_slice %scan3A_221 {offsets = [8], sizes = [1], strides = [1]} : vector<16xi32> to vector<1xi32>
      %squeeze3A_247 = vector.extract %slice3A_246[0] : i32 from vector<1xi32>
      %max3A_248 = arith.maxsi %max3A_245, %squeeze3A_247 : i32
      %slice3A_249 = vector.extract_strided_slice %scan3A_221 {offsets = [9], sizes = [1], strides = [1]} : vector<16xi32> to vector<1xi32>
      %squeeze3A_250 = vector.extract %slice3A_249[0] : i32 from vector<1xi32>
      %max3A_251 = arith.maxsi %max3A_248, %squeeze3A_250 : i32
      %slice3A_252 = vector.extract_strided_slice %scan3A_221 {offsets = [10], sizes = [1], strides = [1]} : vector<16xi32> to vector<1xi32>
      %squeeze3A_253 = vector.extract %slice3A_252[0] : i32 from vector<1xi32>
      %max3A_254 = arith.maxsi %max3A_251, %squeeze3A_253 : i32
      %slice3A_255 = vector.extract_strided_slice %scan3A_221 {offsets = [11], sizes = [1], strides = [1]} : vector<16xi32> to vector<1xi32>
      %squeeze3A_256 = vector.extract %slice3A_255[0] : i32 from vector<1xi32>
      %max3A_257 = arith.maxsi %max3A_254, %squeeze3A_256 : i32
      %slice3A_258 = vector.extract_strided_slice %scan3A_221 {offsets = [12], sizes = [1], strides = [1]} : vector<16xi32> to vector<1xi32>
      %squeeze3A_259 = vector.extract %slice3A_258[0] : i32 from vector<1xi32>
      %max3A_260 = arith.maxsi %max3A_257, %squeeze3A_259 : i32
      %slice3A_261 = vector.extract_strided_slice %scan3A_221 {offsets = [13], sizes = [1], strides = [1]} : vector<16xi32> to vector<1xi32>
      %squeeze3A_262 = vector.extract %slice3A_261[0] : i32 from vector<1xi32>
      %max3A_263 = arith.maxsi %max3A_260, %squeeze3A_262 : i32
      %slice3A_264 = vector.extract_strided_slice %scan3A_221 {offsets = [14], sizes = [1], strides = [1]} : vector<16xi32> to vector<1xi32>
      %squeeze3A_265 = vector.extract %slice3A_264[0] : i32 from vector<1xi32>
      %max3A_266 = arith.maxsi %max3A_263, %squeeze3A_265 : i32
      %slice3A_267 = vector.extract_strided_slice %scan3A_221 {offsets = [15], sizes = [1], strides = [1]} : vector<16xi32> to vector<1xi32>
      %squeeze3A_268 = vector.extract %slice3A_267[0] : i32 from vector<1xi32>
      %max3A_269 = arith.maxsi %max3A_266, %squeeze3A_268 : i32
      %dma_wait3A_270 = arith.constant 1 : i32
      %dma_wait3A_271 = arith.constant 0 : i32
      %dma_wait3A_272 = arith.constant 0 : i32
      %dma_wait3A_273 = tpu.memref_slice %arg8[%dma_wait3A_270, %dma_wait3A_271, %dma_wait3A_272] : memref<2x1280x32xf32, #tpu.memory_space<vmem>> -> memref<1x1280x32xf32, #tpu.memory_space<vmem>>
      %dma_wait3A_274 = tpu.memref_squeeze %dma_wait3A_273 : memref<1x1280x32xf32, #tpu.memory_space<vmem>> -> memref<1280x32xf32, #tpu.memory_space<vmem>>
      %dma_wait3A_275 = arith.constant 0 : i32
      %dma_wait3A_276 = arith.constant 0 : i32
      %dma_wait3A_277 = tpu.memref_slice %arg3[%dma_wait3A_275, %dma_wait3A_276] : memref<999998x32xf32, #tpu.memory_space<hbm>> -> memref<1280x32xf32, #tpu.memory_space<hbm>>
      %dma_wait3A_278 = arith.constant 0 : i32
      %dma_wait3A_279 = arith.constant 0 : i32
      %dma_wait3A_280 = tpu.memref_slice %arg8[%dma_wait3A_270, %dma_wait3A_278, %dma_wait3A_279] : memref<2x1280x32xf32, #tpu.memory_space<vmem>> -> memref<1x1280x32xf32, #tpu.memory_space<vmem>>
      %dma_wait3A_281 = tpu.memref_squeeze %dma_wait3A_280 : memref<1x1280x32xf32, #tpu.memory_space<vmem>> -> memref<1280x32xf32, #tpu.memory_space<vmem>>
      %dma_wait3A_282 = arith.constant 0 : i32
      %dma_wait3A_283 = arith.constant 0 : i32
      %dma_wait3A_284 = tpu.memref_slice %arg3[%dma_wait3A_282, %dma_wait3A_283] : memref<999998x32xf32, #tpu.memory_space<hbm>> -> memref<1280x32xf32, #tpu.memory_space<hbm>>
      tpu.wait_dma2 semaphore(%arg11 : memref<!tpu.dma_semaphore, #tpu.memory_space<semaphore_mem>>) src(%dma_wait3A_284 : memref<1280x32xf32, #tpu.memory_space<hbm>>) dst(%dma_wait3A_281 : memref<1280x32xf32, #tpu.memory_space<vmem>>)
      %ge3A_285 = arith.constant 999998 : i32
      %ge3A_286 = arith.cmpi sge, %max3A_165, %ge3A_285 : i32
      %convert_element_type3A_287 = arith.extui %ge3A_286 : i1 to i32
      %cond3A_288 = arith.constant 0 : i32
      %cond3A_289 = arith.cmpi ne, %convert_element_type3A_287, %cond3A_288 : i32
      scf.if %cond3A_289 {
        %get3A = arith.constant 0 : i32
        %get3A_306 = arith.index_cast %get3A : i32 to index
        %get3A_307 = arith.constant 0 : index
        %get3A_308 = tpu.vector_load %arg9[%get3A_306, %get3A_307] {strides = array<i32>} : memref<2x32xf32, #tpu.memory_space<vmem>>, vector<1x16xf32>,
        %get3A_309 = vector.shape_cast %get3A_308 : vector<1x16xf32> to vector<16xf32>
        %get3A_310 = arith.constant 0 : i32
        %get3A_311 = arith.index_cast %get3A_310 : i32 to index
        %get3A_312 = arith.constant 16 : index
        %get3A_313 = tpu.vector_load %arg9[%get3A_311, %get3A_312] {strides = array<i32>} : memref<2x32xf32, #tpu.memory_space<vmem>>, vector<1x16xf32>,
        %get3A_314 = vector.shape_cast %get3A_313 : vector<1x16xf32> to vector<16xf32>
        %get3A_315 = arith.constant 1 : i32
        %get3A_316 = arith.index_cast %get3A_315 : i32 to index
        %get3A_317 = arith.constant 0 : index
        %get3A_318 = tpu.vector_load %arg9[%get3A_316, %get3A_317] {strides = array<i32>} : memref<2x32xf32, #tpu.memory_space<vmem>>, vector<1x16xf32>,
        %get3A_319 = vector.shape_cast %get3A_318 : vector<1x16xf32> to vector<16xf32>
        %get3A_320 = arith.constant 1 : i32
        %get3A_321 = arith.index_cast %get3A_320 : i32 to index
        %get3A_322 = arith.constant 16 : index
        %get3A_323 = tpu.vector_load %arg9[%get3A_321, %get3A_322] {strides = array<i32>} : memref<2x32xf32, #tpu.memory_space<vmem>>, vector<1x16xf32>,
        %get3A_324 = vector.shape_cast %get3A_323 : vector<1x16xf32> to vector<16xf32>
        %scan3A_325 = arith.constant 0 : i32
        %scan3A_326 = arith.constant 0 : i32
        %scan3A_327 = arith.constant 80 : i32
        %scan3A_328 = arith.addi %scan3A_326, %scan3A_327 : i32
        %scan3A_329 = arith.constant 1 : i32
        scf.for %scan3A_331 = %scan3A_326 to %scan3A_328 step %scan3A_329  : i32 {
          %mul3A_332 = arith.constant 16 : i32
          %mul3A_333 = arith.muli %scan3A_331, %mul3A_332 : i32
          %get3A_334 = arith.constant 1 : i32
          %get3A_335 = arith.index_cast %get3A_334 : i32 to index
          %get3A_336 = arith.index_cast %mul3A_333 : i32 to index
          %get3A_337 = tpu.vector_load %arg6[%get3A_335, %get3A_336] {strides = array<i32>} : memref<2x1280xi32, #tpu.memory_space<vmem>>, vector<1x16xi32>,
          %get3A_338 = vector.shape_cast %get3A_337 : vector<1x16xi32> to vector<16xi32>
          %slice3A_339 = vector.extract_strided_slice %get3A_338 {offsets = [0], sizes = [1], strides = [1]} : vector<16xi32> to vector<1xi32>
          %squeeze3A_340 = vector.extract %slice3A_339[0] : i32 from vector<1xi32>
          %mul3A_341 = arith.constant 16 : i32
          %mul3A_342 = arith.muli %scan3A_331, %mul3A_341 : i32
          %add3A_343 = arith.constant 0 : i32
          %add3A_344 = arith.addi %mul3A_342, %add3A_343 : i32
          %eq3A = arith.constant 999998 : i32
          %eq3A_345 = arith.cmpi eq, %squeeze3A_340, %eq3A : i32
          %convert_element_type3A_346 = arith.extui %eq3A_345 : i1 to i32
          %cond3A_347 = arith.constant 0 : i32
          %cond3A_348 = arith.cmpi ne, %convert_element_type3A_346, %cond3A_347 : i32
          scf.if %cond3A_348 {
            %swap3A = arith.constant 1 : i32
            %swap3A_594 = arith.index_cast %swap3A : i32 to index
            %swap3A_595 = arith.index_cast %add3A_344 : i32 to index
            %swap3A_596 = arith.constant 0 : index
            %swap3A_597 = tpu.vector_load %arg8[%swap3A_594, %swap3A_595, %swap3A_596] {strides = array<i32>} : memref<2x1280x32xf32, #tpu.memory_space<vmem>>, vector<1x1x16xf32>,
            %swap3A_598 = vector.shape_cast %swap3A_597 : vector<1x1x16xf32> to vector<16xf32>
            %swap3A_599 = vector.shape_cast %get3A_309 : vector<16xf32> to vector<1x1x16xf32>
            tpu.vector_store %arg8[%swap3A_594, %swap3A_595, %swap3A_596], %swap3A_599 {strides = array<i32>} : memref<2x1280x32xf32, #tpu.memory_space<vmem>>, vector<1x1x16xf32>,
            %swap3A_600 = arith.constant 1 : i32
            %swap3A_601 = arith.index_cast %swap3A_600 : i32 to index
            %swap3A_602 = arith.index_cast %add3A_344 : i32 to index
            %swap3A_603 = arith.constant 16 : index
            %swap3A_604 = tpu.vector_load %arg8[%swap3A_601, %swap3A_602, %swap3A_603] {strides = array<i32>} : memref<2x1280x32xf32, #tpu.memory_space<vmem>>, vector<1x1x16xf32>,
            %swap3A_605 = vector.shape_cast %swap3A_604 : vector<1x1x16xf32> to vector<16xf32>
            %swap3A_606 = vector.shape_cast %get3A_314 : vector<16xf32> to vector<1x1x16xf32>
            tpu.vector_store %arg8[%swap3A_601, %swap3A_602, %swap3A_603], %swap3A_606 {strides = array<i32>} : memref<2x1280x32xf32, #tpu.memory_space<vmem>>, vector<1x1x16xf32>,
          } else {
          }
          %eq3A_349 = arith.constant 999999 : i32
          %eq3A_350 = arith.cmpi eq, %squeeze3A_340, %eq3A_349 : i32
          %convert_element_type3A_351 = arith.extui %eq3A_350 : i1 to i32
          %cond3A_352 = arith.constant 0 : i32
          %cond3A_353 = arith.cmpi ne, %convert_element_type3A_351, %cond3A_352 : i32
          scf.if %cond3A_353 {
            %swap3A = arith.constant 1 : i32
            %swap3A_594 = arith.index_cast %swap3A : i32 to index
            %swap3A_595 = arith.index_cast %add3A_344 : i32 to index
            %swap3A_596 = arith.constant 0 : index
            %swap3A_597 = tpu.vector_load %arg8[%swap3A_594, %swap3A_595, %swap3A_596] {strides = array<i32>} : memref<2x1280x32xf32, #tpu.memory_space<vmem>>, vector<1x1x16xf32>,
            %swap3A_598 = vector.shape_cast %swap3A_597 : vector<1x1x16xf32> to vector<16xf32>
            %swap3A_599 = vector.shape_cast %get3A_319 : vector<16xf32> to vector<1x1x16xf32>
            tpu.vector_store %arg8[%swap3A_594, %swap3A_595, %swap3A_596], %swap3A_599 {strides = array<i32>} : memref<2x1280x32xf32, #tpu.memory_space<vmem>>, vector<1x1x16xf32>,
            %swap3A_600 = arith.constant 1 : i32
            %swap3A_601 = arith.index_cast %swap3A_600 : i32 to index
            %swap3A_602 = arith.index_cast %add3A_344 : i32 to index
            %swap3A_603 = arith.constant 16 : index
            %swap3A_604 = tpu.vector_load %arg8[%swap3A_601, %swap3A_602, %swap3A_603] {strides = array<i32>} : memref<2x1280x32xf32, #tpu.memory_space<vmem>>, vector<1x1x16xf32>,
            %swap3A_605 = vector.shape_cast %swap3A_604 : vector<1x1x16xf32> to vector<16xf32>
            %swap3A_606 = vector.shape_cast %get3A_324 : vector<16xf32> to vector<1x1x16xf32>
            tpu.vector_store %arg8[%swap3A_601, %swap3A_602, %swap3A_603], %swap3A_606 {strides = array<i32>} : memref<2x1280x32xf32, #tpu.memory_space<vmem>>, vector<1x1x16xf32>,
          } else {
          }
          %slice3A_354 = vector.extract_strided_slice %get3A_338 {offsets = [1], sizes = [1], strides = [1]} : vector<16xi32> to vector<1xi32>
          %squeeze3A_355 = vector.extract %slice3A_354[0] : i32 from vector<1xi32>
          %mul3A_356 = arith.constant 16 : i32
          %mul3A_357 = arith.muli %scan3A_331, %mul3A_356 : i32
          %add3A_358 = arith.constant 1 : i32
          %add3A_359 = arith.addi %mul3A_357, %add3A_358 : i32
          %eq3A_360 = arith.constant 999998 : i32
          %eq3A_361 = arith.cmpi eq, %squeeze3A_355, %eq3A_360 : i32
          %convert_element_type3A_362 = arith.extui %eq3A_361 : i1 to i32
          %cond3A_363 = arith.constant 0 : i32
          %cond3A_364 = arith.cmpi ne, %convert_element_type3A_362, %cond3A_363 : i32
          scf.if %cond3A_364 {
            %swap3A = arith.constant 1 : i32
            %swap3A_594 = arith.index_cast %swap3A : i32 to index
            %swap3A_595 = arith.index_cast %add3A_359 : i32 to index
            %swap3A_596 = arith.constant 0 : index
            %swap3A_597 = tpu.vector_load %arg8[%swap3A_594, %swap3A_595, %swap3A_596] {strides = array<i32>} : memref<2x1280x32xf32, #tpu.memory_space<vmem>>, vector<1x1x16xf32>,
            %swap3A_598 = vector.shape_cast %swap3A_597 : vector<1x1x16xf32> to vector<16xf32>
            %swap3A_599 = vector.shape_cast %get3A_309 : vector<16xf32> to vector<1x1x16xf32>
            tpu.vector_store %arg8[%swap3A_594, %swap3A_595, %swap3A_596], %swap3A_599 {strides = array<i32>} : memref<2x1280x32xf32, #tpu.memory_space<vmem>>, vector<1x1x16xf32>,
            %swap3A_600 = arith.constant 1 : i32
            %swap3A_601 = arith.index_cast %swap3A_600 : i32 to index
            %swap3A_602 = arith.index_cast %add3A_359 : i32 to index
            %swap3A_603 = arith.constant 16 : index
            %swap3A_604 = tpu.vector_load %arg8[%swap3A_601, %swap3A_602, %swap3A_603] {strides = array<i32>} : memref<2x1280x32xf32, #tpu.memory_space<vmem>>, vector<1x1x16xf32>,
            %swap3A_605 = vector.shape_cast %swap3A_604 : vector<1x1x16xf32> to vector<16xf32>
            %swap3A_606 = vector.shape_cast %get3A_314 : vector<16xf32> to vector<1x1x16xf32>
            tpu.vector_store %arg8[%swap3A_601, %swap3A_602, %swap3A_603], %swap3A_606 {strides = array<i32>} : memref<2x1280x32xf32, #tpu.memory_space<vmem>>, vector<1x1x16xf32>,
          } else {
          }
          %eq3A_365 = arith.constant 999999 : i32
          %eq3A_366 = arith.cmpi eq, %squeeze3A_355, %eq3A_365 : i32
          %convert_element_type3A_367 = arith.extui %eq3A_366 : i1 to i32
          %cond3A_368 = arith.constant 0 : i32
          %cond3A_369 = arith.cmpi ne, %convert_element_type3A_367, %cond3A_368 : i32
          scf.if %cond3A_369 {
            %swap3A = arith.constant 1 : i32
            %swap3A_594 = arith.index_cast %swap3A : i32 to index
            %swap3A_595 = arith.index_cast %add3A_359 : i32 to index
            %swap3A_596 = arith.constant 0 : index
            %swap3A_597 = tpu.vector_load %arg8[%swap3A_594, %swap3A_595, %swap3A_596] {strides = array<i32>} : memref<2x1280x32xf32, #tpu.memory_space<vmem>>, vector<1x1x16xf32>,
            %swap3A_598 = vector.shape_cast %swap3A_597 : vector<1x1x16xf32> to vector<16xf32>
            %swap3A_599 = vector.shape_cast %get3A_319 : vector<16xf32> to vector<1x1x16xf32>
            tpu.vector_store %arg8[%swap3A_594, %swap3A_595, %swap3A_596], %swap3A_599 {strides = array<i32>} : memref<2x1280x32xf32, #tpu.memory_space<vmem>>, vector<1x1x16xf32>,
            %swap3A_600 = arith.constant 1 : i32
            %swap3A_601 = arith.index_cast %swap3A_600 : i32 to index
            %swap3A_602 = arith.index_cast %add3A_359 : i32 to index
            %swap3A_603 = arith.constant 16 : index
            %swap3A_604 = tpu.vector_load %arg8[%swap3A_601, %swap3A_602, %swap3A_603] {strides = array<i32>} : memref<2x1280x32xf32, #tpu.memory_space<vmem>>, vector<1x1x16xf32>,
            %swap3A_605 = vector.shape_cast %swap3A_604 : vector<1x1x16xf32> to vector<16xf32>
            %swap3A_606 = vector.shape_cast %get3A_324 : vector<16xf32> to vector<1x1x16xf32>
            tpu.vector_store %arg8[%swap3A_601, %swap3A_602, %swap3A_603], %swap3A_606 {strides = array<i32>} : memref<2x1280x32xf32, #tpu.memory_space<vmem>>, vector<1x1x16xf32>,
          } else {
          }
          %slice3A_370 = vector.extract_strided_slice %get3A_338 {offsets = [2], sizes = [1], strides = [1]} : vector<16xi32> to vector<1xi32>
          %squeeze3A_371 = vector.extract %slice3A_370[0] : i32 from vector<1xi32>
          %mul3A_372 = arith.constant 16 : i32
          %mul3A_373 = arith.muli %scan3A_331, %mul3A_372 : i32
          %add3A_374 = arith.constant 2 : i32
          %add3A_375 = arith.addi %mul3A_373, %add3A_374 : i32
          %eq3A_376 = arith.constant 999998 : i32
          %eq3A_377 = arith.cmpi eq, %squeeze3A_371, %eq3A_376 : i32
          %convert_element_type3A_378 = arith.extui %eq3A_377 : i1 to i32
          %cond3A_379 = arith.constant 0 : i32
          %cond3A_380 = arith.cmpi ne, %convert_element_type3A_378, %cond3A_379 : i32
          scf.if %cond3A_380 {
            %swap3A = arith.constant 1 : i32
            %swap3A_594 = arith.index_cast %swap3A : i32 to index
            %swap3A_595 = arith.index_cast %add3A_375 : i32 to index
            %swap3A_596 = arith.constant 0 : index
            %swap3A_597 = tpu.vector_load %arg8[%swap3A_594, %swap3A_595, %swap3A_596] {strides = array<i32>} : memref<2x1280x32xf32, #tpu.memory_space<vmem>>, vector<1x1x16xf32>,
            %swap3A_598 = vector.shape_cast %swap3A_597 : vector<1x1x16xf32> to vector<16xf32>
            %swap3A_599 = vector.shape_cast %get3A_309 : vector<16xf32> to vector<1x1x16xf32>
            tpu.vector_store %arg8[%swap3A_594, %swap3A_595, %swap3A_596], %swap3A_599 {strides = array<i32>} : memref<2x1280x32xf32, #tpu.memory_space<vmem>>, vector<1x1x16xf32>,
            %swap3A_600 = arith.constant 1 : i32
            %swap3A_601 = arith.index_cast %swap3A_600 : i32 to index
            %swap3A_602 = arith.index_cast %add3A_375 : i32 to index
            %swap3A_603 = arith.constant 16 : index
            %swap3A_604 = tpu.vector_load %arg8[%swap3A_601, %swap3A_602, %swap3A_603] {strides = array<i32>} : memref<2x1280x32xf32, #tpu.memory_space<vmem>>, vector<1x1x16xf32>,
            %swap3A_605 = vector.shape_cast %swap3A_604 : vector<1x1x16xf32> to vector<16xf32>
            %swap3A_606 = vector.shape_cast %get3A_314 : vector<16xf32> to vector<1x1x16xf32>
            tpu.vector_store %arg8[%swap3A_601, %swap3A_602, %swap3A_603], %swap3A_606 {strides = array<i32>} : memref<2x1280x32xf32, #tpu.memory_space<vmem>>, vector<1x1x16xf32>,
          } else {
          }
          %eq3A_381 = arith.constant 999999 : i32
          %eq3A_382 = arith.cmpi eq, %squeeze3A_371, %eq3A_381 : i32
          %convert_element_type3A_383 = arith.extui %eq3A_382 : i1 to i32
          %cond3A_384 = arith.constant 0 : i32
          %cond3A_385 = arith.cmpi ne, %convert_element_type3A_383, %cond3A_384 : i32
          scf.if %cond3A_385 {
            %swap3A = arith.constant 1 : i32
            %swap3A_594 = arith.index_cast %swap3A : i32 to index
            %swap3A_595 = arith.index_cast %add3A_375 : i32 to index
            %swap3A_596 = arith.constant 0 : index
            %swap3A_597 = tpu.vector_load %arg8[%swap3A_594, %swap3A_595, %swap3A_596] {strides = array<i32>} : memref<2x1280x32xf32, #tpu.memory_space<vmem>>, vector<1x1x16xf32>,
            %swap3A_598 = vector.shape_cast %swap3A_597 : vector<1x1x16xf32> to vector<16xf32>
            %swap3A_599 = vector.shape_cast %get3A_319 : vector<16xf32> to vector<1x1x16xf32>
            tpu.vector_store %arg8[%swap3A_594, %swap3A_595, %swap3A_596], %swap3A_599 {strides = array<i32>} : memref<2x1280x32xf32, #tpu.memory_space<vmem>>, vector<1x1x16xf32>,
            %swap3A_600 = arith.constant 1 : i32
            %swap3A_601 = arith.index_cast %swap3A_600 : i32 to index
            %swap3A_602 = arith.index_cast %add3A_375 : i32 to index
            %swap3A_603 = arith.constant 16 : index
            %swap3A_604 = tpu.vector_load %arg8[%swap3A_601, %swap3A_602, %swap3A_603] {strides = array<i32>} : memref<2x1280x32xf32, #tpu.memory_space<vmem>>, vector<1x1x16xf32>,
            %swap3A_605 = vector.shape_cast %swap3A_604 : vector<1x1x16xf32> to vector<16xf32>
            %swap3A_606 = vector.shape_cast %get3A_324 : vector<16xf32> to vector<1x1x16xf32>
            tpu.vector_store %arg8[%swap3A_601, %swap3A_602, %swap3A_603], %swap3A_606 {strides = array<i32>} : memref<2x1280x32xf32, #tpu.memory_space<vmem>>, vector<1x1x16xf32>,
          } else {
          }
          %slice3A_386 = vector.extract_strided_slice %get3A_338 {offsets = [3], sizes = [1], strides = [1]} : vector<16xi32> to vector<1xi32>
          %squeeze3A_387 = vector.extract %slice3A_386[0] : i32 from vector<1xi32>
          %mul3A_388 = arith.constant 16 : i32
          %mul3A_389 = arith.muli %scan3A_331, %mul3A_388 : i32
          %add3A_390 = arith.constant 3 : i32
          %add3A_391 = arith.addi %mul3A_389, %add3A_390 : i32
          %eq3A_392 = arith.constant 999998 : i32
          %eq3A_393 = arith.cmpi eq, %squeeze3A_387, %eq3A_392 : i32
          %convert_element_type3A_394 = arith.extui %eq3A_393 : i1 to i32
          %cond3A_395 = arith.constant 0 : i32
          %cond3A_396 = arith.cmpi ne, %convert_element_type3A_394, %cond3A_395 : i32
          scf.if %cond3A_396 {
            %swap3A = arith.constant 1 : i32
            %swap3A_594 = arith.index_cast %swap3A : i32 to index
            %swap3A_595 = arith.index_cast %add3A_391 : i32 to index
            %swap3A_596 = arith.constant 0 : index
            %swap3A_597 = tpu.vector_load %arg8[%swap3A_594, %swap3A_595, %swap3A_596] {strides = array<i32>} : memref<2x1280x32xf32, #tpu.memory_space<vmem>>, vector<1x1x16xf32>,
            %swap3A_598 = vector.shape_cast %swap3A_597 : vector<1x1x16xf32> to vector<16xf32>
            %swap3A_599 = vector.shape_cast %get3A_309 : vector<16xf32> to vector<1x1x16xf32>
            tpu.vector_store %arg8[%swap3A_594, %swap3A_595, %swap3A_596], %swap3A_599 {strides = array<i32>} : memref<2x1280x32xf32, #tpu.memory_space<vmem>>, vector<1x1x16xf32>,
            %swap3A_600 = arith.constant 1 : i32
            %swap3A_601 = arith.index_cast %swap3A_600 : i32 to index
            %swap3A_602 = arith.index_cast %add3A_391 : i32 to index
            %swap3A_603 = arith.constant 16 : index
            %swap3A_604 = tpu.vector_load %arg8[%swap3A_601, %swap3A_602, %swap3A_603] {strides = array<i32>} : memref<2x1280x32xf32, #tpu.memory_space<vmem>>, vector<1x1x16xf32>,
            %swap3A_605 = vector.shape_cast %swap3A_604 : vector<1x1x16xf32> to vector<16xf32>
            %swap3A_606 = vector.shape_cast %get3A_314 : vector<16xf32> to vector<1x1x16xf32>
            tpu.vector_store %arg8[%swap3A_601, %swap3A_602, %swap3A_603], %swap3A_606 {strides = array<i32>} : memref<2x1280x32xf32, #tpu.memory_space<vmem>>, vector<1x1x16xf32>,
          } else {
          }
          %eq3A_397 = arith.constant 999999 : i32
          %eq3A_398 = arith.cmpi eq, %squeeze3A_387, %eq3A_397 : i32
          %convert_element_type3A_399 = arith.extui %eq3A_398 : i1 to i32
          %cond3A_400 = arith.constant 0 : i32
          %cond3A_401 = arith.cmpi ne, %convert_element_type3A_399, %cond3A_400 : i32
          scf.if %cond3A_401 {
            %swap3A = arith.constant 1 : i32
            %swap3A_594 = arith.index_cast %swap3A : i32 to index
            %swap3A_595 = arith.index_cast %add3A_391 : i32 to index
            %swap3A_596 = arith.constant 0 : index
            %swap3A_597 = tpu.vector_load %arg8[%swap3A_594, %swap3A_595, %swap3A_596] {strides = array<i32>} : memref<2x1280x32xf32, #tpu.memory_space<vmem>>, vector<1x1x16xf32>,
            %swap3A_598 = vector.shape_cast %swap3A_597 : vector<1x1x16xf32> to vector<16xf32>
            %swap3A_599 = vector.shape_cast %get3A_319 : vector<16xf32> to vector<1x1x16xf32>
            tpu.vector_store %arg8[%swap3A_594, %swap3A_595, %swap3A_596], %swap3A_599 {strides = array<i32>} : memref<2x1280x32xf32, #tpu.memory_space<vmem>>, vector<1x1x16xf32>,
            %swap3A_600 = arith.constant 1 : i32
            %swap3A_601 = arith.index_cast %swap3A_600 : i32 to index
            %swap3A_602 = arith.index_cast %add3A_391 : i32 to index
            %swap3A_603 = arith.constant 16 : index
            %swap3A_604 = tpu.vector_load %arg8[%swap3A_601, %swap3A_602, %swap3A_603] {strides = array<i32>} : memref<2x1280x32xf32, #tpu.memory_space<vmem>>, vector<1x1x16xf32>,
            %swap3A_605 = vector.shape_cast %swap3A_604 : vector<1x1x16xf32> to vector<16xf32>
            %swap3A_606 = vector.shape_cast %get3A_324 : vector<16xf32> to vector<1x1x16xf32>
            tpu.vector_store %arg8[%swap3A_601, %swap3A_602, %swap3A_603], %swap3A_606 {strides = array<i32>} : memref<2x1280x32xf32, #tpu.memory_space<vmem>>, vector<1x1x16xf32>,
          } else {
          }
          %slice3A_402 = vector.extract_strided_slice %get3A_338 {offsets = [4], sizes = [1], strides = [1]} : vector<16xi32> to vector<1xi32>
          %squeeze3A_403 = vector.extract %slice3A_402[0] : i32 from vector<1xi32>
          %mul3A_404 = arith.constant 16 : i32
          %mul3A_405 = arith.muli %scan3A_331, %mul3A_404 : i32
          %add3A_406 = arith.constant 4 : i32
          %add3A_407 = arith.addi %mul3A_405, %add3A_406 : i32
          %eq3A_408 = arith.constant 999998 : i32
          %eq3A_409 = arith.cmpi eq, %squeeze3A_403, %eq3A_408 : i32
          %convert_element_type3A_410 = arith.extui %eq3A_409 : i1 to i32
          %cond3A_411 = arith.constant 0 : i32
          %cond3A_412 = arith.cmpi ne, %convert_element_type3A_410, %cond3A_411 : i32
          scf.if %cond3A_412 {
            %swap3A = arith.constant 1 : i32
            %swap3A_594 = arith.index_cast %swap3A : i32 to index
            %swap3A_595 = arith.index_cast %add3A_407 : i32 to index
            %swap3A_596 = arith.constant 0 : index
            %swap3A_597 = tpu.vector_load %arg8[%swap3A_594, %swap3A_595, %swap3A_596] {strides = array<i32>} : memref<2x1280x32xf32, #tpu.memory_space<vmem>>, vector<1x1x16xf32>,
            %swap3A_598 = vector.shape_cast %swap3A_597 : vector<1x1x16xf32> to vector<16xf32>
            %swap3A_599 = vector.shape_cast %get3A_309 : vector<16xf32> to vector<1x1x16xf32>
            tpu.vector_store %arg8[%swap3A_594, %swap3A_595, %swap3A_596], %swap3A_599 {strides = array<i32>} : memref<2x1280x32xf32, #tpu.memory_space<vmem>>, vector<1x1x16xf32>,
            %swap3A_600 = arith.constant 1 : i32
            %swap3A_601 = arith.index_cast %swap3A_600 : i32 to index
            %swap3A_602 = arith.index_cast %add3A_407 : i32 to index
            %swap3A_603 = arith.constant 16 : index
            %swap3A_604 = tpu.vector_load %arg8[%swap3A_601, %swap3A_602, %swap3A_603] {strides = array<i32>} : memref<2x1280x32xf32, #tpu.memory_space<vmem>>, vector<1x1x16xf32>,
            %swap3A_605 = vector.shape_cast %swap3A_604 : vector<1x1x16xf32> to vector<16xf32>
            %swap3A_606 = vector.shape_cast %get3A_314 : vector<16xf32> to vector<1x1x16xf32>
            tpu.vector_store %arg8[%swap3A_601, %swap3A_602, %swap3A_603], %swap3A_606 {strides = array<i32>} : memref<2x1280x32xf32, #tpu.memory_space<vmem>>, vector<1x1x16xf32>,
          } else {
          }
          %eq3A_413 = arith.constant 999999 : i32
          %eq3A_414 = arith.cmpi eq, %squeeze3A_403, %eq3A_413 : i32
          %convert_element_type3A_415 = arith.extui %eq3A_414 : i1 to i32
          %cond3A_416 = arith.constant 0 : i32
          %cond3A_417 = arith.cmpi ne, %convert_element_type3A_415, %cond3A_416 : i32
          scf.if %cond3A_417 {
            %swap3A = arith.constant 1 : i32
            %swap3A_594 = arith.index_cast %swap3A : i32 to index
            %swap3A_595 = arith.index_cast %add3A_407 : i32 to index
            %swap3A_596 = arith.constant 0 : index
            %swap3A_597 = tpu.vector_load %arg8[%swap3A_594, %swap3A_595, %swap3A_596] {strides = array<i32>} : memref<2x1280x32xf32, #tpu.memory_space<vmem>>, vector<1x1x16xf32>,
            %swap3A_598 = vector.shape_cast %swap3A_597 : vector<1x1x16xf32> to vector<16xf32>
            %swap3A_599 = vector.shape_cast %get3A_319 : vector<16xf32> to vector<1x1x16xf32>
            tpu.vector_store %arg8[%swap3A_594, %swap3A_595, %swap3A_596], %swap3A_599 {strides = array<i32>} : memref<2x1280x32xf32, #tpu.memory_space<vmem>>, vector<1x1x16xf32>,
            %swap3A_600 = arith.constant 1 : i32
            %swap3A_601 = arith.index_cast %swap3A_600 : i32 to index
            %swap3A_602 = arith.index_cast %add3A_407 : i32 to index
            %swap3A_603 = arith.constant 16 : index
            %swap3A_604 = tpu.vector_load %arg8[%swap3A_601, %swap3A_602, %swap3A_603] {strides = array<i32>} : memref<2x1280x32xf32, #tpu.memory_space<vmem>>, vector<1x1x16xf32>,
            %swap3A_605 = vector.shape_cast %swap3A_604 : vector<1x1x16xf32> to vector<16xf32>
            %swap3A_606 = vector.shape_cast %get3A_324 : vector<16xf32> to vector<1x1x16xf32>
            tpu.vector_store %arg8[%swap3A_601, %swap3A_602, %swap3A_603], %swap3A_606 {strides = array<i32>} : memref<2x1280x32xf32, #tpu.memory_space<vmem>>, vector<1x1x16xf32>,
          } else {
          }
          %slice3A_418 = vector.extract_strided_slice %get3A_338 {offsets = [5], sizes = [1], strides = [1]} : vector<16xi32> to vector<1xi32>
          %squeeze3A_419 = vector.extract %slice3A_418[0] : i32 from vector<1xi32>
          %mul3A_420 = arith.constant 16 : i32
          %mul3A_421 = arith.muli %scan3A_331, %mul3A_420 : i32
          %add3A_422 = arith.constant 5 : i32
          %add3A_423 = arith.addi %mul3A_421, %add3A_422 : i32
          %eq3A_424 = arith.constant 999998 : i32
          %eq3A_425 = arith.cmpi eq, %squeeze3A_419, %eq3A_424 : i32
          %convert_element_type3A_426 = arith.extui %eq3A_425 : i1 to i32
          %cond3A_427 = arith.constant 0 : i32
          %cond3A_428 = arith.cmpi ne, %convert_element_type3A_426, %cond3A_427 : i32
          scf.if %cond3A_428 {
            %swap3A = arith.constant 1 : i32
            %swap3A_594 = arith.index_cast %swap3A : i32 to index
            %swap3A_595 = arith.index_cast %add3A_423 : i32 to index
            %swap3A_596 = arith.constant 0 : index
            %swap3A_597 = tpu.vector_load %arg8[%swap3A_594, %swap3A_595, %swap3A_596] {strides = array<i32>} : memref<2x1280x32xf32, #tpu.memory_space<vmem>>, vector<1x1x16xf32>,
            %swap3A_598 = vector.shape_cast %swap3A_597 : vector<1x1x16xf32> to vector<16xf32>
            %swap3A_599 = vector.shape_cast %get3A_309 : vector<16xf32> to vector<1x1x16xf32>
            tpu.vector_store %arg8[%swap3A_594, %swap3A_595, %swap3A_596], %swap3A_599 {strides = array<i32>} : memref<2x1280x32xf32, #tpu.memory_space<vmem>>, vector<1x1x16xf32>,
            %swap3A_600 = arith.constant 1 : i32
            %swap3A_601 = arith.index_cast %swap3A_600 : i32 to index
            %swap3A_602 = arith.index_cast %add3A_423 : i32 to index
            %swap3A_603 = arith.constant 16 : index
            %swap3A_604 = tpu.vector_load %arg8[%swap3A_601, %swap3A_602, %swap3A_603] {strides = array<i32>} : memref<2x1280x32xf32, #tpu.memory_space<vmem>>, vector<1x1x16xf32>,
            %swap3A_605 = vector.shape_cast %swap3A_604 : vector<1x1x16xf32> to vector<16xf32>
            %swap3A_606 = vector.shape_cast %get3A_314 : vector<16xf32> to vector<1x1x16xf32>
            tpu.vector_store %arg8[%swap3A_601, %swap3A_602, %swap3A_603], %swap3A_606 {strides = array<i32>} : memref<2x1280x32xf32, #tpu.memory_space<vmem>>, vector<1x1x16xf32>,
          } else {
          }
          %eq3A_429 = arith.constant 999999 : i32
          %eq3A_430 = arith.cmpi eq, %squeeze3A_419, %eq3A_429 : i32
          %convert_element_type3A_431 = arith.extui %eq3A_430 : i1 to i32
          %cond3A_432 = arith.constant 0 : i32
          %cond3A_433 = arith.cmpi ne, %convert_element_type3A_431, %cond3A_432 : i32
          scf.if %cond3A_433 {
            %swap3A = arith.constant 1 : i32
            %swap3A_594 = arith.index_cast %swap3A : i32 to index
            %swap3A_595 = arith.index_cast %add3A_423 : i32 to index
            %swap3A_596 = arith.constant 0 : index
            %swap3A_597 = tpu.vector_load %arg8[%swap3A_594, %swap3A_595, %swap3A_596] {strides = array<i32>} : memref<2x1280x32xf32, #tpu.memory_space<vmem>>, vector<1x1x16xf32>,
            %swap3A_598 = vector.shape_cast %swap3A_597 : vector<1x1x16xf32> to vector<16xf32>
            %swap3A_599 = vector.shape_cast %get3A_319 : vector<16xf32> to vector<1x1x16xf32>
            tpu.vector_store %arg8[%swap3A_594, %swap3A_595, %swap3A_596], %swap3A_599 {strides = array<i32>} : memref<2x1280x32xf32, #tpu.memory_space<vmem>>, vector<1x1x16xf32>,
            %swap3A_600 = arith.constant 1 : i32
            %swap3A_601 = arith.index_cast %swap3A_600 : i32 to index
            %swap3A_602 = arith.index_cast %add3A_423 : i32 to index
            %swap3A_603 = arith.constant 16 : index
            %swap3A_604 = tpu.vector_load %arg8[%swap3A_601, %swap3A_602, %swap3A_603] {strides = array<i32>} : memref<2x1280x32xf32, #tpu.memory_space<vmem>>, vector<1x1x16xf32>,
            %swap3A_605 = vector.shape_cast %swap3A_604 : vector<1x1x16xf32> to vector<16xf32>
            %swap3A_606 = vector.shape_cast %get3A_324 : vector<16xf32> to vector<1x1x16xf32>
            tpu.vector_store %arg8[%swap3A_601, %swap3A_602, %swap3A_603], %swap3A_606 {strides = array<i32>} : memref<2x1280x32xf32, #tpu.memory_space<vmem>>, vector<1x1x16xf32>,
          } else {
          }
          %slice3A_434 = vector.extract_strided_slice %get3A_338 {offsets = [6], sizes = [1], strides = [1]} : vector<16xi32> to vector<1xi32>
          %squeeze3A_435 = vector.extract %slice3A_434[0] : i32 from vector<1xi32>
          %mul3A_436 = arith.constant 16 : i32
          %mul3A_437 = arith.muli %scan3A_331, %mul3A_436 : i32
          %add3A_438 = arith.constant 6 : i32
          %add3A_439 = arith.addi %mul3A_437, %add3A_438 : i32
          %eq3A_440 = arith.constant 999998 : i32
          %eq3A_441 = arith.cmpi eq, %squeeze3A_435, %eq3A_440 : i32
          %convert_element_type3A_442 = arith.extui %eq3A_441 : i1 to i32
          %cond3A_443 = arith.constant 0 : i32
          %cond3A_444 = arith.cmpi ne, %convert_element_type3A_442, %cond3A_443 : i32
          scf.if %cond3A_444 {
            %swap3A = arith.constant 1 : i32
            %swap3A_594 = arith.index_cast %swap3A : i32 to index
            %swap3A_595 = arith.index_cast %add3A_439 : i32 to index
            %swap3A_596 = arith.constant 0 : index
            %swap3A_597 = tpu.vector_load %arg8[%swap3A_594, %swap3A_595, %swap3A_596] {strides = array<i32>} : memref<2x1280x32xf32, #tpu.memory_space<vmem>>, vector<1x1x16xf32>,
            %swap3A_598 = vector.shape_cast %swap3A_597 : vector<1x1x16xf32> to vector<16xf32>
            %swap3A_599 = vector.shape_cast %get3A_309 : vector<16xf32> to vector<1x1x16xf32>
            tpu.vector_store %arg8[%swap3A_594, %swap3A_595, %swap3A_596], %swap3A_599 {strides = array<i32>} : memref<2x1280x32xf32, #tpu.memory_space<vmem>>, vector<1x1x16xf32>,
            %swap3A_600 = arith.constant 1 : i32
            %swap3A_601 = arith.index_cast %swap3A_600 : i32 to index
            %swap3A_602 = arith.index_cast %add3A_439 : i32 to index
            %swap3A_603 = arith.constant 16 : index
            %swap3A_604 = tpu.vector_load %arg8[%swap3A_601, %swap3A_602, %swap3A_603] {strides = array<i32>} : memref<2x1280x32xf32, #tpu.memory_space<vmem>>, vector<1x1x16xf32>,
            %swap3A_605 = vector.shape_cast %swap3A_604 : vector<1x1x16xf32> to vector<16xf32>
            %swap3A_606 = vector.shape_cast %get3A_314 : vector<16xf32> to vector<1x1x16xf32>
            tpu.vector_store %arg8[%swap3A_601, %swap3A_602, %swap3A_603], %swap3A_606 {strides = array<i32>} : memref<2x1280x32xf32, #tpu.memory_space<vmem>>, vector<1x1x16xf32>,
          } else {
          }
          %eq3A_445 = arith.constant 999999 : i32
          %eq3A_446 = arith.cmpi eq, %squeeze3A_435, %eq3A_445 : i32
          %convert_element_type3A_447 = arith.extui %eq3A_446 : i1 to i32
          %cond3A_448 = arith.constant 0 : i32
          %cond3A_449 = arith.cmpi ne, %convert_element_type3A_447, %cond3A_448 : i32
          scf.if %cond3A_449 {
            %swap3A = arith.constant 1 : i32
            %swap3A_594 = arith.index_cast %swap3A : i32 to index
            %swap3A_595 = arith.index_cast %add3A_439 : i32 to index
            %swap3A_596 = arith.constant 0 : index
            %swap3A_597 = tpu.vector_load %arg8[%swap3A_594, %swap3A_595, %swap3A_596] {strides = array<i32>} : memref<2x1280x32xf32, #tpu.memory_space<vmem>>, vector<1x1x16xf32>,
            %swap3A_598 = vector.shape_cast %swap3A_597 : vector<1x1x16xf32> to vector<16xf32>
            %swap3A_599 = vector.shape_cast %get3A_319 : vector<16xf32> to vector<1x1x16xf32>
            tpu.vector_store %arg8[%swap3A_594, %swap3A_595, %swap3A_596], %swap3A_599 {strides = array<i32>} : memref<2x1280x32xf32, #tpu.memory_space<vmem>>, vector<1x1x16xf32>,
            %swap3A_600 = arith.constant 1 : i32
            %swap3A_601 = arith.index_cast %swap3A_600 : i32 to index
            %swap3A_602 = arith.index_cast %add3A_439 : i32 to index
            %swap3A_603 = arith.constant 16 : index
            %swap3A_604 = tpu.vector_load %arg8[%swap3A_601, %swap3A_602, %swap3A_603] {strides = array<i32>} : memref<2x1280x32xf32, #tpu.memory_space<vmem>>, vector<1x1x16xf32>,
            %swap3A_605 = vector.shape_cast %swap3A_604 : vector<1x1x16xf32> to vector<16xf32>
            %swap3A_606 = vector.shape_cast %get3A_324 : vector<16xf32> to vector<1x1x16xf32>
            tpu.vector_store %arg8[%swap3A_601, %swap3A_602, %swap3A_603], %swap3A_606 {strides = array<i32>} : memref<2x1280x32xf32, #tpu.memory_space<vmem>>, vector<1x1x16xf32>,
          } else {
          }
          %slice3A_450 = vector.extract_strided_slice %get3A_338 {offsets = [7], sizes = [1], strides = [1]} : vector<16xi32> to vector<1xi32>
          %squeeze3A_451 = vector.extract %slice3A_450[0] : i32 from vector<1xi32>
          %mul3A_452 = arith.constant 16 : i32
          %mul3A_453 = arith.muli %scan3A_331, %mul3A_452 : i32
          %add3A_454 = arith.constant 7 : i32
          %add3A_455 = arith.addi %mul3A_453, %add3A_454 : i32
          %eq3A_456 = arith.constant 999998 : i32
          %eq3A_457 = arith.cmpi eq, %squeeze3A_451, %eq3A_456 : i32
          %convert_element_type3A_458 = arith.extui %eq3A_457 : i1 to i32
          %cond3A_459 = arith.constant 0 : i32
          %cond3A_460 = arith.cmpi ne, %convert_element_type3A_458, %cond3A_459 : i32
          scf.if %cond3A_460 {
            %swap3A = arith.constant 1 : i32
            %swap3A_594 = arith.index_cast %swap3A : i32 to index
            %swap3A_595 = arith.index_cast %add3A_455 : i32 to index
            %swap3A_596 = arith.constant 0 : index
            %swap3A_597 = tpu.vector_load %arg8[%swap3A_594, %swap3A_595, %swap3A_596] {strides = array<i32>} : memref<2x1280x32xf32, #tpu.memory_space<vmem>>, vector<1x1x16xf32>,
            %swap3A_598 = vector.shape_cast %swap3A_597 : vector<1x1x16xf32> to vector<16xf32>
            %swap3A_599 = vector.shape_cast %get3A_309 : vector<16xf32> to vector<1x1x16xf32>
            tpu.vector_store %arg8[%swap3A_594, %swap3A_595, %swap3A_596], %swap3A_599 {strides = array<i32>} : memref<2x1280x32xf32, #tpu.memory_space<vmem>>, vector<1x1x16xf32>,
            %swap3A_600 = arith.constant 1 : i32
            %swap3A_601 = arith.index_cast %swap3A_600 : i32 to index
            %swap3A_602 = arith.index_cast %add3A_455 : i32 to index
            %swap3A_603 = arith.constant 16 : index
            %swap3A_604 = tpu.vector_load %arg8[%swap3A_601, %swap3A_602, %swap3A_603] {strides = array<i32>} : memref<2x1280x32xf32, #tpu.memory_space<vmem>>, vector<1x1x16xf32>,
            %swap3A_605 = vector.shape_cast %swap3A_604 : vector<1x1x16xf32> to vector<16xf32>
            %swap3A_606 = vector.shape_cast %get3A_314 : vector<16xf32> to vector<1x1x16xf32>
            tpu.vector_store %arg8[%swap3A_601, %swap3A_602, %swap3A_603], %swap3A_606 {strides = array<i32>} : memref<2x1280x32xf32, #tpu.memory_space<vmem>>, vector<1x1x16xf32>,
          } else {
          }
          %eq3A_461 = arith.constant 999999 : i32
          %eq3A_462 = arith.cmpi eq, %squeeze3A_451, %eq3A_461 : i32
          %convert_element_type3A_463 = arith.extui %eq3A_462 : i1 to i32
          %cond3A_464 = arith.constant 0 : i32
          %cond3A_465 = arith.cmpi ne, %convert_element_type3A_463, %cond3A_464 : i32
          scf.if %cond3A_465 {
            %swap3A = arith.constant 1 : i32
            %swap3A_594 = arith.index_cast %swap3A : i32 to index
            %swap3A_595 = arith.index_cast %add3A_455 : i32 to index
            %swap3A_596 = arith.constant 0 : index
            %swap3A_597 = tpu.vector_load %arg8[%swap3A_594, %swap3A_595, %swap3A_596] {strides = array<i32>} : memref<2x1280x32xf32, #tpu.memory_space<vmem>>, vector<1x1x16xf32>,
            %swap3A_598 = vector.shape_cast %swap3A_597 : vector<1x1x16xf32> to vector<16xf32>
            %swap3A_599 = vector.shape_cast %get3A_319 : vector<16xf32> to vector<1x1x16xf32>
            tpu.vector_store %arg8[%swap3A_594, %swap3A_595, %swap3A_596], %swap3A_599 {strides = array<i32>} : memref<2x1280x32xf32, #tpu.memory_space<vmem>>, vector<1x1x16xf32>,
            %swap3A_600 = arith.constant 1 : i32
            %swap3A_601 = arith.index_cast %swap3A_600 : i32 to index
            %swap3A_602 = arith.index_cast %add3A_455 : i32 to index
            %swap3A_603 = arith.constant 16 : index
            %swap3A_604 = tpu.vector_load %arg8[%swap3A_601, %swap3A_602, %swap3A_603] {strides = array<i32>} : memref<2x1280x32xf32, #tpu.memory_space<vmem>>, vector<1x1x16xf32>,
            %swap3A_605 = vector.shape_cast %swap3A_604 : vector<1x1x16xf32> to vector<16xf32>
            %swap3A_606 = vector.shape_cast %get3A_324 : vector<16xf32> to vector<1x1x16xf32>
            tpu.vector_store %arg8[%swap3A_601, %swap3A_602, %swap3A_603], %swap3A_606 {strides = array<i32>} : memref<2x1280x32xf32, #tpu.memory_space<vmem>>, vector<1x1x16xf32>,
          } else {
          }
          %slice3A_466 = vector.extract_strided_slice %get3A_338 {offsets = [8], sizes = [1], strides = [1]} : vector<16xi32> to vector<1xi32>
          %squeeze3A_467 = vector.extract %slice3A_466[0] : i32 from vector<1xi32>
          %mul3A_468 = arith.constant 16 : i32
          %mul3A_469 = arith.muli %scan3A_331, %mul3A_468 : i32
          %add3A_470 = arith.constant 8 : i32
          %add3A_471 = arith.addi %mul3A_469, %add3A_470 : i32
          %eq3A_472 = arith.constant 999998 : i32
          %eq3A_473 = arith.cmpi eq, %squeeze3A_467, %eq3A_472 : i32
          %convert_element_type3A_474 = arith.extui %eq3A_473 : i1 to i32
          %cond3A_475 = arith.constant 0 : i32
          %cond3A_476 = arith.cmpi ne, %convert_element_type3A_474, %cond3A_475 : i32
          scf.if %cond3A_476 {
            %swap3A = arith.constant 1 : i32
            %swap3A_594 = arith.index_cast %swap3A : i32 to index
            %swap3A_595 = arith.index_cast %add3A_471 : i32 to index
            %swap3A_596 = arith.constant 0 : index
            %swap3A_597 = tpu.vector_load %arg8[%swap3A_594, %swap3A_595, %swap3A_596] {strides = array<i32>} : memref<2x1280x32xf32, #tpu.memory_space<vmem>>, vector<1x1x16xf32>,
            %swap3A_598 = vector.shape_cast %swap3A_597 : vector<1x1x16xf32> to vector<16xf32>
            %swap3A_599 = vector.shape_cast %get3A_309 : vector<16xf32> to vector<1x1x16xf32>
            tpu.vector_store %arg8[%swap3A_594, %swap3A_595, %swap3A_596], %swap3A_599 {strides = array<i32>} : memref<2x1280x32xf32, #tpu.memory_space<vmem>>, vector<1x1x16xf32>,
            %swap3A_600 = arith.constant 1 : i32
            %swap3A_601 = arith.index_cast %swap3A_600 : i32 to index
            %swap3A_602 = arith.index_cast %add3A_471 : i32 to index
            %swap3A_603 = arith.constant 16 : index
            %swap3A_604 = tpu.vector_load %arg8[%swap3A_601, %swap3A_602, %swap3A_603] {strides = array<i32>} : memref<2x1280x32xf32, #tpu.memory_space<vmem>>, vector<1x1x16xf32>,
            %swap3A_605 = vector.shape_cast %swap3A_604 : vector<1x1x16xf32> to vector<16xf32>
            %swap3A_606 = vector.shape_cast %get3A_314 : vector<16xf32> to vector<1x1x16xf32>
            tpu.vector_store %arg8[%swap3A_601, %swap3A_602, %swap3A_603], %swap3A_606 {strides = array<i32>} : memref<2x1280x32xf32, #tpu.memory_space<vmem>>, vector<1x1x16xf32>,
          } else {
          }
          %eq3A_477 = arith.constant 999999 : i32
          %eq3A_478 = arith.cmpi eq, %squeeze3A_467, %eq3A_477 : i32
          %convert_element_type3A_479 = arith.extui %eq3A_478 : i1 to i32
          %cond3A_480 = arith.constant 0 : i32
          %cond3A_481 = arith.cmpi ne, %convert_element_type3A_479, %cond3A_480 : i32
          scf.if %cond3A_481 {
            %swap3A = arith.constant 1 : i32
            %swap3A_594 = arith.index_cast %swap3A : i32 to index
            %swap3A_595 = arith.index_cast %add3A_471 : i32 to index
            %swap3A_596 = arith.constant 0 : index
            %swap3A_597 = tpu.vector_load %arg8[%swap3A_594, %swap3A_595, %swap3A_596] {strides = array<i32>} : memref<2x1280x32xf32, #tpu.memory_space<vmem>>, vector<1x1x16xf32>,
            %swap3A_598 = vector.shape_cast %swap3A_597 : vector<1x1x16xf32> to vector<16xf32>
            %swap3A_599 = vector.shape_cast %get3A_319 : vector<16xf32> to vector<1x1x16xf32>
            tpu.vector_store %arg8[%swap3A_594, %swap3A_595, %swap3A_596], %swap3A_599 {strides = array<i32>} : memref<2x1280x32xf32, #tpu.memory_space<vmem>>, vector<1x1x16xf32>,
            %swap3A_600 = arith.constant 1 : i32
            %swap3A_601 = arith.index_cast %swap3A_600 : i32 to index
            %swap3A_602 = arith.index_cast %add3A_471 : i32 to index
            %swap3A_603 = arith.constant 16 : index
            %swap3A_604 = tpu.vector_load %arg8[%swap3A_601, %swap3A_602, %swap3A_603] {strides = array<i32>} : memref<2x1280x32xf32, #tpu.memory_space<vmem>>, vector<1x1x16xf32>,
            %swap3A_605 = vector.shape_cast %swap3A_604 : vector<1x1x16xf32> to vector<16xf32>
            %swap3A_606 = vector.shape_cast %get3A_324 : vector<16xf32> to vector<1x1x16xf32>
            tpu.vector_store %arg8[%swap3A_601, %swap3A_602, %swap3A_603], %swap3A_606 {strides = array<i32>} : memref<2x1280x32xf32, #tpu.memory_space<vmem>>, vector<1x1x16xf32>,
          } else {
          }
          %slice3A_482 = vector.extract_strided_slice %get3A_338 {offsets = [9], sizes = [1], strides = [1]} : vector<16xi32> to vector<1xi32>
          %squeeze3A_483 = vector.extract %slice3A_482[0] : i32 from vector<1xi32>
          %mul3A_484 = arith.constant 16 : i32
          %mul3A_485 = arith.muli %scan3A_331, %mul3A_484 : i32
          %add3A_486 = arith.constant 9 : i32
          %add3A_487 = arith.addi %mul3A_485, %add3A_486 : i32
          %eq3A_488 = arith.constant 999998 : i32
          %eq3A_489 = arith.cmpi eq, %squeeze3A_483, %eq3A_488 : i32
          %convert_element_type3A_490 = arith.extui %eq3A_489 : i1 to i32
          %cond3A_491 = arith.constant 0 : i32
          %cond3A_492 = arith.cmpi ne, %convert_element_type3A_490, %cond3A_491 : i32
          scf.if %cond3A_492 {
            %swap3A = arith.constant 1 : i32
            %swap3A_594 = arith.index_cast %swap3A : i32 to index
            %swap3A_595 = arith.index_cast %add3A_487 : i32 to index
            %swap3A_596 = arith.constant 0 : index
            %swap3A_597 = tpu.vector_load %arg8[%swap3A_594, %swap3A_595, %swap3A_596] {strides = array<i32>} : memref<2x1280x32xf32, #tpu.memory_space<vmem>>, vector<1x1x16xf32>,
            %swap3A_598 = vector.shape_cast %swap3A_597 : vector<1x1x16xf32> to vector<16xf32>
            %swap3A_599 = vector.shape_cast %get3A_309 : vector<16xf32> to vector<1x1x16xf32>
            tpu.vector_store %arg8[%swap3A_594, %swap3A_595, %swap3A_596], %swap3A_599 {strides = array<i32>} : memref<2x1280x32xf32, #tpu.memory_space<vmem>>, vector<1x1x16xf32>,
            %swap3A_600 = arith.constant 1 : i32
            %swap3A_601 = arith.index_cast %swap3A_600 : i32 to index
            %swap3A_602 = arith.index_cast %add3A_487 : i32 to index
            %swap3A_603 = arith.constant 16 : index
            %swap3A_604 = tpu.vector_load %arg8[%swap3A_601, %swap3A_602, %swap3A_603] {strides = array<i32>} : memref<2x1280x32xf32, #tpu.memory_space<vmem>>, vector<1x1x16xf32>,
            %swap3A_605 = vector.shape_cast %swap3A_604 : vector<1x1x16xf32> to vector<16xf32>
            %swap3A_606 = vector.shape_cast %get3A_314 : vector<16xf32> to vector<1x1x16xf32>
            tpu.vector_store %arg8[%swap3A_601, %swap3A_602, %swap3A_603], %swap3A_606 {strides = array<i32>} : memref<2x1280x32xf32, #tpu.memory_space<vmem>>, vector<1x1x16xf32>,
          } else {
          }
          %eq3A_493 = arith.constant 999999 : i32
          %eq3A_494 = arith.cmpi eq, %squeeze3A_483, %eq3A_493 : i32
          %convert_element_type3A_495 = arith.extui %eq3A_494 : i1 to i32
          %cond3A_496 = arith.constant 0 : i32
          %cond3A_497 = arith.cmpi ne, %convert_element_type3A_495, %cond3A_496 : i32
          scf.if %cond3A_497 {
            %swap3A = arith.constant 1 : i32
            %swap3A_594 = arith.index_cast %swap3A : i32 to index
            %swap3A_595 = arith.index_cast %add3A_487 : i32 to index
            %swap3A_596 = arith.constant 0 : index
            %swap3A_597 = tpu.vector_load %arg8[%swap3A_594, %swap3A_595, %swap3A_596] {strides = array<i32>} : memref<2x1280x32xf32, #tpu.memory_space<vmem>>, vector<1x1x16xf32>,
            %swap3A_598 = vector.shape_cast %swap3A_597 : vector<1x1x16xf32> to vector<16xf32>
            %swap3A_599 = vector.shape_cast %get3A_319 : vector<16xf32> to vector<1x1x16xf32>
            tpu.vector_store %arg8[%swap3A_594, %swap3A_595, %swap3A_596], %swap3A_599 {strides = array<i32>} : memref<2x1280x32xf32, #tpu.memory_space<vmem>>, vector<1x1x16xf32>,
            %swap3A_600 = arith.constant 1 : i32
            %swap3A_601 = arith.index_cast %swap3A_600 : i32 to index
            %swap3A_602 = arith.index_cast %add3A_487 : i32 to index
            %swap3A_603 = arith.constant 16 : index
            %swap3A_604 = tpu.vector_load %arg8[%swap3A_601, %swap3A_602, %swap3A_603] {strides = array<i32>} : memref<2x1280x32xf32, #tpu.memory_space<vmem>>, vector<1x1x16xf32>,
            %swap3A_605 = vector.shape_cast %swap3A_604 : vector<1x1x16xf32> to vector<16xf32>
            %swap3A_606 = vector.shape_cast %get3A_324 : vector<16xf32> to vector<1x1x16xf32>
            tpu.vector_store %arg8[%swap3A_601, %swap3A_602, %swap3A_603], %swap3A_606 {strides = array<i32>} : memref<2x1280x32xf32, #tpu.memory_space<vmem>>, vector<1x1x16xf32>,
          } else {
          }
          %slice3A_498 = vector.extract_strided_slice %get3A_338 {offsets = [10], sizes = [1], strides = [1]} : vector<16xi32> to vector<1xi32>
          %squeeze3A_499 = vector.extract %slice3A_498[0] : i32 from vector<1xi32>
          %mul3A_500 = arith.constant 16 : i32
          %mul3A_501 = arith.muli %scan3A_331, %mul3A_500 : i32
          %add3A_502 = arith.constant 10 : i32
          %add3A_503 = arith.addi %mul3A_501, %add3A_502 : i32
          %eq3A_504 = arith.constant 999998 : i32
          %eq3A_505 = arith.cmpi eq, %squeeze3A_499, %eq3A_504 : i32
          %convert_element_type3A_506 = arith.extui %eq3A_505 : i1 to i32
          %cond3A_507 = arith.constant 0 : i32
          %cond3A_508 = arith.cmpi ne, %convert_element_type3A_506, %cond3A_507 : i32
          scf.if %cond3A_508 {
            %swap3A = arith.constant 1 : i32
            %swap3A_594 = arith.index_cast %swap3A : i32 to index
            %swap3A_595 = arith.index_cast %add3A_503 : i32 to index
            %swap3A_596 = arith.constant 0 : index
            %swap3A_597 = tpu.vector_load %arg8[%swap3A_594, %swap3A_595, %swap3A_596] {strides = array<i32>} : memref<2x1280x32xf32, #tpu.memory_space<vmem>>, vector<1x1x16xf32>,
            %swap3A_598 = vector.shape_cast %swap3A_597 : vector<1x1x16xf32> to vector<16xf32>
            %swap3A_599 = vector.shape_cast %get3A_309 : vector<16xf32> to vector<1x1x16xf32>
            tpu.vector_store %arg8[%swap3A_594, %swap3A_595, %swap3A_596], %swap3A_599 {strides = array<i32>} : memref<2x1280x32xf32, #tpu.memory_space<vmem>>, vector<1x1x16xf32>,
            %swap3A_600 = arith.constant 1 : i32
            %swap3A_601 = arith.index_cast %swap3A_600 : i32 to index
            %swap3A_602 = arith.index_cast %add3A_503 : i32 to index
            %swap3A_603 = arith.constant 16 : index
            %swap3A_604 = tpu.vector_load %arg8[%swap3A_601, %swap3A_602, %swap3A_603] {strides = array<i32>} : memref<2x1280x32xf32, #tpu.memory_space<vmem>>, vector<1x1x16xf32>,
            %swap3A_605 = vector.shape_cast %swap3A_604 : vector<1x1x16xf32> to vector<16xf32>
            %swap3A_606 = vector.shape_cast %get3A_314 : vector<16xf32> to vector<1x1x16xf32>
            tpu.vector_store %arg8[%swap3A_601, %swap3A_602, %swap3A_603], %swap3A_606 {strides = array<i32>} : memref<2x1280x32xf32, #tpu.memory_space<vmem>>, vector<1x1x16xf32>,
          } else {
          }
          %eq3A_509 = arith.constant 999999 : i32
          %eq3A_510 = arith.cmpi eq, %squeeze3A_499, %eq3A_509 : i32
          %convert_element_type3A_511 = arith.extui %eq3A_510 : i1 to i32
          %cond3A_512 = arith.constant 0 : i32
          %cond3A_513 = arith.cmpi ne, %convert_element_type3A_511, %cond3A_512 : i32
          scf.if %cond3A_513 {
            %swap3A = arith.constant 1 : i32
            %swap3A_594 = arith.index_cast %swap3A : i32 to index
            %swap3A_595 = arith.index_cast %add3A_503 : i32 to index
            %swap3A_596 = arith.constant 0 : index
            %swap3A_597 = tpu.vector_load %arg8[%swap3A_594, %swap3A_595, %swap3A_596] {strides = array<i32>} : memref<2x1280x32xf32, #tpu.memory_space<vmem>>, vector<1x1x16xf32>,
            %swap3A_598 = vector.shape_cast %swap3A_597 : vector<1x1x16xf32> to vector<16xf32>
            %swap3A_599 = vector.shape_cast %get3A_319 : vector<16xf32> to vector<1x1x16xf32>
            tpu.vector_store %arg8[%swap3A_594, %swap3A_595, %swap3A_596], %swap3A_599 {strides = array<i32>} : memref<2x1280x32xf32, #tpu.memory_space<vmem>>, vector<1x1x16xf32>,
            %swap3A_600 = arith.constant 1 : i32
            %swap3A_601 = arith.index_cast %swap3A_600 : i32 to index
            %swap3A_602 = arith.index_cast %add3A_503 : i32 to index
            %swap3A_603 = arith.constant 16 : index
            %swap3A_604 = tpu.vector_load %arg8[%swap3A_601, %swap3A_602, %swap3A_603] {strides = array<i32>} : memref<2x1280x32xf32, #tpu.memory_space<vmem>>, vector<1x1x16xf32>,
            %swap3A_605 = vector.shape_cast %swap3A_604 : vector<1x1x16xf32> to vector<16xf32>
            %swap3A_606 = vector.shape_cast %get3A_324 : vector<16xf32> to vector<1x1x16xf32>
            tpu.vector_store %arg8[%swap3A_601, %swap3A_602, %swap3A_603], %swap3A_606 {strides = array<i32>} : memref<2x1280x32xf32, #tpu.memory_space<vmem>>, vector<1x1x16xf32>,
          } else {
          }
          %slice3A_514 = vector.extract_strided_slice %get3A_338 {offsets = [11], sizes = [1], strides = [1]} : vector<16xi32> to vector<1xi32>
          %squeeze3A_515 = vector.extract %slice3A_514[0] : i32 from vector<1xi32>
          %mul3A_516 = arith.constant 16 : i32
          %mul3A_517 = arith.muli %scan3A_331, %mul3A_516 : i32
          %add3A_518 = arith.constant 11 : i32
          %add3A_519 = arith.addi %mul3A_517, %add3A_518 : i32
          %eq3A_520 = arith.constant 999998 : i32
          %eq3A_521 = arith.cmpi eq, %squeeze3A_515, %eq3A_520 : i32
          %convert_element_type3A_522 = arith.extui %eq3A_521 : i1 to i32
          %cond3A_523 = arith.constant 0 : i32
          %cond3A_524 = arith.cmpi ne, %convert_element_type3A_522, %cond3A_523 : i32
          scf.if %cond3A_524 {
            %swap3A = arith.constant 1 : i32
            %swap3A_594 = arith.index_cast %swap3A : i32 to index
            %swap3A_595 = arith.index_cast %add3A_519 : i32 to index
            %swap3A_596 = arith.constant 0 : index
            %swap3A_597 = tpu.vector_load %arg8[%swap3A_594, %swap3A_595, %swap3A_596] {strides = array<i32>} : memref<2x1280x32xf32, #tpu.memory_space<vmem>>, vector<1x1x16xf32>,
            %swap3A_598 = vector.shape_cast %swap3A_597 : vector<1x1x16xf32> to vector<16xf32>
            %swap3A_599 = vector.shape_cast %get3A_309 : vector<16xf32> to vector<1x1x16xf32>
            tpu.vector_store %arg8[%swap3A_594, %swap3A_595, %swap3A_596], %swap3A_599 {strides = array<i32>} : memref<2x1280x32xf32, #tpu.memory_space<vmem>>, vector<1x1x16xf32>,
            %swap3A_600 = arith.constant 1 : i32
            %swap3A_601 = arith.index_cast %swap3A_600 : i32 to index
            %swap3A_602 = arith.index_cast %add3A_519 : i32 to index
            %swap3A_603 = arith.constant 16 : index
            %swap3A_604 = tpu.vector_load %arg8[%swap3A_601, %swap3A_602, %swap3A_603] {strides = array<i32>} : memref<2x1280x32xf32, #tpu.memory_space<vmem>>, vector<1x1x16xf32>,
            %swap3A_605 = vector.shape_cast %swap3A_604 : vector<1x1x16xf32> to vector<16xf32>
            %swap3A_606 = vector.shape_cast %get3A_314 : vector<16xf32> to vector<1x1x16xf32>
            tpu.vector_store %arg8[%swap3A_601, %swap3A_602, %swap3A_603], %swap3A_606 {strides = array<i32>} : memref<2x1280x32xf32, #tpu.memory_space<vmem>>, vector<1x1x16xf32>,
          } else {
          }
          %eq3A_525 = arith.constant 999999 : i32
          %eq3A_526 = arith.cmpi eq, %squeeze3A_515, %eq3A_525 : i32
          %convert_element_type3A_527 = arith.extui %eq3A_526 : i1 to i32
          %cond3A_528 = arith.constant 0 : i32
          %cond3A_529 = arith.cmpi ne, %convert_element_type3A_527, %cond3A_528 : i32
          scf.if %cond3A_529 {
            %swap3A = arith.constant 1 : i32
            %swap3A_594 = arith.index_cast %swap3A : i32 to index
            %swap3A_595 = arith.index_cast %add3A_519 : i32 to index
            %swap3A_596 = arith.constant 0 : index
            %swap3A_597 = tpu.vector_load %arg8[%swap3A_594, %swap3A_595, %swap3A_596] {strides = array<i32>} : memref<2x1280x32xf32, #tpu.memory_space<vmem>>, vector<1x1x16xf32>,
            %swap3A_598 = vector.shape_cast %swap3A_597 : vector<1x1x16xf32> to vector<16xf32>
            %swap3A_599 = vector.shape_cast %get3A_319 : vector<16xf32> to vector<1x1x16xf32>
            tpu.vector_store %arg8[%swap3A_594, %swap3A_595, %swap3A_596], %swap3A_599 {strides = array<i32>} : memref<2x1280x32xf32, #tpu.memory_space<vmem>>, vector<1x1x16xf32>,
            %swap3A_600 = arith.constant 1 : i32
            %swap3A_601 = arith.index_cast %swap3A_600 : i32 to index
            %swap3A_602 = arith.index_cast %add3A_519 : i32 to index
            %swap3A_603 = arith.constant 16 : index
            %swap3A_604 = tpu.vector_load %arg8[%swap3A_601, %swap3A_602, %swap3A_603] {strides = array<i32>} : memref<2x1280x32xf32, #tpu.memory_space<vmem>>, vector<1x1x16xf32>,
            %swap3A_605 = vector.shape_cast %swap3A_604 : vector<1x1x16xf32> to vector<16xf32>
            %swap3A_606 = vector.shape_cast %get3A_324 : vector<16xf32> to vector<1x1x16xf32>
            tpu.vector_store %arg8[%swap3A_601, %swap3A_602, %swap3A_603], %swap3A_606 {strides = array<i32>} : memref<2x1280x32xf32, #tpu.memory_space<vmem>>, vector<1x1x16xf32>,
          } else {
          }
          %slice3A_530 = vector.extract_strided_slice %get3A_338 {offsets = [12], sizes = [1], strides = [1]} : vector<16xi32> to vector<1xi32>
          %squeeze3A_531 = vector.extract %slice3A_530[0] : i32 from vector<1xi32>
          %mul3A_532 = arith.constant 16 : i32
          %mul3A_533 = arith.muli %scan3A_331, %mul3A_532 : i32
          %add3A_534 = arith.constant 12 : i32
          %add3A_535 = arith.addi %mul3A_533, %add3A_534 : i32
          %eq3A_536 = arith.constant 999998 : i32
          %eq3A_537 = arith.cmpi eq, %squeeze3A_531, %eq3A_536 : i32
          %convert_element_type3A_538 = arith.extui %eq3A_537 : i1 to i32
          %cond3A_539 = arith.constant 0 : i32
          %cond3A_540 = arith.cmpi ne, %convert_element_type3A_538, %cond3A_539 : i32
          scf.if %cond3A_540 {
            %swap3A = arith.constant 1 : i32
            %swap3A_594 = arith.index_cast %swap3A : i32 to index
            %swap3A_595 = arith.index_cast %add3A_535 : i32 to index
            %swap3A_596 = arith.constant 0 : index
            %swap3A_597 = tpu.vector_load %arg8[%swap3A_594, %swap3A_595, %swap3A_596] {strides = array<i32>} : memref<2x1280x32xf32, #tpu.memory_space<vmem>>, vector<1x1x16xf32>,
            %swap3A_598 = vector.shape_cast %swap3A_597 : vector<1x1x16xf32> to vector<16xf32>
            %swap3A_599 = vector.shape_cast %get3A_309 : vector<16xf32> to vector<1x1x16xf32>
            tpu.vector_store %arg8[%swap3A_594, %swap3A_595, %swap3A_596], %swap3A_599 {strides = array<i32>} : memref<2x1280x32xf32, #tpu.memory_space<vmem>>, vector<1x1x16xf32>,
            %swap3A_600 = arith.constant 1 : i32
            %swap3A_601 = arith.index_cast %swap3A_600 : i32 to index
            %swap3A_602 = arith.index_cast %add3A_535 : i32 to index
            %swap3A_603 = arith.constant 16 : index
            %swap3A_604 = tpu.vector_load %arg8[%swap3A_601, %swap3A_602, %swap3A_603] {strides = array<i32>} : memref<2x1280x32xf32, #tpu.memory_space<vmem>>, vector<1x1x16xf32>,
            %swap3A_605 = vector.shape_cast %swap3A_604 : vector<1x1x16xf32> to vector<16xf32>
            %swap3A_606 = vector.shape_cast %get3A_314 : vector<16xf32> to vector<1x1x16xf32>
            tpu.vector_store %arg8[%swap3A_601, %swap3A_602, %swap3A_603], %swap3A_606 {strides = array<i32>} : memref<2x1280x32xf32, #tpu.memory_space<vmem>>, vector<1x1x16xf32>,
          } else {
          }
          %eq3A_541 = arith.constant 999999 : i32
          %eq3A_542 = arith.cmpi eq, %squeeze3A_531, %eq3A_541 : i32
          %convert_element_type3A_543 = arith.extui %eq3A_542 : i1 to i32
          %cond3A_544 = arith.constant 0 : i32
          %cond3A_545 = arith.cmpi ne, %convert_element_type3A_543, %cond3A_544 : i32
          scf.if %cond3A_545 {
            %swap3A = arith.constant 1 : i32
            %swap3A_594 = arith.index_cast %swap3A : i32 to index
            %swap3A_595 = arith.index_cast %add3A_535 : i32 to index
            %swap3A_596 = arith.constant 0 : index
            %swap3A_597 = tpu.vector_load %arg8[%swap3A_594, %swap3A_595, %swap3A_596] {strides = array<i32>} : memref<2x1280x32xf32, #tpu.memory_space<vmem>>, vector<1x1x16xf32>,
            %swap3A_598 = vector.shape_cast %swap3A_597 : vector<1x1x16xf32> to vector<16xf32>
            %swap3A_599 = vector.shape_cast %get3A_319 : vector<16xf32> to vector<1x1x16xf32>
            tpu.vector_store %arg8[%swap3A_594, %swap3A_595, %swap3A_596], %swap3A_599 {strides = array<i32>} : memref<2x1280x32xf32, #tpu.memory_space<vmem>>, vector<1x1x16xf32>,
            %swap3A_600 = arith.constant 1 : i32
            %swap3A_601 = arith.index_cast %swap3A_600 : i32 to index
            %swap3A_602 = arith.index_cast %add3A_535 : i32 to index
            %swap3A_603 = arith.constant 16 : index
            %swap3A_604 = tpu.vector_load %arg8[%swap3A_601, %swap3A_602, %swap3A_603] {strides = array<i32>} : memref<2x1280x32xf32, #tpu.memory_space<vmem>>, vector<1x1x16xf32>,
            %swap3A_605 = vector.shape_cast %swap3A_604 : vector<1x1x16xf32> to vector<16xf32>
            %swap3A_606 = vector.shape_cast %get3A_324 : vector<16xf32> to vector<1x1x16xf32>
            tpu.vector_store %arg8[%swap3A_601, %swap3A_602, %swap3A_603], %swap3A_606 {strides = array<i32>} : memref<2x1280x32xf32, #tpu.memory_space<vmem>>, vector<1x1x16xf32>,
          } else {
          }
          %slice3A_546 = vector.extract_strided_slice %get3A_338 {offsets = [13], sizes = [1], strides = [1]} : vector<16xi32> to vector<1xi32>
          %squeeze3A_547 = vector.extract %slice3A_546[0] : i32 from vector<1xi32>
          %mul3A_548 = arith.constant 16 : i32
          %mul3A_549 = arith.muli %scan3A_331, %mul3A_548 : i32
          %add3A_550 = arith.constant 13 : i32
          %add3A_551 = arith.addi %mul3A_549, %add3A_550 : i32
          %eq3A_552 = arith.constant 999998 : i32
          %eq3A_553 = arith.cmpi eq, %squeeze3A_547, %eq3A_552 : i32
          %convert_element_type3A_554 = arith.extui %eq3A_553 : i1 to i32
          %cond3A_555 = arith.constant 0 : i32
          %cond3A_556 = arith.cmpi ne, %convert_element_type3A_554, %cond3A_555 : i32
          scf.if %cond3A_556 {
            %swap3A = arith.constant 1 : i32
            %swap3A_594 = arith.index_cast %swap3A : i32 to index
            %swap3A_595 = arith.index_cast %add3A_551 : i32 to index
            %swap3A_596 = arith.constant 0 : index
            %swap3A_597 = tpu.vector_load %arg8[%swap3A_594, %swap3A_595, %swap3A_596] {strides = array<i32>} : memref<2x1280x32xf32, #tpu.memory_space<vmem>>, vector<1x1x16xf32>,
            %swap3A_598 = vector.shape_cast %swap3A_597 : vector<1x1x16xf32> to vector<16xf32>
            %swap3A_599 = vector.shape_cast %get3A_309 : vector<16xf32> to vector<1x1x16xf32>
            tpu.vector_store %arg8[%swap3A_594, %swap3A_595, %swap3A_596], %swap3A_599 {strides = array<i32>} : memref<2x1280x32xf32, #tpu.memory_space<vmem>>, vector<1x1x16xf32>,
            %swap3A_600 = arith.constant 1 : i32
            %swap3A_601 = arith.index_cast %swap3A_600 : i32 to index
            %swap3A_602 = arith.index_cast %add3A_551 : i32 to index
            %swap3A_603 = arith.constant 16 : index
            %swap3A_604 = tpu.vector_load %arg8[%swap3A_601, %swap3A_602, %swap3A_603] {strides = array<i32>} : memref<2x1280x32xf32, #tpu.memory_space<vmem>>, vector<1x1x16xf32>,
            %swap3A_605 = vector.shape_cast %swap3A_604 : vector<1x1x16xf32> to vector<16xf32>
            %swap3A_606 = vector.shape_cast %get3A_314 : vector<16xf32> to vector<1x1x16xf32>
            tpu.vector_store %arg8[%swap3A_601, %swap3A_602, %swap3A_603], %swap3A_606 {strides = array<i32>} : memref<2x1280x32xf32, #tpu.memory_space<vmem>>, vector<1x1x16xf32>,
          } else {
          }
          %eq3A_557 = arith.constant 999999 : i32
          %eq3A_558 = arith.cmpi eq, %squeeze3A_547, %eq3A_557 : i32
          %convert_element_type3A_559 = arith.extui %eq3A_558 : i1 to i32
          %cond3A_560 = arith.constant 0 : i32
          %cond3A_561 = arith.cmpi ne, %convert_element_type3A_559, %cond3A_560 : i32
          scf.if %cond3A_561 {
            %swap3A = arith.constant 1 : i32
            %swap3A_594 = arith.index_cast %swap3A : i32 to index
            %swap3A_595 = arith.index_cast %add3A_551 : i32 to index
            %swap3A_596 = arith.constant 0 : index
            %swap3A_597 = tpu.vector_load %arg8[%swap3A_594, %swap3A_595, %swap3A_596] {strides = array<i32>} : memref<2x1280x32xf32, #tpu.memory_space<vmem>>, vector<1x1x16xf32>,
            %swap3A_598 = vector.shape_cast %swap3A_597 : vector<1x1x16xf32> to vector<16xf32>
            %swap3A_599 = vector.shape_cast %get3A_319 : vector<16xf32> to vector<1x1x16xf32>
            tpu.vector_store %arg8[%swap3A_594, %swap3A_595, %swap3A_596], %swap3A_599 {strides = array<i32>} : memref<2x1280x32xf32, #tpu.memory_space<vmem>>, vector<1x1x16xf32>,
            %swap3A_600 = arith.constant 1 : i32
            %swap3A_601 = arith.index_cast %swap3A_600 : i32 to index
            %swap3A_602 = arith.index_cast %add3A_551 : i32 to index
            %swap3A_603 = arith.constant 16 : index
            %swap3A_604 = tpu.vector_load %arg8[%swap3A_601, %swap3A_602, %swap3A_603] {strides = array<i32>} : memref<2x1280x32xf32, #tpu.memory_space<vmem>>, vector<1x1x16xf32>,
            %swap3A_605 = vector.shape_cast %swap3A_604 : vector<1x1x16xf32> to vector<16xf32>
            %swap3A_606 = vector.shape_cast %get3A_324 : vector<16xf32> to vector<1x1x16xf32>
            tpu.vector_store %arg8[%swap3A_601, %swap3A_602, %swap3A_603], %swap3A_606 {strides = array<i32>} : memref<2x1280x32xf32, #tpu.memory_space<vmem>>, vector<1x1x16xf32>,
          } else {
          }
          %slice3A_562 = vector.extract_strided_slice %get3A_338 {offsets = [14], sizes = [1], strides = [1]} : vector<16xi32> to vector<1xi32>
          %squeeze3A_563 = vector.extract %slice3A_562[0] : i32 from vector<1xi32>
          %mul3A_564 = arith.constant 16 : i32
          %mul3A_565 = arith.muli %scan3A_331, %mul3A_564 : i32
          %add3A_566 = arith.constant 14 : i32
          %add3A_567 = arith.addi %mul3A_565, %add3A_566 : i32
          %eq3A_568 = arith.constant 999998 : i32
          %eq3A_569 = arith.cmpi eq, %squeeze3A_563, %eq3A_568 : i32
          %convert_element_type3A_570 = arith.extui %eq3A_569 : i1 to i32
          %cond3A_571 = arith.constant 0 : i32
          %cond3A_572 = arith.cmpi ne, %convert_element_type3A_570, %cond3A_571 : i32
          scf.if %cond3A_572 {
            %swap3A = arith.constant 1 : i32
            %swap3A_594 = arith.index_cast %swap3A : i32 to index
            %swap3A_595 = arith.index_cast %add3A_567 : i32 to index
            %swap3A_596 = arith.constant 0 : index
            %swap3A_597 = tpu.vector_load %arg8[%swap3A_594, %swap3A_595, %swap3A_596] {strides = array<i32>} : memref<2x1280x32xf32, #tpu.memory_space<vmem>>, vector<1x1x16xf32>,
            %swap3A_598 = vector.shape_cast %swap3A_597 : vector<1x1x16xf32> to vector<16xf32>
            %swap3A_599 = vector.shape_cast %get3A_309 : vector<16xf32> to vector<1x1x16xf32>
            tpu.vector_store %arg8[%swap3A_594, %swap3A_595, %swap3A_596], %swap3A_599 {strides = array<i32>} : memref<2x1280x32xf32, #tpu.memory_space<vmem>>, vector<1x1x16xf32>,
            %swap3A_600 = arith.constant 1 : i32
            %swap3A_601 = arith.index_cast %swap3A_600 : i32 to index
            %swap3A_602 = arith.index_cast %add3A_567 : i32 to index
            %swap3A_603 = arith.constant 16 : index
            %swap3A_604 = tpu.vector_load %arg8[%swap3A_601, %swap3A_602, %swap3A_603] {strides = array<i32>} : memref<2x1280x32xf32, #tpu.memory_space<vmem>>, vector<1x1x16xf32>,
            %swap3A_605 = vector.shape_cast %swap3A_604 : vector<1x1x16xf32> to vector<16xf32>
            %swap3A_606 = vector.shape_cast %get3A_314 : vector<16xf32> to vector<1x1x16xf32>
            tpu.vector_store %arg8[%swap3A_601, %swap3A_602, %swap3A_603], %swap3A_606 {strides = array<i32>} : memref<2x1280x32xf32, #tpu.memory_space<vmem>>, vector<1x1x16xf32>,
          } else {
          }
          %eq3A_573 = arith.constant 999999 : i32
          %eq3A_574 = arith.cmpi eq, %squeeze3A_563, %eq3A_573 : i32
          %convert_element_type3A_575 = arith.extui %eq3A_574 : i1 to i32
          %cond3A_576 = arith.constant 0 : i32
          %cond3A_577 = arith.cmpi ne, %convert_element_type3A_575, %cond3A_576 : i32
          scf.if %cond3A_577 {
            %swap3A = arith.constant 1 : i32
            %swap3A_594 = arith.index_cast %swap3A : i32 to index
            %swap3A_595 = arith.index_cast %add3A_567 : i32 to index
            %swap3A_596 = arith.constant 0 : index
            %swap3A_597 = tpu.vector_load %arg8[%swap3A_594, %swap3A_595, %swap3A_596] {strides = array<i32>} : memref<2x1280x32xf32, #tpu.memory_space<vmem>>, vector<1x1x16xf32>,
            %swap3A_598 = vector.shape_cast %swap3A_597 : vector<1x1x16xf32> to vector<16xf32>
            %swap3A_599 = vector.shape_cast %get3A_319 : vector<16xf32> to vector<1x1x16xf32>
            tpu.vector_store %arg8[%swap3A_594, %swap3A_595, %swap3A_596], %swap3A_599 {strides = array<i32>} : memref<2x1280x32xf32, #tpu.memory_space<vmem>>, vector<1x1x16xf32>,
            %swap3A_600 = arith.constant 1 : i32
            %swap3A_601 = arith.index_cast %swap3A_600 : i32 to index
            %swap3A_602 = arith.index_cast %add3A_567 : i32 to index
            %swap3A_603 = arith.constant 16 : index
            %swap3A_604 = tpu.vector_load %arg8[%swap3A_601, %swap3A_602, %swap3A_603] {strides = array<i32>} : memref<2x1280x32xf32, #tpu.memory_space<vmem>>, vector<1x1x16xf32>,
            %swap3A_605 = vector.shape_cast %swap3A_604 : vector<1x1x16xf32> to vector<16xf32>
            %swap3A_606 = vector.shape_cast %get3A_324 : vector<16xf32> to vector<1x1x16xf32>
            tpu.vector_store %arg8[%swap3A_601, %swap3A_602, %swap3A_603], %swap3A_606 {strides = array<i32>} : memref<2x1280x32xf32, #tpu.memory_space<vmem>>, vector<1x1x16xf32>,
          } else {
          }
          %slice3A_578 = vector.extract_strided_slice %get3A_338 {offsets = [15], sizes = [1], strides = [1]} : vector<16xi32> to vector<1xi32>
          %squeeze3A_579 = vector.extract %slice3A_578[0] : i32 from vector<1xi32>
          %mul3A_580 = arith.constant 16 : i32
          %mul3A_581 = arith.muli %scan3A_331, %mul3A_580 : i32
          %add3A_582 = arith.constant 15 : i32
          %add3A_583 = arith.addi %mul3A_581, %add3A_582 : i32
          %eq3A_584 = arith.constant 999998 : i32
          %eq3A_585 = arith.cmpi eq, %squeeze3A_579, %eq3A_584 : i32
          %convert_element_type3A_586 = arith.extui %eq3A_585 : i1 to i32
          %cond3A_587 = arith.constant 0 : i32
          %cond3A_588 = arith.cmpi ne, %convert_element_type3A_586, %cond3A_587 : i32
          scf.if %cond3A_588 {
            %swap3A = arith.constant 1 : i32
            %swap3A_594 = arith.index_cast %swap3A : i32 to index
            %swap3A_595 = arith.index_cast %add3A_583 : i32 to index
            %swap3A_596 = arith.constant 0 : index
            %swap3A_597 = tpu.vector_load %arg8[%swap3A_594, %swap3A_595, %swap3A_596] {strides = array<i32>} : memref<2x1280x32xf32, #tpu.memory_space<vmem>>, vector<1x1x16xf32>,
            %swap3A_598 = vector.shape_cast %swap3A_597 : vector<1x1x16xf32> to vector<16xf32>
            %swap3A_599 = vector.shape_cast %get3A_309 : vector<16xf32> to vector<1x1x16xf32>
            tpu.vector_store %arg8[%swap3A_594, %swap3A_595, %swap3A_596], %swap3A_599 {strides = array<i32>} : memref<2x1280x32xf32, #tpu.memory_space<vmem>>, vector<1x1x16xf32>,
            %swap3A_600 = arith.constant 1 : i32
            %swap3A_601 = arith.index_cast %swap3A_600 : i32 to index
            %swap3A_602 = arith.index_cast %add3A_583 : i32 to index
            %swap3A_603 = arith.constant 16 : index
            %swap3A_604 = tpu.vector_load %arg8[%swap3A_601, %swap3A_602, %swap3A_603] {strides = array<i32>} : memref<2x1280x32xf32, #tpu.memory_space<vmem>>, vector<1x1x16xf32>,
            %swap3A_605 = vector.shape_cast %swap3A_604 : vector<1x1x16xf32> to vector<16xf32>
            %swap3A_606 = vector.shape_cast %get3A_314 : vector<16xf32> to vector<1x1x16xf32>
            tpu.vector_store %arg8[%swap3A_601, %swap3A_602, %swap3A_603], %swap3A_606 {strides = array<i32>} : memref<2x1280x32xf32, #tpu.memory_space<vmem>>, vector<1x1x16xf32>,
          } else {
          }
          %eq3A_589 = arith.constant 999999 : i32
          %eq3A_590 = arith.cmpi eq, %squeeze3A_579, %eq3A_589 : i32
          %convert_element_type3A_591 = arith.extui %eq3A_590 : i1 to i32
          %cond3A_592 = arith.constant 0 : i32
          %cond3A_593 = arith.cmpi ne, %convert_element_type3A_591, %cond3A_592 : i32
          scf.if %cond3A_593 {
            %swap3A = arith.constant 1 : i32
            %swap3A_594 = arith.index_cast %swap3A : i32 to index
            %swap3A_595 = arith.index_cast %add3A_583 : i32 to index
            %swap3A_596 = arith.constant 0 : index
            %swap3A_597 = tpu.vector_load %arg8[%swap3A_594, %swap3A_595, %swap3A_596] {strides = array<i32>} : memref<2x1280x32xf32, #tpu.memory_space<vmem>>, vector<1x1x16xf32>,
            %swap3A_598 = vector.shape_cast %swap3A_597 : vector<1x1x16xf32> to vector<16xf32>
            %swap3A_599 = vector.shape_cast %get3A_319 : vector<16xf32> to vector<1x1x16xf32>
            tpu.vector_store %arg8[%swap3A_594, %swap3A_595, %swap3A_596], %swap3A_599 {strides = array<i32>} : memref<2x1280x32xf32, #tpu.memory_space<vmem>>, vector<1x1x16xf32>,
            %swap3A_600 = arith.constant 1 : i32
            %swap3A_601 = arith.index_cast %swap3A_600 : i32 to index
            %swap3A_602 = arith.index_cast %add3A_583 : i32 to index
            %swap3A_603 = arith.constant 16 : index
            %swap3A_604 = tpu.vector_load %arg8[%swap3A_601, %swap3A_602, %swap3A_603] {strides = array<i32>} : memref<2x1280x32xf32, #tpu.memory_space<vmem>>, vector<1x1x16xf32>,
            %swap3A_605 = vector.shape_cast %swap3A_604 : vector<1x1x16xf32> to vector<16xf32>
            %swap3A_606 = vector.shape_cast %get3A_324 : vector<16xf32> to vector<1x1x16xf32>
            tpu.vector_store %arg8[%swap3A_601, %swap3A_602, %swap3A_603], %swap3A_606 {strides = array<i32>} : memref<2x1280x32xf32, #tpu.memory_space<vmem>>, vector<1x1x16xf32>,
          } else {
          }
        }
        %scan3A_330 = arith.constant 80 : i32
      } else {
      }
      %mul3A_290 = arith.constant 1280 : i32
      %mul3A_291 = arith.muli %add3A_201, %mul3A_290 : i32
      %add3A_292 = arith.addi %mul3A_2, %mul3A_291 : i32
      %dma_start3A_293 = arith.constant 1 : i32
      %dma_start3A_294 = arith.constant 0 : i32
      %dma_start3A_295 = arith.constant 0 : i32
      %dma_start3A_296 = tpu.memref_slice %arg8[%dma_start3A_293, %dma_start3A_294, %dma_start3A_295] : memref<2x1280x32xf32, #tpu.memory_space<vmem>> -> memref<1x1280x32xf32, #tpu.memory_space<vmem>>
      %dma_start3A_297 = tpu.memref_squeeze %dma_start3A_296 : memref<1x1280x32xf32, #tpu.memory_space<vmem>> -> memref<1280x32xf32, #tpu.memory_space<vmem>>
      %dma_start3A_298 = arith.constant 0 : i32
      %dma_start3A_299 = tpu.memref_slice %arg5[%add3A_292, %dma_start3A_298] : memref<819200x32xf32, #tpu.memory_space<hbm>> -> memref<1280x32xf32, #tpu.memory_space<hbm>>
      %dma_start3A_300 = arith.constant 0 : i32
      %dma_start3A_301 = tpu.memref_slice %arg5[%add3A_292, %dma_start3A_300] : memref<819200x32xf32, #tpu.memory_space<hbm>> -> memref<1280x32xf32, #tpu.memory_space<hbm>>
      %dma_start3A_302 = arith.constant 0 : i32
      %dma_start3A_303 = arith.constant 0 : i32
      %dma_start3A_304 = tpu.memref_slice %arg8[%dma_start3A_293, %dma_start3A_302, %dma_start3A_303] : memref<2x1280x32xf32, #tpu.memory_space<vmem>> -> memref<1x1280x32xf32, #tpu.memory_space<vmem>>
      %dma_start3A_305 = tpu.memref_squeeze %dma_start3A_304 : memref<1x1280x32xf32, #tpu.memory_space<vmem>> -> memref<1280x32xf32, #tpu.memory_space<vmem>>
      tpu.enqueue_dma source(%dma_start3A_305 : memref<1280x32xf32, #tpu.memory_space<vmem>>) target(%dma_start3A_301 : memref<1280x32xf32, #tpu.memory_space<hbm>>) target_semaphore(%arg13 : memref<!tpu.dma_semaphore, #tpu.memory_space<semaphore_mem>>)
      scf.yield %max3A_269 : i32
    }
    %scan3A_63 = arith.constant 10 : i32
    %dma_wait3A = arith.constant 0 : i32
    %dma_wait3A_64 = arith.constant 0 : i32
    %dma_wait3A_65 = arith.constant 0 : i32
    %dma_wait3A_66 = tpu.memref_slice %arg8[%dma_wait3A, %dma_wait3A_64, %dma_wait3A_65] : memref<2x1280x32xf32, #tpu.memory_space<vmem>> -> memref<1x1280x32xf32, #tpu.memory_space<vmem>>
    %dma_wait3A_67 = tpu.memref_squeeze %dma_wait3A_66 : memref<1x1280x32xf32, #tpu.memory_space<vmem>> -> memref<1280x32xf32, #tpu.memory_space<vmem>>
    %dma_wait3A_68 = arith.constant 0 : i32
    %dma_wait3A_69 = arith.constant 0 : i32
    %dma_wait3A_70 = tpu.memref_slice %arg3[%dma_wait3A_68, %dma_wait3A_69] : memref<999998x32xf32, #tpu.memory_space<hbm>> -> memref<1280x32xf32, #tpu.memory_space<hbm>>
    %dma_wait3A_71 = arith.constant 0 : i32
    %dma_wait3A_72 = arith.constant 0 : i32
    %dma_wait3A_73 = tpu.memref_slice %arg8[%dma_wait3A, %dma_wait3A_71, %dma_wait3A_72] : memref<2x1280x32xf32, #tpu.memory_space<vmem>> -> memref<1x1280x32xf32, #tpu.memory_space<vmem>>
    %dma_wait3A_74 = tpu.memref_squeeze %dma_wait3A_73 : memref<1x1280x32xf32, #tpu.memory_space<vmem>> -> memref<1280x32xf32, #tpu.memory_space<vmem>>
    %dma_wait3A_75 = arith.constant 0 : i32
    %dma_wait3A_76 = arith.constant 0 : i32
    %dma_wait3A_77 = tpu.memref_slice %arg3[%dma_wait3A_75, %dma_wait3A_76] : memref<999998x32xf32, #tpu.memory_space<hbm>> -> memref<1280x32xf32, #tpu.memory_space<hbm>>
    tpu.wait_dma2 semaphore(%arg10 : memref<!tpu.dma_semaphore, #tpu.memory_space<semaphore_mem>>) src(%dma_wait3A_77 : memref<1280x32xf32, #tpu.memory_space<hbm>>) dst(%dma_wait3A_74 : memref<1280x32xf32, #tpu.memory_space<vmem>>)
    %add3A_78 = arith.constant 24320 : i32
    %add3A_79 = arith.addi %mul3A_2, %add3A_78 : i32
    %dma_wait3A_80 = arith.constant 1 : i32
    %dma_wait3A_81 = arith.constant 0 : i32
    %dma_wait3A_82 = arith.constant 0 : i32
    %dma_wait3A_83 = tpu.memref_slice %arg8[%dma_wait3A_80, %dma_wait3A_81, %dma_wait3A_82] : memref<2x1280x32xf32, #tpu.memory_space<vmem>> -> memref<1x1280x32xf32, #tpu.memory_space<vmem>>
    %dma_wait3A_84 = tpu.memref_squeeze %dma_wait3A_83 : memref<1x1280x32xf32, #tpu.memory_space<vmem>> -> memref<1280x32xf32, #tpu.memory_space<vmem>>
    %dma_wait3A_85 = arith.constant 0 : i32
    %dma_wait3A_86 = tpu.memref_slice %arg5[%add3A_79, %dma_wait3A_85] : memref<819200x32xf32, #tpu.memory_space<hbm>> -> memref<1280x32xf32, #tpu.memory_space<hbm>>
    %dma_wait3A_87 = arith.constant 0 : i32
    %dma_wait3A_88 = tpu.memref_slice %arg5[%add3A_79, %dma_wait3A_87] : memref<819200x32xf32, #tpu.memory_space<hbm>> -> memref<1280x32xf32, #tpu.memory_space<hbm>>
    %dma_wait3A_89 = arith.constant 0 : i32
    %dma_wait3A_90 = arith.constant 0 : i32
    %dma_wait3A_91 = tpu.memref_slice %arg8[%dma_wait3A_80, %dma_wait3A_89, %dma_wait3A_90] : memref<2x1280x32xf32, #tpu.memory_space<vmem>> -> memref<1x1280x32xf32, #tpu.memory_space<vmem>>
    %dma_wait3A_92 = tpu.memref_squeeze %dma_wait3A_91 : memref<1x1280x32xf32, #tpu.memory_space<vmem>> -> memref<1280x32xf32, #tpu.memory_space<vmem>>
    tpu.wait_dma2 semaphore(%arg13 : memref<!tpu.dma_semaphore, #tpu.memory_space<semaphore_mem>>) src(%dma_wait3A_92 : memref<1280x32xf32, #tpu.memory_space<vmem>>) dst(%dma_wait3A_88 : memref<1280x32xf32, #tpu.memory_space<hbm>>)
    return
  }
}

</mosaic_0001>

<sc_bundles>
// kernel: kernel.3.cloned.1.call-start
scs
__scs_entry_jumppad:
0x0: {  	(pc) =	sbr.rel $0x88, $3  }
0x1: {  	(tag) =	ssettag $0x0;
	lr =	simm.s32 $0x1  }
0x2: {  	[smem:$0x3F9E] =	sst lr;
	_ =	strace $0xD0000000  }
0x3: {  	_ = 	snop  }
0x4: {  	_ = 	snop  }
0x5: {  	_ = 	snop  }
0x6: {  	_ = 	snop  }
0x7: {  	_ = 	snop  }
__scs_overlays_trampoline_lowered:
0x8: {  	[smem:$0x3FAD] =	sst s0  }
0x9: {  	[smem:$0x3FAE] =	sst s1  }
0xa: {  	[smem:$0x3FAF] =	sst s2  }
0xb: {  	[smem:$0x3FB0] =	sst s3  }
0xc: {  	[smem:$0x3FB1] =	sst s4  }
0xd: {  	[smem:$0x3FB2] =	sst s5  }
0xe: {  	[smem:$0x3FB3] =	sst s6  }
0xf: {  	[smem:$0x3FB4] =	sst s7  }
0x10: {  	[smem:$0x3FB5] =	sst s8  }
0x11: {  	[smem:$0x3FB6] =	sst s9;
	s0 =	simm.s32 @!p0 $0x0  }
0x12: {  	s1 =	sld [smem:$0x3F9C];
	s0 =	simm.s32 @p0 $0x1  }
0x13: {  	[smem:$0x3FB7] =	sst s0;
	s0 =	simm.s32 @!p1 $0x0  }
0x14: {  	s2 =	sld [smem:$0x3F9B];
	s0 =	simm.s32 @p1 $0x1  }
0x15: {  	[smem:$0x3FB8] =	sst s0;
	s0 =	simm.s32 @!p2 $0x0  }
0x16: {  	s3 =	sld [smem:$0x3FDB];
	s0 =	simm.s32 @p2 $0x1  }
0x17: {  	s4 =	simm.s32 $0x1BF5;
	[smem:$0x3FBA] =	sst s0  }
0x18: {  	s0 =	sld [smem:$0x3F9D];
	_ =	swait.ge [sflag:s4], $0x0  }
0x19: {  	s7 =	sld [smem:$0x3F9E]  }
0x1a: {  	s8 =	sadd.s32 $0xFFFFE003, lr  }
0x1b: {  	s9 =	sadd.s32 $0xFFFFFEF7, lr;
	s5 =	simm.s32 $0xFFFFFFFF;
	p2 =	slt.u32 s8, $0xFFFFF086  }
0x1c: {  	p1 =	slt.u32 s9, $0xF7A;
	s5 =	simm.s32 @!p2 $0x0  }
0x1d: {  	s5 =	simm.s32 @p1 $0x1;
	p0 =	seq.s32 s7, s2  }
0x1e: {  	s7 =	smul.u32 @!p0 $0xF7A, s2;
	p2 =	seq.s32 @!p0 s5, $0x0  }
0x1f: {  	s9 =	smul.u32 $0xF7A, s1;
	s8 =	simm.s32 @!p0 $0x1BF5;
	p2 =	por !p2, p0  }
0x20: {  	[sflag:s8] =	ssyncset.s32 @!p0 $0xFFFFF086;
	s6 =	sadd.s32 @!p0 s3, s7;
	s7 =	simm.s32 @!p0 $0x108  }
0x21: {  	s3 =	sadd.s32 s3, s9;
	s6 =	sadd.s32 @!p0 $0x88, s6;
	s7 =	simm.s32 @p2 $0x1082  }
0x22: {  	[simem:s7], [sflag:s8] =	dma.local @!p0 [hbm:s6], $0xF7A  }
0x23: {  	s9 =	sor.u32 $0xD0000000, s2;
	s6 =	simm.s32 $0x108;
	_ =	swait.ge @!p0 [sflag:s8], $0x0  }
0x24: {  	s3 =	sadd.s32 $0x88, s3;
	s6 =	simm.s32 @!p1 $0x1082;
	[sflag:s4] =	ssyncset.s32 $0xFFFFF086  }
0x25: {  	[simem:s6], [sflag:s4] =	dma.local [hbm:s3], $0xF7A  }
0x26: {  	[smem:$0x3F9E] =	sst s1;
	(tag) =	ssettag s2;
	_ =	strace s9  }
0x27: {  	s1 =	sld [smem:$0x3FAE]  }
0x28: {  	s2 =	sld [smem:$0x3FAF]  }
0x29: {  	s4 =	sld [smem:$0x3FB1]  }
0x2a: {  	p0 =	seq.s32 s5, $0x0;
	s5 =	sld [smem:$0x3FB2]  }
0x2b: {  	s6 =	sld [smem:$0x3FB3]  }
0x2c: {  	s7 =	sld [smem:$0x3FB4]  }
0x2d: {  	s3 =	simm.s32 $0x108;
	s8 =	sld [smem:$0x3FB5]  }
0x2e: {  	s3 =	simm.s32 @!p0 $0x1082;
	s9 =	sld [smem:$0x3FB6]  }
0x2f: {  	lr =	sadd.s32 s0, s3;
	s0 =	sld [smem:$0x3FAD]  }
0x30: {  	s3 =	sld [smem:$0x3FB0]  }
0x31: {  	[smem:$0x3FB9] =	sst s10  }
0x32: {  	s10 =	sld [smem:$0x3FB7];
	_ =	sdelay $0x3  }
0x33: {  	p0 =	seq.s32 s10, $0x1;
	s10 =	sld [smem:$0x3FB9];
	_ =	sdelay $0x3  }
0x34: {  	[smem:$0x3FB9] =	sst s10  }
0x35: {  	s10 =	sld [smem:$0x3FB8];
	_ =	sdelay $0x3  }
0x36: {  	p1 =	seq.s32 s10, $0x1;
	s10 =	sld [smem:$0x3FB9];
	_ =	sdelay $0x3  }
0x37: {  	[smem:$0x3FB9] =	sst s10  }
0x38: {  	s10 =	sld [smem:$0x3FBA]  }
0x39: {  	_ = 	snop;
	(pc) =	sbr.ind lr, $3  }
0x3a: {  	_ = 	snop  }
0x3b: {  	_ = 	snop  }
0x3c: {  	p2 =	seq.s32 s10, $0x1;
	s10 =	sld [smem:$0x3FB9]  }
0x3d: {  	_ =	shalt  }
0x3e: {  	_ =	shalt  }
0x3f: {  	_ =	shalt  }
0x40: {  	_ =	shalt  }
0x41: {  	_ =	shalt  }
0x42: {  	_ =	shalt  }
0x43: {  	_ =	shalt  }
0x44: {  	_ =	shalt  }
0x45: {  	_ =	shalt  }
0x46: {  	_ =	shalt  }
0x47: {  	_ =	shalt  }
0x48: {  	_ =	shalt  }
0x49: {  	_ =	shalt  }
0x4a: {  	_ =	shalt  }
0x4b: {  	_ =	shalt  }
0x4c: {  	_ =	shalt  }
0x4d: {  	_ =	shalt  }
0x4e: {  	_ =	shalt  }
0x4f: {  	_ =	shalt  }
0x50: {  	_ =	shalt  }
0x51: {  	_ =	shalt  }
0x52: {  	_ =	shalt  }
0x53: {  	_ =	shalt  }
0x54: {  	_ =	shalt  }
0x55: {  	_ =	shalt  }
0x56: {  	_ =	shalt  }
0x57: {  	_ =	shalt  }
0x58: {  	_ =	shalt  }
0x59: {  	_ =	shalt  }
0x5a: {  	_ =	shalt  }
0x5b: {  	_ =	shalt  }
0x5c: {  	_ =	shalt  }
0x5d: {  	_ =	shalt  }
0x5e: {  	_ =	shalt  }
0x5f: {  	_ =	shalt  }
0x60: {  	_ =	shalt  }
0x61: {  	_ =	shalt  }
0x62: {  	_ =	shalt  }
0x63: {  	_ =	shalt  }
0x64: {  	_ =	shalt  }
0x65: {  	_ =	shalt  }
0x66: {  	_ =	shalt  }
0x67: {  	_ =	shalt  }
0x68: {  	_ =	shalt  }
0x69: {  	_ =	shalt  }
0x6a: {  	_ =	shalt  }
0x6b: {  	_ =	shalt  }
0x6c: {  	_ =	shalt  }
0x6d: {  	_ =	shalt  }
0x6e: {  	_ =	shalt  }
0x6f: {  	_ =	shalt  }
0x70: {  	_ =	shalt  }
0x71: {  	_ =	shalt  }
0x72: {  	_ =	shalt  }
0x73: {  	_ =	shalt  }
0x74: {  	_ =	shalt  }
0x75: {  	_ =	shalt  }
0x76: {  	_ =	shalt  }
0x77: {  	_ =	shalt  }
0x78: {  	_ =	shalt  }
0x79: {  	_ =	shalt  }
0x7a: {  	_ =	shalt  }
0x7b: {  	_ =	shalt  }
0x7c: {  	_ =	shalt  }
0x7d: {  	_ =	shalt  }
0x7e: {  	_ =	shalt  }
0x7f: {  	_ =	shalt  }
0x80: {  	_ =	shalt  }
0x81: {  	_ =	shalt  }
0x82: {  	_ =	shalt  }
0x83: {  	_ =	shalt  }
0x84: {  	_ =	shalt  }
0x85: {  	_ =	shalt  }
0x86: {  	_ =	shalt  }
0x87: {  	_ =	shalt  }
.Lfunc_end0:
.L_simem_size_0:
called_computation.1_lowered:
.L_overlay_start_0:
0x88: {  	s2 =	sld [smem:$0x3FD9]  }
0x89: {  	s3 =	sld [smem:$0x3FFE];
	_ =	sdelay $0x1  }
0x8a: {  	s1 =	srdreg.scid  }
0x8b: {  	s0 =	sand.u32 $0x1, s1  }
0x8c: {  	s17 =	sshll.u32 s0, $0xA;
	s2 =	sadd.s32 s3, s2  }
0x8d: {  	s2 =	sadd.s32 s2, s17  }
0x8e: {  	[smem:$0x3FC5] =	sst s2  }
0x8f: {  	_ = 	snop  }
0x90: {  	s2 =	sld [smem:$0x3FD0];
	(tm) =	ssettm $0x1  }
0x91: {  	s18 =	sld [smem:$0x3FFB];
	_ =	sdelay $0x3  }
0x92: {  	_ =	strace s18  }
0x93: {  	s3 =	sld [smem:$0x3FFC];
	_ =	sdelay $0x3  }
0x94: {  	_ =	strace s3  }
0x95: {  	s3 =	sld [smem:$0x3FFD];
	_ =	sdelay $0x3  }
0x96: {  	_ =	strace s3  }
0x97: {  	_ =	strace $0x8FFFFFFF  }
0x98: {  	s19 =	sld [smem:$0x3FDB];
	_ =	sdelay $0x1  }
0x99: {  	s4 =	simm.s32 $_scs_section_size  }
0x9a: {  	s5 =	simm.s32 $_size__tile_overlayer_lowered;
	s6 =	simm.s32 $_tile_overlayer_lowered  }
0x9b: {  	s22 =	simm.s32 $0x1BFF;
	s21 =	sshll.u32 s6, $0x1;
	s3 =	sadd.s32 s4, s19  }
0x9c: {  	s7 =	simm.s32 $0x0;
	s20 =	sshll.u32 s5, $0x1;
	s5 =	sadd.s32 s21, s3  }
0x9d: {  	[timem:s7], [sflag:s22] =	dma.local [hbm:s5], s20  }
0x9e: {  	_ =	swait.ge [sflag:s22], s20  }
0x9f: {  	s4 =	ssub.s32 $0x0, s20;
	[sflag:s22] =	ssyncset.done $0x0  }
0xa0: {  	[sflag:s22] =	ssyncadd.s32 s4;
	_ =	sdelay $0x1  }
0xa1: {  	s23 =	simm.s32 $0x1B8B  }
0xa2: {  	_ =	swait.ge [sflag:s23], $0x1  }
0xa3: {  	[sflag:s23] =	ssyncset.done $0x0  }
0xa4: {  	s25 =	simm.s32 $0x1B8E;
	s24 =	sld [smem:$0x3FFE];
	[sflag:s23] =	ssyncadd.s32 $0xFFFFFFFF  }
0xa5: {  	s26 =	simm.s32 $execute0_lowered;
	[smem:$0x3FD2] =	sst s25  }
0xa6: {  	s5 =	sshll.u32 s26, $0x1;
	_ =	strace $0x80000046;
	[dreg:$0x1] =	wrdreg $0xFFFFFFFF  }
0xa7: {  	s28 =	simm.s32 $_size_execute0_lowered;
	s3 =	sadd.s32 s3, s5;
	[dreg:$0x0] =	wrdreg $0x0  }
0xa8: {  	s5 =	sshll.u32 s28, $0x1;
	[dreg:$0x2] =	wrdreg s3  }
0xa9: {  	[dreg:$0x3] =	wrdreg s5  }
0xaa: {  	[dreg:$0x4] =	wrdreg $0xC0  }
0xab: {  	_ =	task [dreg:s7], $0x5FFFF  }
0xac: {  	[dreg:$0x1] =	wrdreg $0xFFFFFFFF  }
0xad: {  	[dreg:$0x0] =	wrdreg $0x60  }
0xae: {  	[dreg:$0x2] =	wrdreg s24  }
0xaf: {  	[dreg:$0x3] =	wrdreg s2  }
0xb0: {  	[dreg:$0x4] =	wrdreg $0x9  }
0xb1: {  	_ =	task.clear_ibuf [dreg:s7], $0x5FFFF;
	_ =	strace $0x90000046  }
0xb2: {  	s29 =	simm.s32 $0x9;
	_ =	strace $0x80000048  }
0xb3: {  	_ =	swait.ge [sflag:s29], $0x1  }
0xb4: {  	[sflag:s29] =	ssyncadd.s32 $0xFFFFFFFF  }
0xb5: {  	_ =	strace $0x90000048  }
0xb6: {  	_ =	sfence  }
0xb7: {  	s30 =	sld [smem:$0x0];
	_ =	sdelay $0x2  }
0xb8: {  	s31 =	sshll.u32 s1, $0xD;
	s1 =	sshrl.u32 s1, $0x2  }
0xb9: {  	s3 =	sand.u32 $0x4000, s31;
	s1 =	sadd.s32 s1, s30  }
0xba: {  	s0 =	sor.u32 s3, s0;
	s1 =	sshll.u32 s1, $0x11  }
0xbb: {  	s0 =	sor.u32 s1, s0  }
0xbc: {  	s0 =	sadd.s32 $0x8F2B, s0  }
0xbd: {  	[sflag:s0] =	ssyncadd.remote.s32 $0x1  }
0xbe: {  	_ =	sfence.sel $0xFFFF  }
0xbf: {  	[dreg:$0x0] =	wrdreg $0xFFFFFFFF;
	(pc) =	sbr.abs _section_cstart, $3  }
0xc0: {  	[dreg:$0x1] =	wrdreg $0xFFFFFFFF  }
0xc1: {  	_ =	task.clear_ibuf [dreg:s7], $0x2FFFF;
	_ =	strace $0x9FFFFFFF  }
0xc2: {  	(tm) =	ssettm $0x7FFFFFFF  }
0xc3: {  	_ =	shalt  }
tec
execute0_lowered:
.L_overlay_start_1:
0x0: {  	(tag) =	ssettag $0x1  }
0x1: {  	s0 =	rddreg [dreg:$0x0]  }
0x2: {  	s1 =	srdreg.scid;
	s2 =	stileid.u32  }
0x3: {  	s3 =	simm.s32 $0x0;
	s13 =	simm.s32 $0x5;
	s15 =	simm.s32 $0x1  }
0x4: {  	s1 =	sand.u32 $0x1, s1;
	s2 =	sshll.u32 s2, $0x1;
	[smem:$0x7FF] =	sst s3  }
0x5: {  	s5 =	sadd.s32 $0xC00, s0;
	s6 =	sadd.s32 $0xF43000, s0;
	s2 =	sor.u32 s1, s2  }
0x6: {  	s0 =	sadd.s32 $0x19C00, s0;
	s1 =	ssub.s32 $0x2, s1;
	s7 =	smul.u32 $0x6400, s2  }
0x7: {  	_ =	strace $0x80000047;
	[dreg:$0x3] =	wrdreg s0;
	s26 =	sshrl.u32 s1, $0x1  }
.Ltmp0:
0x8: {  	s28 =	ssub.s32 s1, s26;
	s30 =	sadd.s32 $0xA00, s7;
	(pc) =	sbr.rel .LBB2_1-.Ltmp0, $4  }
0x9: {  	s16 =	simm.s32 $0x3;
	s0 =	smax.u32 s28, $0x1;
	[dreg:$0x5] =	wrdreg s30  }
0xa: {  	s4 =	sshrl.u32 s7, $0x3;
	s31 =	sadd.s32 $0x500, s7;
	[dreg:$0x6] =	wrdreg s0  }
0xb: {  	s17 =	simm.s32 $0x2;
	s29 =	sadd.s32 s5, s4;
	[dreg:$0x7] =	wrdreg s31  }
0xc: {  	vm0 =	vmmov $0xffff;
	s2 =	simm.s32 $0x0;
	s11 =	smov.u32 s7;
	[dreg:$0x4] =	wrdreg s29  }
.LBB2_143:
0xd: {  	_ =	swait.ge [sflag:s15], $0xA000  }
0xe: {  	[sflag:s15] =	ssyncset.done $0x0  }
0xf: {  	s1 =	simm.s32 $0x4;
	[sflag:s15] =	ssyncadd.s32 $0xFFFF6000  }
0x10: {  	_ =	swait.ge [sflag:s1], $0xA000  }
0x11: {  	s2 =	rddreg [dreg:$0x8]  }
0x12: {  	s0 =	rddreg [dreg:$0x6];
	s2 =	sadd.s32 $0x1, s2  }
0x13: {  	p0 =	sne.s32 s2, s0  }
.Ltmp1:
0x14: {  	_ = 	snop;
	(pc) =	sbr.rel @!p0 .LBB2_144-.Ltmp1, $3  }
0x15: {  	_ =	sdelay $0x1  }
0x16: {  	[sflag:s1] =	ssyncset.done $0x0  }
0x17: {  	[sflag:s1] =	ssyncadd.s32 $0xFFFF6000  }
.LBB2_1:
0x18: {  	[dreg:$0x8] =	wrdreg s2  }
0x19: {  	s0 =	rddreg [dreg:$0x3];
	s1 =	simm.s32 $0x15400  }
0x1a: {  	[tilespmem:s1], [sflag:$0x5] =	stream.linear.gather [hbm4b:s0+s3], $0x40, $0x38;
	[tilespmem:$0x15440] =	vst v63  }
0x1b: {  	_ =	swait.ge [sflag:s13], $0x40  }
0x1c: {  	[sflag:s13] =	ssyncset.done $0x0  }
0x1d: {  	s30 =	rddreg [dreg:$0x4];
	[sflag:s13] =	ssyncadd.s32 $0xFFFFFFC0  }
0x1e: {  	[tilespmem:s3], [sflag:$0x5] =	stream.linear.gather [hbm4b:s30+s3], $0x500, $0x38;
	[tilespmem:$0x15440] =	vst v63  }
0x1f: {  	_ =	swait.ge [sflag:s13], $0x500  }
0x20: {  	[sflag:s13] =	ssyncset.done $0x0  }
0x21: {  	s31 =	simm.s32 $0x0;
	[sflag:s13] =	ssyncadd.s32 $0xFFFFFB00  }
0x22: {  	v0 =	vld [tilespmem:s31+$0x0];
	_ =	sdelay $0x4  }
0x23: {  	vm1 =	vlt.s32 v0, $0xF423D  }
0x24: {  	v1 =	vnsel vm1, $0xF423D, v0;
	_ =	sdelay $0x3  }
0x25: {  	v2 =	vimm.s32 $0x0;
	s0 =	simm.s32 $0x1400;
	s1 =	simm.s32 $0x10;
	[tilespmem:s31+$0xA00] =	vst v1  }
0x26: {  	vm1 =	vgt.s32 v2, v0;
	[tilespmem:s0], [sflag:$0x1] =	stream.indirect_vreg.gather [hbm4b:s6+s3], $0x20, v1, vm0, $0xb8;
	[tilespmem:$0x15440] =	vst v63  }
0x27: {  	s2 =	simm.s32 $0x80;
	v0 =	vsel vm1, v2, v0;
	v1 =	vld [tilespmem:s1+$0x0]  }
.LBB2_2:
0x28: {  	p0 =	sne.s32 s2, $0x13C0;
	_ =	sdelay $0x3  }
0x29: {  	vm1 =	vlt.s32 v1, $0xF423D;
	vm2 =	vgt.s32 v0, v1  }
0x2a: {  	v2 =	vnsel vm1, $0xF423D, v1;
	v0 =	vsel vm2, v0, v1;
	_ =	sdelay $0x1  }
.Ltmp2:
0x2b: {  	(pc) =	sbr.rel @p0 .LBB2_2-.Ltmp2, $4  }
0x2c: {  	_ = 	snop  }
0x2d: {  	s4 =	sshra.s32 s2, $0x2;
	s0 =	sadd.s32 $0x200, s0  }
0x2e: {  	[tilespmem:s1+$0xA00] =	vst v2;
	[tilespmem:s0], [sflag:$0x1] =	stream.indirect_vreg.gather [hbm4b:s6+s3], $0x20, v2, vm0, $0xb8  }
0x2f: {  	s2 =	sadd.s32 $0x40, s2;
	s1 =	smov.u32 s4;
	v1 =	vld [tilespmem:s4+$0x0]  }
0x30: {  	_ =	sdelay $0x3  }
0x31: {  	vm1 =	vgt.s32 v0, v1  }
0x32: {  	v0 =	vsel vm1, v0, v1  }
0x33: {  	(v2sf) =	vpush v0, $0x0  }
0x34: {  	(v2sf) =	vpush v0, $0x1;
	_ =	sdelay $0x1  }
0x35: {  	(v2sf) =	vpush v0, $0x2;
	_ =	sdelay $0x1  }
0x36: {  	(v2sf) =	vpush v0, $0x3;
	_ =	sdelay $0x1  }
0x37: {  	(v2sf) =	vpush v0, $0x4  }
0x38: {  	vm1 =	vlt.s32 v1, $0xF423D  }
0x39: {  	v1 =	vnsel vm1, $0xF423D, v1;
	(v2sf) =	vpush v0, $0x5;
	_ =	sdelay $0x1  }
0x3a: {  	(v2sf) =	vpush v0, $0x6;
	_ =	sdelay $0x1  }
0x3b: {  	s0 =	sadd.s32 $0x200, s0;
	[tilespmem:s1+$0xA00] =	vst v1;
	(v2sf) =	vpush v0, $0x7  }
0x3c: {  	[tilespmem:s0], [sflag:$0x1] =	stream.indirect_vreg.gather [hbm4b:s6+s3], $0x20, v1, vm0, $0xb8;
	[tilespmem:$0x15440] =	vst v63  }
0x3d: {  	s0 =	spop (v2sf);
	(v2sf) =	vpush v0, $0x8  }
0x3e: {  	s1 =	spop (v2sf)  }
0x3f: {  	(v2sf) =	vpush v0, $0x9;
	p0 =	sgt.s32 s0, s1  }
0x40: {  	s1 =	smov.u32 @p0 s0;
	s0 =	spop (v2sf)  }
0x41: {  	(v2sf) =	vpush v0, $0xA;
	p0 =	sgt.s32 s1, s0  }
0x42: {  	s0 =	smov.u32 @p0 s1;
	s1 =	spop (v2sf)  }
0x43: {  	(v2sf) =	vpush v0, $0xB;
	p0 =	sgt.s32 s0, s1  }
0x44: {  	s1 =	smov.u32 @p0 s0;
	s0 =	spop (v2sf)  }
0x45: {  	(v2sf) =	vpush v0, $0xC;
	p0 =	sgt.s32 s1, s0  }
0x46: {  	s0 =	smov.u32 @p0 s1;
	s1 =	spop (v2sf)  }
0x47: {  	(v2sf) =	vpush v0, $0xD;
	p0 =	sgt.s32 s0, s1  }
0x48: {  	s1 =	smov.u32 @p0 s0;
	s0 =	spop (v2sf)  }
0x49: {  	(v2sf) =	vpush v0, $0xE;
	p0 =	sgt.s32 s1, s0  }
0x4a: {  	s0 =	smov.u32 @p0 s1;
	s1 =	spop (v2sf)  }
0x4b: {  	(v2sf) =	vpush v0, $0xF;
	p0 =	sgt.s32 s0, s1  }
0x4c: {  	s2 =	spop (v2sf);
	s1 =	smov.u32 @p0 s0  }
0x4d: {  	p0 =	sgt.s32 s1, s2  }
0x4e: {  	s0 =	spop (v2sf);
	s2 =	smov.u32 @p0 s1  }
0x4f: {  	p0 =	sgt.s32 s2, s0  }
0x50: {  	s1 =	spop (v2sf);
	s0 =	smov.u32 @p0 s2  }
0x51: {  	p0 =	sgt.s32 s0, s1  }
0x52: {  	s2 =	spop (v2sf);
	s1 =	smov.u32 @p0 s0  }
0x53: {  	p0 =	sgt.s32 s1, s2  }
0x54: {  	s0 =	spop (v2sf);
	s2 =	smov.u32 @p0 s1  }
0x55: {  	p0 =	sgt.s32 s2, s0  }
0x56: {  	s1 =	spop (v2sf);
	s0 =	smov.u32 @p0 s2  }
0x57: {  	p0 =	sgt.s32 s0, s1  }
.Ltmp3:
0x58: {  	s2 =	spop (v2sf);
	s1 =	smov.u32 @p0 s0;
	(pc) =	sbr.rel .LBB2_4-.Ltmp3, $4  }
0x59: {  	p0 =	sgt.s32 s1, s2  }
0x5a: {  	s24 =	spop (v2sf);
	s2 =	smov.u32 @p0 s1  }
0x5b: {  	p0 =	sgt.s32 s2, s24  }
0x5c: {  	s22 =	simm.s32 $0x0;
	s24 =	smov.u32 @p0 s2  }
.LBB2_142:
0x5d: {  	p0 =	sgt.s32 s18, s20  }
0x5e: {  	s20 =	smov.u32 @p0 s18  }
0x5f: {  	p0 =	sgt.s32 s20, s14  }
0x60: {  	s14 =	smov.u32 @p0 s20  }
0x61: {  	p0 =	sgt.s32 s14, s19  }
0x62: {  	s19 =	smov.u32 @p0 s14  }
0x63: {  	p0 =	sgt.s32 s19, s10  }
0x64: {  	s10 =	smov.u32 @p0 s19  }
0x65: {  	p0 =	sgt.s32 s10, s31  }
0x66: {  	s31 =	smov.u32 @p0 s10  }
0x67: {  	p0 =	sgt.s32 s31, s30  }
0x68: {  	s30 =	smov.u32 @p0 s31  }
0x69: {  	p0 =	sgt.s32 s30, s29  }
0x6a: {  	s29 =	smov.u32 @p0 s30  }
0x6b: {  	p0 =	sgt.s32 s29, s8  }
0x6c: {  	s8 =	smov.u32 @p0 s29  }
0x6d: {  	p0 =	sgt.s32 s8, s7  }
0x6e: {  	s7 =	smov.u32 @p0 s8  }
0x6f: {  	p0 =	sgt.s32 s7, s12  }
0x70: {  	s12 =	smov.u32 @p0 s7  }
0x71: {  	p0 =	sgt.s32 s12, s28  }
0x72: {  	s28 =	smov.u32 @p0 s12  }
0x73: {  	p0 =	sgt.s32 s28, s0  }
0x74: {  	s2 =	sshll.u32 s23, $0x2;
	s22 =	sadd.s32 $0x1, s22;
	s0 =	smov.u32 @p0 s28  }
0x75: {  	p1 =	sne.s32 s22, $0xA;
	s31 =	simm.s32 $0xB400;
	p0 =	sgt.s32 s0, s1  }
0x76: {  	s30 =	rddreg [dreg:$0x1];
	s29 =	sand.u32 $0x1FFFFC00, s2;
	s1 =	smov.u32 @p0 s0  }
.Ltmp4:
0x77: {  	s0 =	sadd.s32 s30, s29;
	p0 =	sgt.s32 s1, s26;
	(pc) =	sbr.rel @!p1 .LBB2_143-.Ltmp4, $4  }
0x78: {  	[hbm4b:s0+s3] =	stream.linear.scatter [tilespmem:s31], [sflag:$0x4], $0xA000, $0x38;
	[tilespmem:$0x15440] =	vst v63  }
0x79: {  	s26 =	smov.u32 @p0 s1  }
0x7a: {  	p0 =	sgt.s32 s26, s24  }
0x7b: {  	s24 =	smov.u32 @p0 s26  }
.LBB2_4:
0x7c: {  	p0 =	seq.s32 s22, $0x0  }
0x7d: {  	s0 =	simm.s32 @!p0 $0x4  }
0x7e: {  	s26 =	smul.u32 $0xA00, s22;
	_ =	swait.ge @!p0 [sflag:s0], $0xA000  }
0x7f: {  	s1 =	rddreg [dreg:$0x7]  }
0x80: {  	s23 =	sadd.s32 s1, s26  }
0x81: {  	s30 =	simm.s32 $0x500;
	[sflag:s0] =	ssyncset.done @!p0 $0x0;
	s1 =	sshrl.u32 s23, $0x3  }
0x82: {  	s2 =	simm.s32 $0x0;
	[sflag:s0] =	ssyncadd.s32 @!p0 $0xFFFF6000;
	s29 =	sadd.s32 s5, s1  }
0x83: {  	[tilespmem:s30], [sflag:$0x5] =	stream.linear.gather [hbm4b:s29+s2], $0x500, $0x38;
	[tilespmem:$0x15440] =	vst v63  }
0x84: {  	_ =	swait.ge [sflag:s13], $0x500  }
0x85: {  	[sflag:s13] =	ssyncset.done $0x0  }
0x86: {  	s31 =	simm.s32 $0x0;
	[sflag:s13] =	ssyncadd.s32 $0xFFFFFB00  }
0x87: {  	v0 =	vld [tilespmem:s31+$0x500];
	_ =	sdelay $0x4  }
0x88: {  	vm1 =	vlt.s32 v0, $0xF423D  }
0x89: {  	v1 =	vnsel vm1, $0xF423D, v0;
	_ =	sdelay $0x3  }
0x8a: {  	s4 =	simm.s32 $0xB400;
	v2 =	vimm.s32 $0x0;
	s25 =	simm.s32 $0x10;
	[tilespmem:s31+$0xF00] =	vst v1  }
0x8b: {  	vm1 =	vgt.s32 v2, v0;
	[tilespmem:s4], [sflag:$0x2] =	stream.indirect_vreg.gather [hbm4b:s6+s3], $0x20, v1, vm0, $0xb8;
	[tilespmem:$0x15440] =	vst v63  }
0x8c: {  	s28 =	sshll.u32 s22, $0x1;
	s0 =	simm.s32 $0x80;
	v1 =	vsel vm1, v2, v0;
	v0 =	vld [tilespmem:s25+$0x500]  }
.LBB2_5:
0x8d: {  	p0 =	sne.s32 s0, $0x13C0;
	_ =	sdelay $0x3  }
0x8e: {  	vm1 =	vlt.s32 v0, $0xF423D;
	vm2 =	vgt.s32 v1, v0  }
0x8f: {  	v2 =	vnsel vm1, $0xF423D, v0;
	v1 =	vsel vm2, v1, v0;
	_ =	sdelay $0x1  }
.Ltmp5:
0x90: {  	(pc) =	sbr.rel @p0 .LBB2_5-.Ltmp5, $4  }
0x91: {  	_ = 	snop  }
0x92: {  	s1 =	sshra.s32 s0, $0x2;
	s4 =	sadd.s32 $0x200, s4  }
0x93: {  	[tilespmem:s25+$0xF00] =	vst v2;
	[tilespmem:s4], [sflag:$0x2] =	stream.indirect_vreg.gather [hbm4b:s6+s3], $0x20, v2, vm0, $0xb8  }
0x94: {  	s0 =	sadd.s32 $0x40, s0;
	s25 =	smov.u32 s1;
	v0 =	vld [tilespmem:s1+$0x500]  }
0x95: {  	_ =	sdelay $0x3  }
0x96: {  	vm1 =	vgt.s32 v1, v0  }
0x97: {  	v1 =	vsel vm1, v1, v0  }
0x98: {  	(v2sf) =	vpush v1, $0x0  }
0x99: {  	(v2sf) =	vpush v1, $0x1  }
0x9a: {  	(v2sf) =	vpush v1, $0x2  }
0x9b: {  	(v2sf) =	vpush v1, $0x3  }
0x9c: {  	(v2sf) =	vpush v1, $0x4  }
0x9d: {  	(v2sf) =	vpush v1, $0x5  }
0x9e: {  	(v2sf) =	vpush v1, $0x6  }
0x9f: {  	(v2sf) =	vpush v1, $0x7  }
0xa0: {  	vm1 =	vlt.s32 v0, $0xF423D;
	(v2sf) =	vpush v1, $0x8  }
0xa1: {  	v0 =	vnsel vm1, $0xF423D, v0;
	(v2sf) =	vpush v1, $0x9  }
0xa2: {  	(v2sf) =	vpush v1, $0xA  }
0xa3: {  	(v2sf) =	vpush v1, $0xB  }
0xa4: {  	(v2sf) =	vpush v1, $0xC  }
0xa5: {  	s4 =	sadd.s32 $0x200, s4;
	[tilespmem:s25+$0xF00] =	vst v0;
	(v2sf) =	vpush v1, $0xD  }
0xa6: {  	[tilespmem:s4], [sflag:$0x2] =	stream.indirect_vreg.gather [hbm4b:s6+s3], $0x20, v0, vm0, $0xb8;
	(v2sf) =	vpush v1, $0xE;
	[tilespmem:$0x15440] =	vst v63  }
0xa7: {  	s2 =	spop (v2sf);
	(v2sf) =	vpush v1, $0xF  }
0xa8: {  	s20 =	spop (v2sf)  }
0xa9: {  	s21 =	spop (v2sf)  }
0xaa: {  	s19 =	spop (v2sf)  }
0xab: {  	s18 =	spop (v2sf)  }
0xac: {  	s14 =	spop (v2sf)  }
0xad: {  	s10 =	spop (v2sf)  }
0xae: {  	s8 =	spop (v2sf)  }
0xaf: {  	s7 =	spop (v2sf)  }
0xb0: {  	s0 =	spop (v2sf)  }
0xb1: {  	s12 =	spop (v2sf)  }
0xb2: {  	s1 =	spop (v2sf)  }
0xb3: {  	s31 =	spop (v2sf)  }
0xb4: {  	p0 =	slt.s32 s24, $0xF423E;
	s30 =	spop (v2sf)  }
.Ltmp6:
0xb5: {  	s29 =	spop (v2sf);
	(pc) =	sbr.rel @p0 .LBB2_73-.Ltmp6, $4  }
0xb6: {  	s25 =	spop (v2sf)  }
0xb7: {  	_ =	swait.ge [sflag:s15], $0xA000  }
0xb8: {  	[sflag:s15] =	ssyncset.done $0x0  }
0xb9: {  	[sflag:s15] =	ssyncadd.s32 $0xFFFF6000  }
.Ltmp7:
0xba: {  	(pc) =	sbr.rel .LBB2_8-.Ltmp7, $4  }
0xbb: {  	v0 =	vld [tilespmem:$0x15400]  }
0xbc: {  	v1 =	vld [tilespmem:$0x15410]  }
0xbd: {  	v2 =	vld [tilespmem:$0x15420]  }
0xbe: {  	s24 =	simm.s32 $0x0;
	s4 =	simm.s32 $0x1500;
	v3 =	vld [tilespmem:$0x15430]  }
.LBB2_71:
0xbf: {  	[tilespmem:s4+$0xE0] =	vst v4  }
0xc0: {  	[tilespmem:s4+$0xF0] =	vst v5  }
.LBB2_72:
0xc1: {  	s24 =	sadd.s32 $0x40, s24  }
0xc2: {  	p0 =	sne.s32 s24, $0x1400  }
.Ltmp8:
0xc3: {  	_ = 	snop;
	(pc) =	sbr.rel @!p0 .LBB2_73-.Ltmp8, $2  }
0xc4: {  	_ =	sdelay $0x2  }
0xc5: {  	s4 =	sadd.s32 $0x200, s4  }
.LBB2_8:
0xc6: {  	s9 =	sshra.s32 s24, $0x2  }
0xc7: {  	v4 =	vld [tilespmem:s9+$0x0];
	_ =	sdelay $0x4  }
0xc8: {  	(v2sf) =	vpush v4, $0x0;
	_ =	sdelay $0xe  }
0xc9: {  	s9 =	spop (v2sf)  }
0xca: {  	p0 =	seq.s32 s9, $0xF423E  }
.Ltmp9:
0xcb: {  	_ = 	snop;
	(pc) =	sbr.rel @p0 .LBB2_11-.Ltmp9, $2  }
0xcc: {  	_ =	sdelay $0x2  }
0xcd: {  	v5 =	vmov v0;
	v6 =	vmov v1  }
0xce: {  	p0 =	sne.s32 s9, $0xF423F  }
.Ltmp10:
0xcf: {  	_ = 	snop;
	(pc) =	sbr.rel @p0 .LBB2_12-.Ltmp10, $1  }
0xd0: {  	_ =	sdelay $0x3  }
0xd1: {  	v5 =	vmov v2;
	v6 =	vmov v3  }
.LBB2_11:
0xd2: {  	[tilespmem:s4+$0xFFFFFF00] =	vst v5  }
0xd3: {  	[tilespmem:s4+$0xFFFFFF10] =	vst v6  }
.LBB2_12:
0xd4: {  	(v2sf) =	vpush v4, $0x1;
	_ =	sdelay $0xe  }
0xd5: {  	s9 =	spop (v2sf)  }
0xd6: {  	p0 =	seq.s32 s9, $0xF423E  }
.Ltmp11:
0xd7: {  	_ = 	snop;
	(pc) =	sbr.rel @p0 .LBB2_15-.Ltmp11, $2  }
0xd8: {  	_ =	sdelay $0x2  }
0xd9: {  	v5 =	vmov v0;
	v6 =	vmov v1  }
0xda: {  	p0 =	sne.s32 s9, $0xF423F  }
.Ltmp12:
0xdb: {  	_ = 	snop;
	(pc) =	sbr.rel @p0 .LBB2_16-.Ltmp12, $1  }
0xdc: {  	_ =	sdelay $0x3  }
0xdd: {  	v5 =	vmov v2;
	v6 =	vmov v3  }
.LBB2_15:
0xde: {  	[tilespmem:s4+$0xFFFFFF20] =	vst v5  }
0xdf: {  	[tilespmem:s4+$0xFFFFFF30] =	vst v6  }
.LBB2_16:
0xe0: {  	(v2sf) =	vpush v4, $0x2;
	_ =	sdelay $0xe  }
0xe1: {  	s9 =	spop (v2sf)  }
0xe2: {  	p0 =	seq.s32 s9, $0xF423E  }
.Ltmp13:
0xe3: {  	_ = 	snop;
	(pc) =	sbr.rel @p0 .LBB2_19-.Ltmp13, $2  }
0xe4: {  	_ =	sdelay $0x2  }
0xe5: {  	v5 =	vmov v0;
	v6 =	vmov v1  }
0xe6: {  	p0 =	sne.s32 s9, $0xF423F  }
.Ltmp14:
0xe7: {  	_ = 	snop;
	(pc) =	sbr.rel @p0 .LBB2_20-.Ltmp14, $1  }
0xe8: {  	_ =	sdelay $0x3  }
0xe9: {  	v5 =	vmov v2;
	v6 =	vmov v3  }
.LBB2_19:
0xea: {  	[tilespmem:s4+$0xFFFFFF40] =	vst v5  }
0xeb: {  	[tilespmem:s4+$0xFFFFFF50] =	vst v6  }
.LBB2_20:
0xec: {  	(v2sf) =	vpush v4, $0x3;
	_ =	sdelay $0xe  }
0xed: {  	s9 =	spop (v2sf)  }
0xee: {  	p0 =	seq.s32 s9, $0xF423E  }
.Ltmp15:
0xef: {  	_ = 	snop;
	(pc) =	sbr.rel @p0 .LBB2_23-.Ltmp15, $2  }
0xf0: {  	_ =	sdelay $0x2  }
0xf1: {  	v5 =	vmov v0;
	v6 =	vmov v1  }
0xf2: {  	p0 =	sne.s32 s9, $0xF423F  }
.Ltmp16:
0xf3: {  	_ = 	snop;
	(pc) =	sbr.rel @p0 .LBB2_24-.Ltmp16, $1  }
0xf4: {  	_ =	sdelay $0x3  }
0xf5: {  	v5 =	vmov v2;
	v6 =	vmov v3  }
.LBB2_23:
0xf6: {  	[tilespmem:s4+$0xFFFFFF60] =	vst v5  }
0xf7: {  	[tilespmem:s4+$0xFFFFFF70] =	vst v6  }
.LBB2_24:
0xf8: {  	(v2sf) =	vpush v4, $0x4;
	_ =	sdelay $0xe  }
0xf9: {  	s9 =	spop (v2sf)  }
0xfa: {  	p0 =	seq.s32 s9, $0xF423E  }
.Ltmp17:
0xfb: {  	_ = 	snop;
	(pc) =	sbr.rel @p0 .LBB2_27-.Ltmp17, $2  }
0xfc: {  	_ =	sdelay $0x2  }
0xfd: {  	v5 =	vmov v0;
	v6 =	vmov v1  }
0xfe: {  	p0 =	sne.s32 s9, $0xF423F  }
.Ltmp18:
0xff: {  	_ = 	snop;
	(pc) =	sbr.rel @p0 .LBB2_28-.Ltmp18, $1  }
0x100: {  	_ =	sdelay $0x3  }
0x101: {  	v5 =	vmov v2;
	v6 =	vmov v3  }
.LBB2_27:
0x102: {  	[tilespmem:s4+$0xFFFFFF80] =	vst v5  }
0x103: {  	[tilespmem:s4+$0xFFFFFF90] =	vst v6  }
.LBB2_28:
0x104: {  	(v2sf) =	vpush v4, $0x5;
	_ =	sdelay $0xe  }
0x105: {  	s9 =	spop (v2sf)  }
0x106: {  	p0 =	seq.s32 s9, $0xF423E  }
.Ltmp19:
0x107: {  	_ = 	snop;
	(pc) =	sbr.rel @p0 .LBB2_31-.Ltmp19, $2  }
0x108: {  	_ =	sdelay $0x2  }
0x109: {  	v5 =	vmov v0;
	v6 =	vmov v1  }
0x10a: {  	p0 =	sne.s32 s9, $0xF423F  }
.Ltmp20:
0x10b: {  	_ = 	snop;
	(pc) =	sbr.rel @p0 .LBB2_32-.Ltmp20, $1  }
0x10c: {  	_ =	sdelay $0x3  }
0x10d: {  	v5 =	vmov v2;
	v6 =	vmov v3  }
.LBB2_31:
0x10e: {  	[tilespmem:s4+$0xFFFFFFA0] =	vst v5  }
0x10f: {  	[tilespmem:s4+$0xFFFFFFB0] =	vst v6  }
.LBB2_32:
0x110: {  	(v2sf) =	vpush v4, $0x6;
	_ =	sdelay $0xe  }
0x111: {  	s9 =	spop (v2sf)  }
0x112: {  	p0 =	seq.s32 s9, $0xF423E  }
.Ltmp21:
0x113: {  	_ = 	snop;
	(pc) =	sbr.rel @p0 .LBB2_35-.Ltmp21, $2  }
0x114: {  	_ =	sdelay $0x2  }
0x115: {  	v5 =	vmov v0;
	v6 =	vmov v1  }
0x116: {  	p0 =	sne.s32 s9, $0xF423F  }
.Ltmp22:
0x117: {  	_ = 	snop;
	(pc) =	sbr.rel @p0 .LBB2_36-.Ltmp22, $1  }
0x118: {  	_ =	sdelay $0x3  }
0x119: {  	v5 =	vmov v2;
	v6 =	vmov v3  }
.LBB2_35:
0x11a: {  	[tilespmem:s4+$0xFFFFFFC0] =	vst v5  }
0x11b: {  	[tilespmem:s4+$0xFFFFFFD0] =	vst v6  }
.LBB2_36:
0x11c: {  	(v2sf) =	vpush v4, $0x7;
	_ =	sdelay $0xe  }
0x11d: {  	s9 =	spop (v2sf)  }
0x11e: {  	p0 =	seq.s32 s9, $0xF423E  }
.Ltmp23:
0x11f: {  	_ = 	snop;
	(pc) =	sbr.rel @p0 .LBB2_39-.Ltmp23, $2  }
0x120: {  	_ =	sdelay $0x2  }
0x121: {  	v5 =	vmov v0;
	v6 =	vmov v1  }
0x122: {  	p0 =	sne.s32 s9, $0xF423F  }
.Ltmp24:
0x123: {  	_ = 	snop;
	(pc) =	sbr.rel @p0 .LBB2_40-.Ltmp24, $1  }
0x124: {  	_ =	sdelay $0x3  }
0x125: {  	v5 =	vmov v2;
	v6 =	vmov v3  }
.LBB2_39:
0x126: {  	[tilespmem:s4+$0xFFFFFFE0] =	vst v5  }
0x127: {  	[tilespmem:s4+$0xFFFFFFF0] =	vst v6  }
.LBB2_40:
0x128: {  	(v2sf) =	vpush v4, $0x8;
	_ =	sdelay $0xe  }
0x129: {  	s9 =	spop (v2sf)  }
0x12a: {  	p0 =	seq.s32 s9, $0xF423E  }
.Ltmp25:
0x12b: {  	_ = 	snop;
	(pc) =	sbr.rel @p0 .LBB2_43-.Ltmp25, $2  }
0x12c: {  	_ =	sdelay $0x2  }
0x12d: {  	v5 =	vmov v0;
	v6 =	vmov v1  }
0x12e: {  	p0 =	sne.s32 s9, $0xF423F  }
.Ltmp26:
0x12f: {  	_ = 	snop;
	(pc) =	sbr.rel @p0 .LBB2_44-.Ltmp26, $1  }
0x130: {  	_ =	sdelay $0x3  }
0x131: {  	v5 =	vmov v2;
	v6 =	vmov v3  }
.LBB2_43:
0x132: {  	[tilespmem:s4+$0x0] =	vst v5  }
0x133: {  	[tilespmem:s4+$0x10] =	vst v6  }
.LBB2_44:
0x134: {  	(v2sf) =	vpush v4, $0x9;
	_ =	sdelay $0xe  }
0x135: {  	s9 =	spop (v2sf)  }
0x136: {  	p0 =	seq.s32 s9, $0xF423E  }
.Ltmp27:
0x137: {  	_ = 	snop;
	(pc) =	sbr.rel @p0 .LBB2_47-.Ltmp27, $2  }
0x138: {  	_ =	sdelay $0x2  }
0x139: {  	v5 =	vmov v0;
	v6 =	vmov v1  }
0x13a: {  	p0 =	sne.s32 s9, $0xF423F  }
.Ltmp28:
0x13b: {  	_ = 	snop;
	(pc) =	sbr.rel @p0 .LBB2_48-.Ltmp28, $1  }
0x13c: {  	_ =	sdelay $0x3  }
0x13d: {  	v5 =	vmov v2;
	v6 =	vmov v3  }
.LBB2_47:
0x13e: {  	[tilespmem:s4+$0x20] =	vst v5  }
0x13f: {  	[tilespmem:s4+$0x30] =	vst v6  }
.LBB2_48:
0x140: {  	(v2sf) =	vpush v4, $0xA;
	_ =	sdelay $0xe  }
0x141: {  	s9 =	spop (v2sf)  }
0x142: {  	p0 =	seq.s32 s9, $0xF423E  }
.Ltmp29:
0x143: {  	_ = 	snop;
	(pc) =	sbr.rel @p0 .LBB2_51-.Ltmp29, $2  }
0x144: {  	_ =	sdelay $0x2  }
0x145: {  	v5 =	vmov v0;
	v6 =	vmov v1  }
0x146: {  	p0 =	sne.s32 s9, $0xF423F  }
.Ltmp30:
0x147: {  	_ = 	snop;
	(pc) =	sbr.rel @p0 .LBB2_52-.Ltmp30, $1  }
0x148: {  	_ =	sdelay $0x3  }
0x149: {  	v5 =	vmov v2;
	v6 =	vmov v3  }
.LBB2_51:
0x14a: {  	[tilespmem:s4+$0x40] =	vst v5  }
0x14b: {  	[tilespmem:s4+$0x50] =	vst v6  }
.LBB2_52:
0x14c: {  	(v2sf) =	vpush v4, $0xB;
	_ =	sdelay $0xe  }
0x14d: {  	s9 =	spop (v2sf)  }
0x14e: {  	p0 =	seq.s32 s9, $0xF423E  }
.Ltmp31:
0x14f: {  	_ = 	snop;
	(pc) =	sbr.rel @p0 .LBB2_55-.Ltmp31, $2  }
0x150: {  	_ =	sdelay $0x2  }
0x151: {  	v5 =	vmov v0;
	v6 =	vmov v1  }
0x152: {  	p0 =	sne.s32 s9, $0xF423F  }
.Ltmp32:
0x153: {  	_ = 	snop;
	(pc) =	sbr.rel @p0 .LBB2_56-.Ltmp32, $1  }
0x154: {  	_ =	sdelay $0x3  }
0x155: {  	v5 =	vmov v2;
	v6 =	vmov v3  }
.LBB2_55:
0x156: {  	[tilespmem:s4+$0x60] =	vst v5  }
0x157: {  	[tilespmem:s4+$0x70] =	vst v6  }
.LBB2_56:
0x158: {  	(v2sf) =	vpush v4, $0xC;
	_ =	sdelay $0xe  }
0x159: {  	s9 =	spop (v2sf)  }
0x15a: {  	p0 =	seq.s32 s9, $0xF423E  }
.Ltmp33:
0x15b: {  	_ = 	snop;
	(pc) =	sbr.rel @p0 .LBB2_59-.Ltmp33, $2  }
0x15c: {  	_ =	sdelay $0x2  }
0x15d: {  	v5 =	vmov v0;
	v6 =	vmov v1  }
0x15e: {  	p0 =	sne.s32 s9, $0xF423F  }
.Ltmp34:
0x15f: {  	_ = 	snop;
	(pc) =	sbr.rel @p0 .LBB2_60-.Ltmp34, $1  }
0x160: {  	_ =	sdelay $0x3  }
0x161: {  	v5 =	vmov v2;
	v6 =	vmov v3  }
.LBB2_59:
0x162: {  	[tilespmem:s4+$0x80] =	vst v5  }
0x163: {  	[tilespmem:s4+$0x90] =	vst v6  }
.LBB2_60:
0x164: {  	(v2sf) =	vpush v4, $0xD;
	_ =	sdelay $0xe  }
0x165: {  	s9 =	spop (v2sf)  }
0x166: {  	p0 =	seq.s32 s9, $0xF423E  }
.Ltmp35:
0x167: {  	_ = 	snop;
	(pc) =	sbr.rel @p0 .LBB2_63-.Ltmp35, $2  }
0x168: {  	_ =	sdelay $0x2  }
0x169: {  	v5 =	vmov v0;
	v6 =	vmov v1  }
0x16a: {  	p0 =	sne.s32 s9, $0xF423F  }
.Ltmp36:
0x16b: {  	_ = 	snop;
	(pc) =	sbr.rel @p0 .LBB2_64-.Ltmp36, $1  }
0x16c: {  	_ =	sdelay $0x3  }
0x16d: {  	v5 =	vmov v2;
	v6 =	vmov v3  }
.LBB2_63:
0x16e: {  	[tilespmem:s4+$0xA0] =	vst v5  }
0x16f: {  	[tilespmem:s4+$0xB0] =	vst v6  }
.LBB2_64:
0x170: {  	(v2sf) =	vpush v4, $0xE;
	_ =	sdelay $0xe  }
0x171: {  	s9 =	spop (v2sf)  }
0x172: {  	p0 =	seq.s32 s9, $0xF423E  }
.Ltmp37:
0x173: {  	_ = 	snop;
	(pc) =	sbr.rel @p0 .LBB2_67-.Ltmp37, $2  }
0x174: {  	_ =	sdelay $0x2  }
0x175: {  	v5 =	vmov v0;
	v6 =	vmov v1  }
0x176: {  	p0 =	sne.s32 s9, $0xF423F  }
.Ltmp38:
0x177: {  	_ = 	snop;
	(pc) =	sbr.rel @p0 .LBB2_68-.Ltmp38, $1  }
0x178: {  	_ =	sdelay $0x3  }
0x179: {  	v5 =	vmov v2;
	v6 =	vmov v3  }
.LBB2_67:
0x17a: {  	[tilespmem:s4+$0xC0] =	vst v5  }
0x17b: {  	[tilespmem:s4+$0xD0] =	vst v6  }
.LBB2_68:
0x17c: {  	(v2sf) =	vpush v4, $0xF;
	_ =	sdelay $0xe  }
0x17d: {  	s9 =	spop (v2sf)  }
0x17e: {  	p0 =	seq.s32 s9, $0xF423E  }
.Ltmp39:
0x17f: {  	_ = 	snop;
	(pc) =	sbr.rel @p0 .LBB2_71-.Ltmp39, $2  }
0x180: {  	_ =	sdelay $0x2  }
0x181: {  	v4 =	vmov v0;
	v5 =	vmov v1  }
0x182: {  	p0 =	sne.s32 s9, $0xF423F  }
.Ltmp40:
0x183: {  	_ = 	snop;
	(pc) =	sbr.rel @p0 .LBB2_72-.Ltmp40, $1  }
0x184: {  	_ =	sdelay $0x3  }
.Ltmp41:
0x185: {  	(pc) =	sbr.rel .LBB2_71-.Ltmp41, $2  }
0x186: {  	_ =	sdelay $0x2  }
0x187: {  	v4 =	vmov v2;
	v5 =	vmov v3  }
.LBB2_73:
0x188: {  	p0 =	sgt.s32 s2, s20  }
0x189: {  	s20 =	smov.u32 @p0 s2  }
0x18a: {  	p0 =	sgt.s32 s20, s21  }
0x18b: {  	s21 =	smov.u32 @p0 s20  }
0x18c: {  	p0 =	sgt.s32 s21, s19  }
0x18d: {  	s4 =	rddreg [dreg:$0x1];
	s19 =	smov.u32 @p0 s21  }
0x18e: {  	s9 =	smin.u32 s28, $0x11;
	s21 =	sadd.s32 s11, s26;
	p0 =	sgt.s32 s19, s18  }
0x18f: {  	s24 =	simm.s32 $0x0;
	s2 =	sshll.u32 s21, $0x2;
	s18 =	smov.u32 @p0 s19  }
0x190: {  	s4 =	sadd.s32 s4, s2;
	s2 =	simm.s32 $0x1400;
	p0 =	sgt.s32 s18, s14  }
0x191: {  	[hbm4b:s4+s24] =	stream.linear.scatter [tilespmem:s2], [sflag:$0x3], $0xA000, $0x38;
	[tilespmem:$0x15440] =	vst v63  }
0x192: {  	s9 =	smul.u32 $0x500, s9;
	s14 =	smov.u32 @p0 s18;
	_ =	swait.ge [sflag:s16], $0xA000  }
0x193: {  	p0 =	sgt.s32 s14, s10;
	s26 =	rddreg [dreg:$0x5]  }
0x194: {  	s10 =	smov.u32 @p0 s14;
	s4 =	sadd.s32 s9, s26  }
0x195: {  	[sflag:s16] =	ssyncset.done $0x0;
	p0 =	sgt.s32 s10, s8;
	s4 =	sshrl.u32 s4, $0x3  }
0x196: {  	[sflag:s16] =	ssyncadd.s32 $0xFFFF6000;
	s8 =	smov.u32 @p0 s10;
	s4 =	sadd.s32 s5, s4  }
0x197: {  	[tilespmem:s24], [sflag:$0x5] =	stream.linear.gather [hbm4b:s4+s24], $0x500, $0x38;
	[tilespmem:$0x15440] =	vst v63  }
0x198: {  	p0 =	sgt.s32 s8, s7  }
0x199: {  	_ =	swait.ge [sflag:s13], $0x500;
	s7 =	smov.u32 @p0 s8  }
0x19a: {  	[sflag:s13] =	ssyncset.done $0x0;
	p0 =	sgt.s32 s7, s0  }
0x19b: {  	s28 =	simm.s32 $0x0;
	[sflag:s13] =	ssyncadd.s32 $0xFFFFFB00;
	s0 =	smov.u32 @p0 s7  }
0x19c: {  	v0 =	vld [tilespmem:s28+$0x0];
	p0 =	sgt.s32 s0, s12  }
0x19d: {  	s12 =	smov.u32 @p0 s0  }
0x19e: {  	p0 =	sgt.s32 s12, s1  }
0x19f: {  	s1 =	smov.u32 @p0 s12  }
0x1a0: {  	p0 =	sgt.s32 s1, s31  }
0x1a1: {  	vm1 =	vlt.s32 v0, $0xF423D;
	s31 =	smov.u32 @p0 s1  }
0x1a2: {  	v1 =	vnsel vm1, $0xF423D, v0;
	p0 =	sgt.s32 s31, s30  }
0x1a3: {  	s30 =	smov.u32 @p0 s31  }
0x1a4: {  	p0 =	sgt.s32 s30, s29  }
0x1a5: {  	s29 =	smov.u32 @p0 s30  }
0x1a6: {  	v2 =	vimm.s32 $0x0;
	s4 =	simm.s32 $0x10;
	[tilespmem:s28+$0xA00] =	vst v1;
	p0 =	sgt.s32 s29, s25  }
0x1a7: {  	vm1 =	vgt.s32 v2, v0;
	[tilespmem:s2], [sflag:$0x1] =	stream.indirect_vreg.gather [hbm4b:s6+s3], $0x20, v1, vm0, $0xb8;
	[tilespmem:$0x15440] =	vst v63  }
0x1a8: {  	s0 =	simm.s32 $0x80;
	s25 =	smov.u32 @p0 s29;
	v1 =	vsel vm1, v2, v0;
	v0 =	vld [tilespmem:s4+$0x0]  }
.LBB2_74:
0x1a9: {  	p0 =	sne.s32 s0, $0x13C0;
	_ =	sdelay $0x3  }
0x1aa: {  	vm1 =	vlt.s32 v0, $0xF423D;
	vm2 =	vgt.s32 v1, v0  }
0x1ab: {  	v2 =	vnsel vm1, $0xF423D, v0;
	v1 =	vsel vm2, v1, v0;
	_ =	sdelay $0x1  }
.Ltmp42:
0x1ac: {  	(pc) =	sbr.rel @p0 .LBB2_74-.Ltmp42, $4  }
0x1ad: {  	_ = 	snop  }
0x1ae: {  	s1 =	sshra.s32 s0, $0x2;
	s2 =	sadd.s32 $0x200, s2  }
0x1af: {  	[tilespmem:s4+$0xA00] =	vst v2;
	[tilespmem:s2], [sflag:$0x1] =	stream.indirect_vreg.gather [hbm4b:s6+s3], $0x20, v2, vm0, $0xb8  }
0x1b0: {  	s0 =	sadd.s32 $0x40, s0;
	s4 =	smov.u32 s1;
	v0 =	vld [tilespmem:s1+$0x0]  }
0x1b1: {  	_ =	sdelay $0x3  }
0x1b2: {  	vm1 =	vgt.s32 v1, v0  }
0x1b3: {  	v1 =	vsel vm1, v1, v0  }
0x1b4: {  	(v2sf) =	vpush v1, $0x0  }
0x1b5: {  	(v2sf) =	vpush v1, $0x1  }
0x1b6: {  	(v2sf) =	vpush v1, $0x2  }
0x1b7: {  	(v2sf) =	vpush v1, $0x3  }
0x1b8: {  	(v2sf) =	vpush v1, $0x4  }
0x1b9: {  	(v2sf) =	vpush v1, $0x5  }
0x1ba: {  	(v2sf) =	vpush v1, $0x6  }
0x1bb: {  	(v2sf) =	vpush v1, $0x7  }
0x1bc: {  	vm1 =	vlt.s32 v0, $0xF423D;
	(v2sf) =	vpush v1, $0x8  }
0x1bd: {  	v0 =	vnsel vm1, $0xF423D, v0;
	(v2sf) =	vpush v1, $0x9  }
0x1be: {  	(v2sf) =	vpush v1, $0xA  }
0x1bf: {  	(v2sf) =	vpush v1, $0xB  }
0x1c0: {  	(v2sf) =	vpush v1, $0xC  }
0x1c1: {  	s2 =	sadd.s32 $0x200, s2;
	[tilespmem:s4+$0xA00] =	vst v0;
	(v2sf) =	vpush v1, $0xD  }
0x1c2: {  	[tilespmem:s2], [sflag:$0x1] =	stream.indirect_vreg.gather [hbm4b:s6+s3], $0x20, v0, vm0, $0xb8;
	(v2sf) =	vpush v1, $0xE;
	[tilespmem:$0x15440] =	vst v63  }
0x1c3: {  	s18 =	spop (v2sf);
	(v2sf) =	vpush v1, $0xF  }
0x1c4: {  	s20 =	spop (v2sf)  }
0x1c5: {  	s14 =	spop (v2sf)  }
0x1c6: {  	s19 =	spop (v2sf)  }
0x1c7: {  	s10 =	spop (v2sf)  }
0x1c8: {  	s31 =	spop (v2sf)  }
0x1c9: {  	s30 =	spop (v2sf)  }
0x1ca: {  	s29 =	spop (v2sf)  }
0x1cb: {  	s8 =	spop (v2sf)  }
0x1cc: {  	s7 =	spop (v2sf)  }
0x1cd: {  	s12 =	spop (v2sf)  }
0x1ce: {  	s28 =	spop (v2sf)  }
0x1cf: {  	s0 =	spop (v2sf)  }
0x1d0: {  	p0 =	slt.s32 s25, $0xF423E;
	s1 =	spop (v2sf)  }
.Ltmp43:
0x1d1: {  	s26 =	spop (v2sf);
	(pc) =	sbr.rel @p0 .LBB2_142-.Ltmp43, $4  }
0x1d2: {  	s24 =	spop (v2sf)  }
0x1d3: {  	_ =	swait.ge [sflag:s17], $0xA000  }
0x1d4: {  	[sflag:s17] =	ssyncset.done $0x0  }
0x1d5: {  	[sflag:s17] =	ssyncadd.s32 $0xFFFF6000  }
.Ltmp44:
0x1d6: {  	(pc) =	sbr.rel .LBB2_77-.Ltmp44, $4  }
0x1d7: {  	v0 =	vld [tilespmem:$0x15400]  }
0x1d8: {  	v1 =	vld [tilespmem:$0x15410]  }
0x1d9: {  	v2 =	vld [tilespmem:$0x15420]  }
0x1da: {  	s2 =	simm.s32 $0x500;
	s21 =	simm.s32 $0x0;
	v3 =	vld [tilespmem:$0x15430]  }
.LBB2_140:
0x1db: {  	s4 =	sshra.s32 s21, $0x2  }
0x1dc: {  	[tilespmem:s4+$0xB5E0] =	vst v4  }
0x1dd: {  	[tilespmem:s4+$0xB5F0] =	vst v5  }
.LBB2_141:
0x1de: {  	s21 =	sadd.s32 $0x800, s21  }
0x1df: {  	p0 =	sne.s32 s21, $0x28000  }
.Ltmp45:
0x1e0: {  	_ = 	snop;
	(pc) =	sbr.rel @!p0 .LBB2_142-.Ltmp45, $2  }
0x1e1: {  	_ =	sdelay $0x2  }
0x1e2: {  	s2 =	sadd.s32 $0x10, s2  }
.LBB2_77:
0x1e3: {  	v4 =	vld [tilespmem:s2+$0x0];
	_ =	sdelay $0x4  }
0x1e4: {  	(v2sf) =	vpush v4, $0x0;
	_ =	sdelay $0xe  }
0x1e5: {  	s4 =	spop (v2sf)  }
0x1e6: {  	p0 =	seq.s32 s4, $0xF423E  }
.Ltmp46:
0x1e7: {  	_ = 	snop;
	(pc) =	sbr.rel @p0 .LBB2_80-.Ltmp46, $2  }
0x1e8: {  	_ =	sdelay $0x2  }
0x1e9: {  	v5 =	vmov v0;
	v6 =	vmov v1  }
0x1ea: {  	p0 =	sne.s32 s4, $0xF423F  }
.Ltmp47:
0x1eb: {  	_ = 	snop;
	(pc) =	sbr.rel @p0 .LBB2_81-.Ltmp47, $1  }
0x1ec: {  	_ =	sdelay $0x3  }
0x1ed: {  	v5 =	vmov v2;
	v6 =	vmov v3  }
.LBB2_80:
0x1ee: {  	s4 =	sshra.s32 s21, $0x2  }
0x1ef: {  	[tilespmem:s4+$0xB400] =	vst v5  }
0x1f0: {  	[tilespmem:s4+$0xB410] =	vst v6  }
.LBB2_81:
0x1f1: {  	(v2sf) =	vpush v4, $0x1;
	_ =	sdelay $0xe  }
0x1f2: {  	s4 =	spop (v2sf)  }
0x1f3: {  	p0 =	seq.s32 s4, $0xF423E  }
.Ltmp48:
0x1f4: {  	_ = 	snop;
	(pc) =	sbr.rel @p0 .LBB2_84-.Ltmp48, $2  }
0x1f5: {  	_ =	sdelay $0x2  }
0x1f6: {  	v5 =	vmov v0;
	v6 =	vmov v1  }
0x1f7: {  	p0 =	sne.s32 s4, $0xF423F  }
.Ltmp49:
0x1f8: {  	_ = 	snop;
	(pc) =	sbr.rel @p0 .LBB2_85-.Ltmp49, $1  }
0x1f9: {  	_ =	sdelay $0x3  }
0x1fa: {  	v5 =	vmov v2;
	v6 =	vmov v3  }
.LBB2_84:
0x1fb: {  	s4 =	sshra.s32 s21, $0x2  }
0x1fc: {  	[tilespmem:s4+$0xB420] =	vst v5  }
0x1fd: {  	[tilespmem:s4+$0xB430] =	vst v6  }
.LBB2_85:
0x1fe: {  	(v2sf) =	vpush v4, $0x2;
	_ =	sdelay $0xe  }
0x1ff: {  	s4 =	spop (v2sf)  }
0x200: {  	p0 =	seq.s32 s4, $0xF423E  }
.Ltmp50:
0x201: {  	_ = 	snop;
	(pc) =	sbr.rel @p0 .LBB2_88-.Ltmp50, $2  }
0x202: {  	_ =	sdelay $0x2  }
0x203: {  	v5 =	vmov v0;
	v6 =	vmov v1  }
0x204: {  	p0 =	sne.s32 s4, $0xF423F  }
.Ltmp51:
0x205: {  	_ = 	snop;
	(pc) =	sbr.rel @p0 .LBB2_89-.Ltmp51, $1  }
0x206: {  	_ =	sdelay $0x3  }
0x207: {  	v5 =	vmov v2;
	v6 =	vmov v3  }
.LBB2_88:
0x208: {  	s4 =	sshra.s32 s21, $0x2  }
0x209: {  	[tilespmem:s4+$0xB440] =	vst v5  }
0x20a: {  	[tilespmem:s4+$0xB450] =	vst v6  }
.LBB2_89:
0x20b: {  	(v2sf) =	vpush v4, $0x3;
	_ =	sdelay $0xe  }
0x20c: {  	s4 =	spop (v2sf)  }
0x20d: {  	p0 =	seq.s32 s4, $0xF423E  }
.Ltmp52:
0x20e: {  	_ = 	snop;
	(pc) =	sbr.rel @p0 .LBB2_92-.Ltmp52, $2  }
0x20f: {  	_ =	sdelay $0x2  }
0x210: {  	v5 =	vmov v0;
	v6 =	vmov v1  }
0x211: {  	p0 =	sne.s32 s4, $0xF423F  }
.Ltmp53:
0x212: {  	_ = 	snop;
	(pc) =	sbr.rel @p0 .LBB2_93-.Ltmp53, $1  }
0x213: {  	_ =	sdelay $0x3  }
0x214: {  	v5 =	vmov v2;
	v6 =	vmov v3  }
.LBB2_92:
0x215: {  	s4 =	sshra.s32 s21, $0x2  }
0x216: {  	[tilespmem:s4+$0xB460] =	vst v5  }
0x217: {  	[tilespmem:s4+$0xB470] =	vst v6  }
.LBB2_93:
0x218: {  	(v2sf) =	vpush v4, $0x4;
	_ =	sdelay $0xe  }
0x219: {  	s4 =	spop (v2sf)  }
0x21a: {  	p0 =	seq.s32 s4, $0xF423E  }
.Ltmp54:
0x21b: {  	_ = 	snop;
	(pc) =	sbr.rel @p0 .LBB2_96-.Ltmp54, $2  }
0x21c: {  	_ =	sdelay $0x2  }
0x21d: {  	v5 =	vmov v0;
	v6 =	vmov v1  }
0x21e: {  	p0 =	sne.s32 s4, $0xF423F  }
.Ltmp55:
0x21f: {  	_ = 	snop;
	(pc) =	sbr.rel @p0 .LBB2_97-.Ltmp55, $1  }
0x220: {  	_ =	sdelay $0x3  }
0x221: {  	v5 =	vmov v2;
	v6 =	vmov v3  }
.LBB2_96:
0x222: {  	s4 =	sshra.s32 s21, $0x2  }
0x223: {  	[tilespmem:s4+$0xB480] =	vst v5  }
0x224: {  	[tilespmem:s4+$0xB490] =	vst v6  }
.LBB2_97:
0x225: {  	(v2sf) =	vpush v4, $0x5;
	_ =	sdelay $0xe  }
0x226: {  	s4 =	spop (v2sf)  }
0x227: {  	p0 =	seq.s32 s4, $0xF423E  }
.Ltmp56:
0x228: {  	_ = 	snop;
	(pc) =	sbr.rel @p0 .LBB2_100-.Ltmp56, $2  }
0x229: {  	_ =	sdelay $0x2  }
0x22a: {  	v5 =	vmov v0;
	v6 =	vmov v1  }
0x22b: {  	p0 =	sne.s32 s4, $0xF423F  }
.Ltmp57:
0x22c: {  	_ = 	snop;
	(pc) =	sbr.rel @p0 .LBB2_101-.Ltmp57, $1  }
0x22d: {  	_ =	sdelay $0x3  }
0x22e: {  	v5 =	vmov v2;
	v6 =	vmov v3  }
.LBB2_100:
0x22f: {  	s4 =	sshra.s32 s21, $0x2  }
0x230: {  	[tilespmem:s4+$0xB4A0] =	vst v5  }
0x231: {  	[tilespmem:s4+$0xB4B0] =	vst v6  }
.LBB2_101:
0x232: {  	(v2sf) =	vpush v4, $0x6;
	_ =	sdelay $0xe  }
0x233: {  	s4 =	spop (v2sf)  }
0x234: {  	p0 =	seq.s32 s4, $0xF423E  }
.Ltmp58:
0x235: {  	_ = 	snop;
	(pc) =	sbr.rel @p0 .LBB2_104-.Ltmp58, $2  }
0x236: {  	_ =	sdelay $0x2  }
0x237: {  	v5 =	vmov v0;
	v6 =	vmov v1  }
0x238: {  	p0 =	sne.s32 s4, $0xF423F  }
.Ltmp59:
0x239: {  	_ = 	snop;
	(pc) =	sbr.rel @p0 .LBB2_105-.Ltmp59, $1  }
0x23a: {  	_ =	sdelay $0x3  }
0x23b: {  	v5 =	vmov v2;
	v6 =	vmov v3  }
.LBB2_104:
0x23c: {  	s4 =	sshra.s32 s21, $0x2  }
0x23d: {  	[tilespmem:s4+$0xB4C0] =	vst v5  }
0x23e: {  	[tilespmem:s4+$0xB4D0] =	vst v6  }
.LBB2_105:
0x23f: {  	(v2sf) =	vpush v4, $0x7;
	_ =	sdelay $0xe  }
0x240: {  	s4 =	spop (v2sf)  }
0x241: {  	p0 =	seq.s32 s4, $0xF423E  }
.Ltmp60:
0x242: {  	_ = 	snop;
	(pc) =	sbr.rel @p0 .LBB2_108-.Ltmp60, $2  }
0x243: {  	_ =	sdelay $0x2  }
0x244: {  	v5 =	vmov v0;
	v6 =	vmov v1  }
0x245: {  	p0 =	sne.s32 s4, $0xF423F  }
.Ltmp61:
0x246: {  	_ = 	snop;
	(pc) =	sbr.rel @p0 .LBB2_109-.Ltmp61, $1  }
0x247: {  	_ =	sdelay $0x3  }
0x248: {  	v5 =	vmov v2;
	v6 =	vmov v3  }
.LBB2_108:
0x249: {  	s4 =	sshra.s32 s21, $0x2  }
0x24a: {  	[tilespmem:s4+$0xB4E0] =	vst v5  }
0x24b: {  	[tilespmem:s4+$0xB4F0] =	vst v6  }
.LBB2_109:
0x24c: {  	(v2sf) =	vpush v4, $0x8;
	_ =	sdelay $0xe  }
0x24d: {  	s4 =	spop (v2sf)  }
0x24e: {  	p0 =	seq.s32 s4, $0xF423E  }
.Ltmp62:
0x24f: {  	_ = 	snop;
	(pc) =	sbr.rel @p0 .LBB2_112-.Ltmp62, $2  }
0x250: {  	_ =	sdelay $0x2  }
0x251: {  	v5 =	vmov v0;
	v6 =	vmov v1  }
0x252: {  	p0 =	sne.s32 s4, $0xF423F  }
.Ltmp63:
0x253: {  	_ = 	snop;
	(pc) =	sbr.rel @p0 .LBB2_113-.Ltmp63, $1  }
0x254: {  	_ =	sdelay $0x3  }
0x255: {  	v5 =	vmov v2;
	v6 =	vmov v3  }
.LBB2_112:
0x256: {  	s4 =	sshra.s32 s21, $0x2  }
0x257: {  	[tilespmem:s4+$0xB500] =	vst v5  }
0x258: {  	[tilespmem:s4+$0xB510] =	vst v6  }
.LBB2_113:
0x259: {  	(v2sf) =	vpush v4, $0x9;
	_ =	sdelay $0xe  }
0x25a: {  	s4 =	spop (v2sf)  }
0x25b: {  	p0 =	seq.s32 s4, $0xF423E  }
.Ltmp64:
0x25c: {  	_ = 	snop;
	(pc) =	sbr.rel @p0 .LBB2_116-.Ltmp64, $2  }
0x25d: {  	_ =	sdelay $0x2  }
0x25e: {  	v5 =	vmov v0;
	v6 =	vmov v1  }
0x25f: {  	p0 =	sne.s32 s4, $0xF423F  }
.Ltmp65:
0x260: {  	_ = 	snop;
	(pc) =	sbr.rel @p0 .LBB2_117-.Ltmp65, $1  }
0x261: {  	_ =	sdelay $0x3  }
0x262: {  	v5 =	vmov v2;
	v6 =	vmov v3  }
.LBB2_116:
0x263: {  	s4 =	sshra.s32 s21, $0x2  }
0x264: {  	[tilespmem:s4+$0xB520] =	vst v5  }
0x265: {  	[tilespmem:s4+$0xB530] =	vst v6  }
.LBB2_117:
0x266: {  	(v2sf) =	vpush v4, $0xA;
	_ =	sdelay $0xe  }
0x267: {  	s4 =	spop (v2sf)  }
0x268: {  	p0 =	seq.s32 s4, $0xF423E  }
.Ltmp66:
0x269: {  	_ = 	snop;
	(pc) =	sbr.rel @p0 .LBB2_120-.Ltmp66, $2  }
0x26a: {  	_ =	sdelay $0x2  }
0x26b: {  	v5 =	vmov v0;
	v6 =	vmov v1  }
0x26c: {  	p0 =	sne.s32 s4, $0xF423F  }
.Ltmp67:
0x26d: {  	_ = 	snop;
	(pc) =	sbr.rel @p0 .LBB2_121-.Ltmp67, $1  }
0x26e: {  	_ =	sdelay $0x3  }
0x26f: {  	v5 =	vmov v2;
	v6 =	vmov v3  }
.LBB2_120:
0x270: {  	s4 =	sshra.s32 s21, $0x2  }
0x271: {  	[tilespmem:s4+$0xB540] =	vst v5  }
0x272: {  	[tilespmem:s4+$0xB550] =	vst v6  }
.LBB2_121:
0x273: {  	(v2sf) =	vpush v4, $0xB;
	_ =	sdelay $0xe  }
0x274: {  	s4 =	spop (v2sf)  }
0x275: {  	p0 =	seq.s32 s4, $0xF423E  }
.Ltmp68:
0x276: {  	_ = 	snop;
	(pc) =	sbr.rel @p0 .LBB2_124-.Ltmp68, $2  }
0x277: {  	_ =	sdelay $0x2  }
0x278: {  	v5 =	vmov v0;
	v6 =	vmov v1  }
0x279: {  	p0 =	sne.s32 s4, $0xF423F  }
.Ltmp69:
0x27a: {  	_ = 	snop;
	(pc) =	sbr.rel @p0 .LBB2_125-.Ltmp69, $1  }
0x27b: {  	_ =	sdelay $0x3  }
0x27c: {  	v5 =	vmov v2;
	v6 =	vmov v3  }
.LBB2_124:
0x27d: {  	s4 =	sshra.s32 s21, $0x2  }
0x27e: {  	[tilespmem:s4+$0xB560] =	vst v5  }
0x27f: {  	[tilespmem:s4+$0xB570] =	vst v6  }
.LBB2_125:
0x280: {  	(v2sf) =	vpush v4, $0xC;
	_ =	sdelay $0xe  }
0x281: {  	s4 =	spop (v2sf)  }
0x282: {  	p0 =	seq.s32 s4, $0xF423E  }
.Ltmp70:
0x283: {  	_ = 	snop;
	(pc) =	sbr.rel @p0 .LBB2_128-.Ltmp70, $2  }
0x284: {  	_ =	sdelay $0x2  }
0x285: {  	v5 =	vmov v0;
	v6 =	vmov v1  }
0x286: {  	p0 =	sne.s32 s4, $0xF423F  }
.Ltmp71:
0x287: {  	_ = 	snop;
	(pc) =	sbr.rel @p0 .LBB2_129-.Ltmp71, $1  }
0x288: {  	_ =	sdelay $0x3  }
0x289: {  	v5 =	vmov v2;
	v6 =	vmov v3  }
.LBB2_128:
0x28a: {  	s4 =	sshra.s32 s21, $0x2  }
0x28b: {  	[tilespmem:s4+$0xB580] =	vst v5  }
0x28c: {  	[tilespmem:s4+$0xB590] =	vst v6  }
.LBB2_129:
0x28d: {  	(v2sf) =	vpush v4, $0xD;
	_ =	sdelay $0xe  }
0x28e: {  	s4 =	spop (v2sf)  }
0x28f: {  	p0 =	seq.s32 s4, $0xF423E  }
.Ltmp72:
0x290: {  	_ = 	snop;
	(pc) =	sbr.rel @p0 .LBB2_132-.Ltmp72, $2  }
0x291: {  	_ =	sdelay $0x2  }
0x292: {  	v5 =	vmov v0;
	v6 =	vmov v1  }
0x293: {  	p0 =	sne.s32 s4, $0xF423F  }
.Ltmp73:
0x294: {  	_ = 	snop;
	(pc) =	sbr.rel @p0 .LBB2_133-.Ltmp73, $1  }
0x295: {  	_ =	sdelay $0x3  }
0x296: {  	v5 =	vmov v2;
	v6 =	vmov v3  }
.LBB2_132:
0x297: {  	s4 =	sshra.s32 s21, $0x2  }
0x298: {  	[tilespmem:s4+$0xB5A0] =	vst v5  }
0x299: {  	[tilespmem:s4+$0xB5B0] =	vst v6  }
.LBB2_133:
0x29a: {  	(v2sf) =	vpush v4, $0xE;
	_ =	sdelay $0xe  }
0x29b: {  	s4 =	spop (v2sf)  }
0x29c: {  	p0 =	seq.s32 s4, $0xF423E  }
.Ltmp74:
0x29d: {  	_ = 	snop;
	(pc) =	sbr.rel @p0 .LBB2_136-.Ltmp74, $2  }
0x29e: {  	_ =	sdelay $0x2  }
0x29f: {  	v5 =	vmov v0;
	v6 =	vmov v1  }
0x2a0: {  	p0 =	sne.s32 s4, $0xF423F  }
.Ltmp75:
0x2a1: {  	_ = 	snop;
	(pc) =	sbr.rel @p0 .LBB2_137-.Ltmp75, $1  }
0x2a2: {  	_ =	sdelay $0x3  }
0x2a3: {  	v5 =	vmov v2;
	v6 =	vmov v3  }
.LBB2_136:
0x2a4: {  	s4 =	sshra.s32 s21, $0x2  }
0x2a5: {  	[tilespmem:s4+$0xB5C0] =	vst v5  }
0x2a6: {  	[tilespmem:s4+$0xB5D0] =	vst v6  }
.LBB2_137:
0x2a7: {  	(v2sf) =	vpush v4, $0xF;
	_ =	sdelay $0xe  }
0x2a8: {  	s4 =	spop (v2sf)  }
0x2a9: {  	p0 =	seq.s32 s4, $0xF423E  }
.Ltmp76:
0x2aa: {  	_ = 	snop;
	(pc) =	sbr.rel @p0 .LBB2_140-.Ltmp76, $2  }
0x2ab: {  	_ =	sdelay $0x2  }
0x2ac: {  	v4 =	vmov v0;
	v5 =	vmov v1  }
0x2ad: {  	p0 =	sne.s32 s4, $0xF423F  }
.Ltmp77:
0x2ae: {  	_ = 	snop;
	(pc) =	sbr.rel @p0 .LBB2_141-.Ltmp77, $1  }
0x2af: {  	_ =	sdelay $0x3  }
.Ltmp78:
0x2b0: {  	(pc) =	sbr.rel .LBB2_140-.Ltmp78, $2  }
0x2b1: {  	_ =	sdelay $0x2  }
0x2b2: {  	v4 =	vmov v2;
	v5 =	vmov v3  }
.LBB2_144:
0x2b3: {  	_ =	sfence.sel $0x180000  }
0x2b4: {  	[bflag:$0x0] =	sbarrier.arrive $0xFFFF  }
0x2b5: {  	_ =	strace $0x90000047  }
0x2b6: {  	s0 =	stileid.u32;
	[bflag:$0x2] =	sbarrier.arrive $0xFFFF  }
0x2b7: {  	p0 =	sne.s32 s0, $0x0;
	s0 =	rddreg [dreg:$0x2]  }
0x2b8: {  	s0 =	sadd.s32 @!p0 $0x100000, s0  }
0x2b9: {  	[sflag:s0] =	ssyncadd.tile.s32 @!p0 $0x1;
	_ =	shalt  }
.Lfunc_end2:
_tile_overlayer_lowered:
.L_overlay_start_2:
0x2ba: {  	(tag) =	ssettag $0x2  }
0x2bb: {  	s0 =	rddreg [dreg:$0x0];
	s2 =	stileid.u32  }
0x2bc: {  	s1 =	rddreg [dreg:$0x1];
	p0 =	sne.s32 s2, $0x0  }
0x2bd: {  	s3 =	rddreg [dreg:$0x2];
	[bflag:$0x3] =	sbarrier.arrive $0xFFFF;
	s2 =	simm.s32 @!p0 $0x1C05  }
0x2be: {  	[timem:s3], [sflag:s2] =	dma.local @!p0 [hbm:s0], s1  }
0x2bf: {  	s0 =	simm.s32 @!p0 $0x5  }
0x2c0: {  	_ =	swait.ge @!p0 [sflag:s0], s1  }
0x2c1: {  	s1 =	ssub.s32 @!p0 $0x0, s1;
	[sflag:s0] =	ssyncset.done @!p0 $0x0  }
0x2c2: {  	[sflag:s0] =	ssyncadd.s32 @!p0 s1  }
0x2c3: {  	[bflag:$0x3] =	sbarrier.arrive $0xFFFF  }
0x2c4: {  	_ =	shalt  }

// kernel: sparse-core-data-format-call.cloned.1.call-start
scs
called_computation_lowered:
.L_overlay_start_0:
0x0: {  	s2 =	sld [smem:$0x3FD9]  }
0x1: {  	s3 =	sld [smem:$0x3FFE];
	_ =	sdelay $0x1  }
0x2: {  	s1 =	srdreg.scid  }
0x3: {  	s0 =	sand.u32 $0x1, s1  }
0x4: {  	s18 =	sshll.u32 s0, $0xA;
	s2 =	sadd.s32 s3, s2  }
0x5: {  	s2 =	sadd.s32 s2, s18  }
0x6: {  	[smem:$0x3FC5] =	sst s2  }
0x7: {  	_ = 	snop  }
0x8: {  	s2 =	sld [smem:$0x3FD0];
	(tm) =	ssettm $0x1  }
0x9: {  	s19 =	sld [smem:$0x3FFB];
	_ =	sdelay $0x3  }
0xa: {  	_ =	strace s19  }
0xb: {  	s3 =	sld [smem:$0x3FFC];
	_ =	sdelay $0x3  }
0xc: {  	_ =	strace s3  }
0xd: {  	s3 =	sld [smem:$0x3FFD];
	_ =	sdelay $0x3  }
0xe: {  	_ =	strace s3  }
0xf: {  	_ =	strace $0x8FFFFFFF  }
0x10: {  	s20 =	sld [smem:$0x3FDB];
	_ =	sdelay $0x1  }
0x11: {  	s4 =	simm.s32 $_scs_section_size  }
0x12: {  	s5 =	simm.s32 $_size__tile_overlayer_lowered;
	s6 =	simm.s32 $_tile_overlayer_lowered  }
0x13: {  	s23 =	simm.s32 $0x1BFF;
	s22 =	sshll.u32 s6, $0x1;
	s3 =	sadd.s32 s4, s20  }
0x14: {  	s7 =	simm.s32 $0x0;
	s21 =	sshll.u32 s5, $0x1;
	s5 =	sadd.s32 s22, s3  }
0x15: {  	[timem:s7], [sflag:s23] =	dma.local [hbm:s5], s21  }
0x16: {  	_ =	swait.ge [sflag:s23], s21  }
0x17: {  	s4 =	ssub.s32 $0x0, s21;
	[sflag:s23] =	ssyncset.done $0x0  }
0x18: {  	[sflag:s23] =	ssyncadd.s32 s4;
	_ =	sdelay $0x1  }
0x19: {  	s24 =	simm.s32 $0x1B8B  }
0x1a: {  	_ =	swait.ge [sflag:s24], $0x1  }
0x1b: {  	[sflag:s24] =	ssyncset.done $0x0  }
0x1c: {  	s26 =	simm.s32 $0x1B8E;
	s25 =	sld [smem:$0x3FFE];
	[sflag:s24] =	ssyncadd.s32 $0xFFFFFFFF  }
0x1d: {  	s27 =	simm.s32 $execute0_lowered;
	[smem:$0x3FD2] =	sst s26  }
0x1e: {  	s5 =	sshll.u32 s27, $0x1;
	_ =	strace $0x80000049;
	[dreg:$0x1] =	wrdreg $0xFFFFFFFF  }
0x1f: {  	s28 =	simm.s32 $_size_execute0_lowered;
	s3 =	sadd.s32 s3, s5;
	[dreg:$0x0] =	wrdreg $0x0  }
0x20: {  	s5 =	sshll.u32 s28, $0x1;
	[dreg:$0x2] =	wrdreg s3  }
0x21: {  	[dreg:$0x3] =	wrdreg s5  }
0x22: {  	[dreg:$0x4] =	wrdreg $0xC0  }
0x23: {  	_ =	task [dreg:s7], $0x5FFFF  }
0x24: {  	[dreg:$0x1] =	wrdreg $0xFFFFFFFF  }
0x25: {  	[dreg:$0x0] =	wrdreg $0x60  }
0x26: {  	[dreg:$0x2] =	wrdreg s25  }
0x27: {  	[dreg:$0x3] =	wrdreg s2  }
0x28: {  	[dreg:$0x4] =	wrdreg $0x9  }
0x29: {  	_ =	task.clear_ibuf [dreg:s7], $0x5FFFF;
	_ =	strace $0x90000049  }
0x2a: {  	s29 =	simm.s32 $0x9;
	_ =	strace $0x8000004B  }
0x2b: {  	_ =	swait.ge [sflag:s29], $0x1  }
0x2c: {  	[sflag:s29] =	ssyncadd.s32 $0xFFFFFFFF  }
0x2d: {  	_ =	strace $0x9000004B  }
0x2e: {  	_ =	sfence  }
0x2f: {  	s30 =	sld [smem:$0x0];
	_ =	sdelay $0x2  }
0x30: {  	s31 =	sshll.u32 s1, $0xD;
	s1 =	sshrl.u32 s1, $0x2  }
0x31: {  	s3 =	sand.u32 $0x4000, s31;
	s1 =	sadd.s32 s1, s30  }
0x32: {  	s0 =	sor.u32 s3, s0;
	s1 =	sshll.u32 s1, $0x11  }
0x33: {  	s0 =	sor.u32 s1, s0  }
0x34: {  	s0 =	sadd.s32 $0x8F2B, s0  }
0x35: {  	[sflag:s0] =	ssyncadd.remote.s32 $0x1  }
0x36: {  	_ =	sfence.sel $0xFFFF  }
0x37: {  	[dreg:$0x0] =	wrdreg $0xFFFFFFFF;
	(pc) =	sbr.abs _section_cstart, $3  }
0x38: {  	[dreg:$0x1] =	wrdreg $0xFFFFFFFF  }
0x39: {  	_ =	task.clear_ibuf [dreg:s7], $0x2FFFF;
	_ =	strace $0x9FFFFFFF  }
0x3a: {  	(tm) =	ssettm $0x7FFFFFFF  }
0x3b: {  	_ =	shalt  }
tec
execute0_lowered:
.L_overlay_start_1:
0x0: {  	(tag) =	ssettag $0x1  }
0x1: {  	s0 =	srdreg.scid  }
0x2: {  	s1 =	sshll.u32 s0, $0x4  }
0x3: {  	s0 =	stileid.u32;
	s1 =	sand.u32 $0x10, s1  }
0x4: {  	s1 =	sor.u32 s0, s1  }
0x5: {  	s6 =	rddreg [dreg:$0x0];
	s4 =	simm.s32 $0x1;
	s2 =	sshll.u32 s1, $0x7  }
0x6: {  	s7 =	simm.s32 $0x2;
	s12 =	simm.s32 $0x0;
	s1 =	ssub.s32 $0x1000, s2  }
0x7: {  	s8 =	simm.s32 $0x8000;
	s13 =	simm.s32 $0x0;
	s3 =	sand.u32 $0xF80, s1  }
0x8: {  	s9 =	simm.s32 $0x0;
	s5 =	sshrl.u32 s1, $0xC;
	p0 =	sne.s32 s3, $0x0  }
.Ltmp0:
0x9: {  	s1 =	rddreg [dreg:$0x2];
	s4 =	simm.s32 @!p0 $0x0;
	(pc) =	sbr.rel .LBB1_1-.Ltmp0, $4  }
0xa: {  	s11 =	simm.s32 $0x0;
	s3 =	rddreg [dreg:$0x1];
	s5 =	sadd.s32 s4, s5  }
0xb: {  	_ =	strace $0x8000004A;
	s4 =	simm.s32 $0x1;
	s5 =	smul.u32 $0xC8, s5  }
0xc: {  	s6 =	sadd.s32 $0xC00, s6;
	s10 =	smov.u32 s2;
	[sflag:s4] =	ssyncpa.u1 $0x0  }
0xd: {  	p0 =	por $0x0, $0x0;
	[sflag:s7] =	ssyncpa.u1 $0x0;
	s7 =	sor.u32 $0x1, s5  }
.LBB1_4:
0xe: {  	s16 =	sshll.u32 s13, $0x3;
	s17 =	sand.u32 $0x78, s13  }
0xf: {  	s30 =	sand.u32 $0x3E00, s13;
	s12 =	sshll.u32 s12, $0xE;
	s16 =	sand.u32 $0xC00, s16  }
0x10: {  	s31 =	sand.u32 $0x7, s13;
	s16 =	sor.u32 s17, s16;
	s17 =	sadd.s32 s3, s30  }
0x11: {  	s13 =	sshll.u32 s31, $0x12;
	s16 =	sshrl.u32 s16, $0x3;
	s12 =	sadd.s32 s12, s17  }
0x12: {  	[tilespmem:s15+$0x0 ss:$0x81] =	vst.msk $0xffff, v0;
	s13 =	sor.u32 $0x400, s13;
	s12 =	sadd.s32 s16, s12  }
0x13: {  	[hbm4b:s12+s13] =	stream.strided.scatter [tilespmem:s14], [sflag:$0x2], $0x1000, s8, s13, $0x20;
	[tilespmem:$0x4040] =	vst v63  }
.LBB1_5:
0x14: {  	s14 =	sadd.s32 $0x1, s9  }
0x15: {  	s12 =	sadd.s32 $0x1000, s10;
	s16 =	smov.u32 s10;
	p2 =	sgt.s32 s14, $0xC7  }
0x16: {  	s16 =	smov.u32 @p2 s12  }
0x17: {  	s14 =	simm.s32 @p2 $0x0;
	p2 =	sgt.s32 s16, $0xFFF  }
0x18: {  	s16 =	smov.u32 @p2 s2;
	p2 =	sne.s32 s11, s7  }
.Ltmp1:
0x19: {  	p1 =	slt.u32 s11, $0x2;
	(pc) =	sbr.rel @!p2 .LBB1_6-.Ltmp1, $4  }
0x1a: {  	s15 =	simm.s32 @!p1 $0x2  }
0x1b: {  	s13 =	smov.u32 s10;
	p0 =	por !p0, !p0;
	_ =	swait.ge @!p1 [sflag:s15], $0x1000  }
0x1c: {  	s12 =	smov.u32 s9;
	[sflag:s15] =	ssyncset.done @!p1 $0x0;
	s9 =	smov.u32 s14  }
0x1d: {  	s11 =	sadd.s32 $0x1, s11;
	[sflag:s15] =	ssyncadd.s32 @!p1 $0xFFFFF000;
	s10 =	smov.u32 s16  }
.LBB1_1:
0x1e: {  	p1 =	sge.u32 s11, s5  }
0x1f: {  	s14 =	sand.u32 @!p1 $0x1FFFFFF, s9  }
0x20: {  	s15 =	smulhi.u32 @!p1 $0x147AE15, s14;
	_ =	sdelay $0x1  }
0x21: {  	s15 =	smul.u32 @!p1 $0xC8, s15  }
0x22: {  	s16 =	sxor.u32 @!p1 $0xFFFFFFFF, s11;
	s17 =	smul.u32 @!p1 $0xC80, s10  }
0x23: {  	s31 =	sadd.s32 $0xFFFFFFFF, s11;
	s16 =	sshll.u32 @!p1 s16, $0xC;
	s14 =	ssub.s32 @!p1 s14, s15  }
0x24: {  	s15 =	sand.u32 @!p1 $0x1000, s16;
	s16 =	sadd.s32 @!p1 s6, s17;
	s14 =	sshll.u32 @!p1 s14, $0x4  }
0x25: {  	s17 =	simm.s32 @!p1 $0x6400;
	s14 =	sadd.s32 @!p1 s14, s16;
	s16 =	simm.s32 @!p1 $0x20  }
0x26: {  	[tilespmem:s15], [sflag:$0x1] =	stream.strided.gather @!p1 [hbm4b:s14+s16], $0x1000, s17, s16, $0x38;
	[tilespmem:$0x4040] =	vst v63  }
0x27: {  	p1 =	sge.u32 s31, s5  }
.Ltmp2:
0x28: {  	_ = 	snop;
	(pc) =	sbr.rel @p1 .LBB1_5-.Ltmp2, $1  }
0x29: {  	_ =	sdelay $0x3  }
0x2a: {  	s14 =	simm.s32 $0x1  }
0x2b: {  	_ =	swait.ge [sflag:s4], $0x1000;
	s14 =	simm.s32 @!p0 $0x0  }
0x2c: {  	[sflag:s4] =	ssyncset.done $0x0;
	s15 =	sshll.u32 s14, $0xC  }
0x2d: {  	[sflag:s4] =	ssyncadd.s32 $0xFFFFF000;
	s18 =	sor.u32 $0x10, s15  }
0x2e: {  	s14 =	smul.u32 $0x4080, s14;
	v1 =	vld [tilespmem:s18+$0x0]  }
0x2f: {  	s30 =	sand.u32 $0x1, s11;
	v0 =	vld [tilespmem:s18+$0xFFFFFFF0]  }
0x30: {  	s15 =	smul.u32 $0x4080, s30;
	s14 =	sshrl.u32 s14, $0x2  }
0x31: {  	s16 =	sor.u32 $0x2000, s14  }
0x32: {  	s31 =	sshrl.u32 s15, $0x2;
	s15 =	sadd.s32 $0x0, s16  }
0x33: {  	s17 =	simm.s32 $0x4;
	s18 =	sadd.s32 $0x20, s18;
	s14 =	sor.u32 $0x2000, s31;
	[tilespmem:s15+$0x810 ss:$0x81] =	vst.msk $0xffff, v1  }
.LBB1_3:
0x34: {  	v1 =	vld [tilespmem:s18+$0x0];
	p1 =	sne.s32 s17, $0x1FC;
	[tilespmem:s15+$0x0 ss:$0x81] =	vst.msk $0xffff, v0;
	s15 =	smov.u32 s17;
	s17 =	sadd.s32 $0x4, s17  }
.Ltmp3:
0x35: {  	v0 =	vld [tilespmem:s18+$0xFFFFFFF0];
	(pc) =	sbr.rel @p1 .LBB1_3-.Ltmp3, $4  }
0x36: {  	_ = 	snop  }
0x37: {  	s15 =	sshra.s32 s15, $0x2  }
0x38: {  	s15 =	sadd.s32 s15, s16  }
0x39: {  	s18 =	sadd.s32 $0x20, s18;
	[tilespmem:s15+$0x810 ss:$0x81] =	vst.msk $0xffff, v1  }
.Ltmp4:
0x3a: {  	_ = 	snop;
	(pc) =	sbr.rel .LBB1_4-.Ltmp4, $1  }
0x3b: {  	_ =	sdelay $0x3  }
.LBB1_6:
0x3c: {  	_ =	sfence.sel $0x180000  }
0x3d: {  	s2 =	simm.s32 $0x1;
	[bflag:$0x0] =	sbarrier.arrive $0xFFFF  }
0x3e: {  	s31 =	simm.s32 $0x2;
	[sflag:s2] =	ssyncpa.u1 $0x1  }
0x3f: {  	[sflag:s31] =	ssyncpa.u1 $0x1  }
0x40: {  	p0 =	sne.s32 s0, $0x0;
	_ =	strace $0x9000004A  }
0x41: {  	s0 =	sadd.s32 @!p0 $0x100000, s1;
	[bflag:$0x2] =	sbarrier.arrive $0xFFFF  }
0x42: {  	[sflag:s0] =	ssyncadd.tile.s32 @!p0 $0x1;
	_ =	shalt  }
.Lfunc_end1:
_tile_overlayer_lowered:
.L_overlay_start_2:
0x43: {  	(tag) =	ssettag $0x2  }
0x44: {  	s0 =	rddreg [dreg:$0x0];
	s2 =	stileid.u32  }
0x45: {  	s1 =	rddreg [dreg:$0x1];
	p0 =	sne.s32 s2, $0x0  }
0x46: {  	s3 =	rddreg [dreg:$0x2];
	[bflag:$0x3] =	sbarrier.arrive $0xFFFF;
	s2 =	simm.s32 @!p0 $0x1C01  }
0x47: {  	[timem:s3], [sflag:s2] =	dma.local @!p0 [hbm:s0], s1  }
0x48: {  	s0 =	simm.s32 @!p0 $0x1  }
0x49: {  	_ =	swait.ge @!p0 [sflag:s0], s1  }
0x4a: {  	s1 =	ssub.s32 @!p0 $0x0, s1;
	[sflag:s0] =	ssyncset.done @!p0 $0x0  }
0x4b: {  	[sflag:s0] =	ssyncadd.s32 @!p0 s1  }
0x4c: {  	[bflag:$0x3] =	sbarrier.arrive $0xFFFF  }
0x4d: {  	_ =	shalt  }

</sc_bundles>
